<compile_context>
chip_gen: v7x
topology: tpu7x:2x2x1
jax: 0.10.2.dev20260603
libtpu: 0.0.44.dev20260713+nightly
codegen_flags: <defaults>
</compile_context>

<pallas_src>
import functools

import jax
import jax.numpy as jnp
from jax import lax
from jax.experimental import pallas as pl
from jax.experimental.pallas import tpu as pltpu
from jax.experimental.pallas import tpu_sc as plsc

_B = 8
_NR = 1024
_N = _B * _NR
_K = 16
_KS = 16
_FN = 8
_HID = 256
_NC = 40
_RT = 4
_RW = _NR // _RT
_PP = 16
_F3P = 32


def _knn_body(pos_ref, idx_ref):
    r = pl.program_id(1)
    b = pl.program_id(0)
    p = pos_ref[0]
    prow = pos_ref[0, pl.ds(r * _RW, _RW), :]
    q = p * p
    ones = jnp.ones((1, 3), dtype=jnp.float32)
    sq_col = lax.dot_general(ones, q, (((1,), (1,)), ((), ())),
                             preferred_element_type=jnp.float32)
    sq_row = jnp.sum(prow * prow, axis=1, keepdims=True)
    dots = lax.dot_general(prow, p, (((1,), (1,)), ((), ())),
                           preferred_element_type=jnp.float32)
    d2 = sq_row + sq_col - 2.0 * dots

    bits = lax.bitcast_convert_type(d2, jnp.int32)
    mono = jnp.where(bits >= 0, bits, ~bits)
    col = lax.broadcasted_iota(jnp.int32, (_RW, _NR), 1)
    keys = (mono & jnp.int32(-1024)) | col

    sentinel = jnp.int32(2**31 - 1)
    rowid = lax.broadcasted_iota(jnp.int32, (_RW, _NR), 0) + r * _RW
    keys = jnp.where(col == rowid, sentinel, keys)
    lo = keys[:, : _NR // 2]
    hi = keys[:, _NR // 2:]
    pmin = jnp.minimum(lo, hi)
    pmax = jnp.maximum(lo, hi)
    idx_cols = []
    for j in range(_K):
        m = jnp.min(pmin, axis=1, keepdims=True)
        idx_cols.append((m & jnp.int32(1023)) + b * _NR)
        if j < _K - 1:
            hit = pmin == m
            pmin = jnp.where(hit, pmax, pmin)
            pmax = jnp.where(hit, sentinel, pmax)
    idx_ref[0] = jnp.swapaxes(jnp.concatenate(idx_cols, axis=1), 0, 1)


def _spline_body(nbr_ref, pos_ref, kpos_ref, wspl_ref, outa_ref, outb_ref):
    f32 = jnp.float32
    posf = pos_ref[0]
    kpos = kpos_ref[...]
    wspl = wspl_ref[...]
    R = lax.broadcasted_iota(jnp.int32, (128, 128), 0)
    CI = lax.broadcasted_iota(jnp.int32, (128, 128), 1)
    gm = (R // _PP) == (CI // _PP)
    rm = R % _PP
    cm = CI % _PP
    jj = lax.broadcasted_iota(jnp.int32, (_KS, 128), 0)
    cc = lax.broadcasted_iota(jnp.int32, (_KS, 128), 1)
    t16 = (cc % _PP == jj).astype(f32)
    kposT = jnp.swapaxes(kpos, 0, 1)
    ktile = lax.dot_general(kposT, t16, (((1,), (0,)), ((), ())),
                            preferred_element_type=f32)
    kpsqrep = jnp.sum(ktile * ktile, axis=0, keepdims=True)
    bdk = jnp.zeros((128, 128), f32)
    for l in range(3):
        bdk = bdk + jnp.where(gm & (rm == l), ktile[l:l + 1, :], 0.0)
    bdsum = (gm & (rm < 3)).astype(f32)
    t16t = jnp.swapaxes(t16, 0, 1)
    wtile = lax.dot_general(t16t, wspl, (((1,), (0,)), ((), ())),
                            preferred_element_type=f32)
    bdw = jnp.zeros((128, 128), f32)
    for f in range(_FN):
        bdw = bdw + jnp.where(gm & (cm == f), wtile[:, f:f + 1], 0.0)
    ea = (gm & (rm == cm // 3)).astype(f32)
    da = (gm & (rm == cm % 3)).astype(f32)
    eb = (gm & (cm < 8) & (rm == (cm + _PP) // 3)).astype(f32)
    db = (gm & (cm < 8) & (rm == (cm + _PP) % 3)).astype(f32)
    psm = (gm & (rm < 3) & (cm == 8 + rm)).astype(f32)

    posrep = jnp.concatenate([posf] * _K, axis=0)
    rel = nbr_ref[0] - posrep
    rkrep = lax.dot_general(rel, bdk, (((1,), (0,)), ((), ())),
                            preferred_element_type=f32)
    r2rep = lax.dot_general(rel * rel, bdsum, (((1,), (0,)), ((), ())),
                            preferred_element_type=f32)
    basis = jnp.exp(-(r2rep - 2.0 * rkrep + kpsqrep))
    featrep = lax.dot_general(basis, bdw, (((1,), (0,)), ((), ())),
                              preferred_element_type=f32)
    invrep = 1.0 / (jnp.sqrt(r2rep) + 1e-8)
    dirn = rel * invrep
    contribA = (lax.dot_general(featrep, ea, (((1,), (0,)), ((), ())),
                                preferred_element_type=f32)
                * lax.dot_general(dirn, da, (((1,), (0,)), ((), ())),
                                  preferred_element_type=f32))
    contribB = (lax.dot_general(featrep, eb, (((1,), (0,)), ((), ())),
                                preferred_element_type=f32)
                * lax.dot_general(dirn, db, (((1,), (0,)), ((), ())),
                                  preferred_element_type=f32))
    accA = jnp.zeros((128, 128), f32)
    accB = jnp.zeros((128, 128), f32)
    for k in range(_K):
        accA = accA + contribA[k * 128:(k + 1) * 128]
        accB = accB + contribB[k * 128:(k + 1) * 128]
    outa_ref[0] = jax.nn.sigmoid(accA / _K)
    sigb = jnp.where(cm < 8, jax.nn.sigmoid(accB / _K), 0.0)
    outb_ref[0] = sigb + lax.dot_general(
        posf, psm, (((1,), (0,)), ((), ())), preferred_element_type=f32)


def _dd_head_body(nf_ref, p32_ref, w1c_ref, b1_ref, w2_ref, b2_ref,
                  wn1_ref, bn1_ref, wn2_ref, bn2_ref, out_ref):
    w1c = w1c_ref[...]
    b1 = b1_ref[...]
    w2 = w2_ref[...]
    b2 = b2_ref[...]
    p32f = p32_ref[0]
    accs = [jnp.zeros((_NR // 4, _HID), jnp.float32) for _ in range(4)]
    for k in range(_K):
        fatk = nf_ref[0, pl.ds(k * (_NR // 4), _NR // 4), :]
        xk = fatk - p32f
        hh = lax.dot_general(xk, w1c, (((1,), (0,)), ((), ())),
                             preferred_element_type=jnp.float32)
        for si in range(4):
            hs = jnp.maximum(hh[:, si * _HID:(si + 1) * _HID] + b1, 0.0)
            hs = lax.dot_general(hs, w2, (((1,), (0,)), ((), ())),
                                 preferred_element_type=jnp.float32)
            hs = jnp.maximum(hs + b2, 0.0)
            accs[si] = jnp.maximum(accs[si], hs)
    tot = accs[0] + 0.0
    tot = jnp.sum(accs[0], axis=0, keepdims=True)
    for si in range(1, 4):
        tot = tot + jnp.sum(accs[si], axis=0, keepdims=True)
    ys = tot / _NR
    y1 = lax.dot_general(ys, wn1_ref[...], (((1,), (0,)), ((), ())),
                         preferred_element_type=jnp.float32) + bn1_ref[...]
    y1 = jnp.where(y1 > 0, y1, jnp.exp(jnp.minimum(y1, 0.0)) - 1.0)
    y2 = lax.dot_general(y1, wn2_ref[...], (((1,), (0,)), ((), ())),
                         preferred_element_type=jnp.float32) + bn2_ref[...]
    m = jnp.max(y2, axis=1, keepdims=True)
    lse = jnp.log(jnp.sum(jnp.exp(y2 - m), axis=1, keepdims=True)) + m
    out_ref[0] = y2 - lse


@functools.cache
def _sc_gather(width, dtype_name, chunk):
    dtype = jnp.dtype(dtype_name)
    info = plsc.get_sparse_core_info()
    nw = info.num_cores * info.num_subcores
    per_w = (_N * _K) // nw

    def body(idx_hbm, table_hbm, out_hbm, idx_v, rows_v, sem):
        wid = lax.axis_index("s") * info.num_cores + lax.axis_index("c")
        for c in range(per_w // chunk):
            base = wid * per_w + c * chunk
            pltpu.sync_copy(idx_hbm.at[pl.ds(base, chunk)], idx_v)
            pltpu.async_copy(table_hbm.at[idx_v], rows_v, sem).wait()
            pltpu.sync_copy(rows_v, out_hbm.at[pl.ds(base, chunk)])

    return pl.kernel(
        body,
        out_type=jax.ShapeDtypeStruct((_N * _K, width), dtype),
        mesh=plsc.VectorSubcoreMesh(core_axis_name="c", subcore_axis_name="s"),
        scratch_types=[
            pltpu.VMEM((chunk,), jnp.int32),
            pltpu.VMEM((chunk, width), dtype),
            pltpu.SemaphoreType.DMA,
        ],
        compiler_params=pltpu.CompilerParams(use_tc_tiling_on_sc=False),
    )


def kernel(pos, batch, edge_index, kernel_pos, W_spline, W1, b1, W2, b2,
           Wn1, bn1, Wn2, bn2):
    del batch, edge_index
    pos3 = pos.reshape(_B, _NR, 3)
    idx = pl.pallas_call(
        _knn_body,
        grid=(_B, _RT),
        in_specs=[pl.BlockSpec((1, _NR, 3), lambda b, r: (b, 0, 0))],
        out_specs=pl.BlockSpec((1, _K, _RW), lambda b, r: (b, 0, r)),
        out_shape=jax.ShapeDtypeStruct((_B, _K, _NR), jnp.int32),
    )(pos3)

    pos_pad = jnp.concatenate(
        [pos, jnp.zeros((_N, _PP - 3), jnp.float32)], axis=1)
    nbr = _sc_gather(_PP, "float32", 4096)(idx.reshape(_N * _K), pos_pad)

    outa, outb = pl.pallas_call(
        _spline_body,
        grid=(_B,),
        in_specs=[
            pl.BlockSpec((1, _K * _NR // 8, 128), lambda b: (b, 0, 0)),
            pl.BlockSpec((1, _NR // 8, 128), lambda b: (b, 0, 0)),
            pl.BlockSpec((_KS, 3), lambda b: (0, 0)),
            pl.BlockSpec((_KS, _FN), lambda b: (0, 0)),
        ],
        out_specs=[
            pl.BlockSpec((1, _NR // 8, 128), lambda b: (b, 0, 0)),
            pl.BlockSpec((1, _NR // 8, 128), lambda b: (b, 0, 0)),
        ],
        out_shape=[
            jax.ShapeDtypeStruct((_B, _NR // 8, 128), jnp.float32),
            jax.ShapeDtypeStruct((_B, _NR // 8, 128), jnp.float32),
        ],
    )(nbr.reshape(_B, _K * _NR // 8, 128),
      pos_pad.reshape(_B, _NR // 8, 128), kernel_pos, W_spline)

    table = jnp.concatenate(
        [outa.reshape(_N, _PP), outb.reshape(_N, _PP)], axis=1)
    nf = _sc_gather(_F3P, "float32", 2048)(idx.reshape(_N * _K), table)

    w1f = jnp.concatenate(
        [W1, jnp.zeros((_F3P - _FN * 3 - 3, _HID), jnp.float32)], axis=0)
    w1c = jnp.zeros((128, 4 * _HID), jnp.float32)
    for si in range(4):
        w1c = w1c.at[_F3P * si:_F3P * (si + 1),
                     _HID * si:_HID * (si + 1)].set(w1f)
    p32 = jnp.concatenate(
        [jnp.zeros((_N, _FN * 3), jnp.float32), pos,
         jnp.zeros((_N, _F3P - _FN * 3 - 3), jnp.float32)], axis=1)

    out = pl.pallas_call(
        _dd_head_body,
        grid=(_B,),
        in_specs=[
            pl.BlockSpec((1, _K * _NR // 4, 128), lambda b: (b, 0, 0)),
            pl.BlockSpec((1, _NR // 4, 128), lambda b: (b, 0, 0)),
            pl.BlockSpec((128, 4 * _HID), lambda b: (0, 0)),
            pl.BlockSpec((1, _HID), lambda b: (0, 0)),
            pl.BlockSpec((_HID, _HID), lambda b: (0, 0)),
            pl.BlockSpec((1, _HID), lambda b: (0, 0)),
            pl.BlockSpec((_HID, _HID), lambda b: (0, 0)),
            pl.BlockSpec((1, _HID), lambda b: (0, 0)),
            pl.BlockSpec((_HID, _NC), lambda b: (0, 0)),
            pl.BlockSpec((1, _NC), lambda b: (0, 0)),
        ],
        out_specs=pl.BlockSpec((1, 1, _NC), lambda b: (b, 0, 0)),
        out_shape=jax.ShapeDtypeStruct((_B, 1, _NC), jnp.float32),
    )(nf.reshape(_B, _K * _NR // 4, 128), p32.reshape(_B, _NR // 4, 128),
      w1c, b1.reshape(1, _HID), W2, b2.reshape(1, _HID), Wn1,
      bn1.reshape(1, _HID), Wn2, bn2.reshape(1, _NC))
    return out.reshape(_B, _NC)

# --- scband reference (transcript-rebuilt; emitter-appended) ---
"""Pipeline reference for scband-sample-net-dd-55731495633215 (READ-ONLY COPY).

The authoritative reference and input builder live on the scoring server;
editing this copy changes nothing except your own understanding.
"""

import jax, jax.numpy as jnp
import numpy as np

B = 8
NR_POINTS = 1024
N = B * NR_POINTS
K = 16
FILTER_NR = 8
KERNEL_SIZE = 16
NR_CLASSES = 40
HID = 256


def setup_inputs(seed: int = 0) -> dict:
    key = jax.random.key(seed)
    ks = jax.random.split(key, 12)
    pos = jax.random.normal(ks[0], (N, 3), dtype=jnp.float32)
    batch = jnp.repeat(jnp.arange(B, dtype=jnp.int32), NR_POINTS)
    edge_index = jax.random.randint(ks[1], (2, N * K), 0, N, dtype=jnp.int32)
    kernel_pos = jax.random.normal(ks[2], (KERNEL_SIZE, 3), dtype=jnp.float32)
    W_spline = jax.random.normal(ks[3], (KERNEL_SIZE, FILTER_NR), dtype=jnp.float32) * 0.1
    W1 = jax.random.normal(ks[4], (FILTER_NR * 3 + 3, HID), dtype=jnp.float32) * 0.1
    b1 = jnp.zeros((HID,), dtype=jnp.float32)
    W2 = jax.random.normal(ks[5], (HID, HID), dtype=jnp.float32) * 0.05
    b2 = jnp.zeros((HID,), dtype=jnp.float32)
    Wn1 = jax.random.normal(ks[6], (HID, HID), dtype=jnp.float32) * 0.05
    bn1 = jnp.zeros((HID,), dtype=jnp.float32)
    Wn2 = jax.random.normal(ks[7], (HID, NR_CLASSES), dtype=jnp.float32) * 0.05
    bn2 = jnp.zeros((NR_CLASSES,), dtype=jnp.float32)
    return {"pos": pos, "batch": batch, "edge_index": edge_index,
            "kernel_pos": kernel_pos, "W_spline": W_spline,
            "W1": W1, "b1": b1, "W2": W2, "b2": b2,
            "Wn1": Wn1, "bn1": bn1, "Wn2": Wn2, "bn2": bn2}


def _knn_graph(pos):
    # knn_graph(pos, k, batch, loop=False): equal-size clouds -> per-cloud pairwise knn
    p = pos.reshape(B, NR_POINTS, 3)
    sq = jnp.sum(p * p, axis=-1)
    d2 = sq[:, :, None] + sq[:, None, :] - 2.0 * jnp.einsum('bpd,bqd->bpq', p, p)
    _, idx = jax.lax.top_k(-d2, K + 1)
    idx = idx[:, :, 1:]  # drop self (loop=False)
    offs = (jnp.arange(B) * NR_POINTS)[:, None, None]
    return (idx + offs).reshape(N, K)


def reference(pos, batch, edge_index, kernel_pos, W_spline, W1, b1, W2, b2, Wn1, bn1, Wn2, bn2):
    nbr_idx = _knn_graph(pos)                      # [N, K] global neighbor indices
    nbr = pos[nbr_idx]                             # gather neighbor positions [N, K, 3]
    rel = nbr - pos[:, None, :]                    # relative offsets
    # DirectionalSplineConv3D: RBF spline basis on offsets -> directional features
    diff = rel[:, :, None, :] - kernel_pos[None, None, :, :]
    basis = jnp.exp(-jnp.sum(diff * diff, axis=-1))            # [N, K, KERNEL_SIZE]
    feat = jnp.einsum('nks,sf->nkf', basis, W_spline)          # [N, K, FILTER_NR]
    dirn = rel / (jnp.linalg.norm(rel, axis=-1, keepdims=True) + 1e-8)
    f3d = jnp.mean(feat[:, :, :, None] * dirn[:, :, None, :], axis=1).reshape(N, FILTER_NR * 3)
    f3d = jax.nn.sigmoid(f3d)
    # DirectionalDense: gather neighbor features, concat rel pos, shared MLP, max over k
    nf = f3d[nbr_idx]                                          # [N, K, FILTER_NR*3]
    mlp_in = jnp.concatenate([nf, rel], axis=-1)               # [N, K, FILTER_NR*3+3]
    h = jax.nn.relu(jnp.einsum('nkc,ch->nkh', mlp_in, W1) + b1)
    h = jax.nn.relu(jnp.einsum('nkh,hj->nkj', h, W2) + b2)
    features_dd = jnp.max(h, axis=1)                           # [N, 256]
    ys = features_dd.reshape(B, NR_POINTS, HID).mean(axis=1)   # [B, 256]
    y1 = jax.nn.elu(ys @ Wn1 + bn1)
    y2 = y1 @ Wn2 + bn2
    return jax.nn.log_softmax(y2, axis=1)

if __name__ == "__main__":
    import jax
    _d = setup_inputs()
    print(jax.jit(kernel)(*tuple(_d.values())))

</pallas_src>

<mosaic_0001>
#map = affine_map<(d0, d1) -> (0)>
#map1 = affine_map<(d0, d1) -> (0, 0)>
module attributes {stable_mosaic.version = 14 : i64} {
  func.func @body(%arg0: i32, %arg1: i32, %arg2: memref<131072xi32, #tpu.memory_space<hbm>>, %arg3: memref<8192x16xf32, #tpu.memory_space<hbm>>, %arg4: memref<131072x16xf32, #tpu.memory_space<hbm>>, %arg5: memref<4096xi32, #tpu.memory_space<vmem>>, %arg6: memref<4096x16xf32, #tpu.memory_space<vmem>>, %arg7: memref<!tpu.dma_semaphore, #tpu.memory_space<semaphore_mem>>) attributes {dimension_semantics = [#tpu.dimension_semantics<core_parallel>, #tpu.dimension_semantics<subcore_parallel>], iteration_bounds = array<i64: 2, 16>, scalar_prefetch = 0 : i64, scratch_operands = 3 : i64, tpu.core_type = #tpu.core_type<sc_vector_subcore>, window_params = [{transform_indices = #map}, {transform_indices = #map1}, {transform_indices = #map1}]} {
    %mul3A = arith.constant 2 : i32
    %mul3A_0 = arith.muli %arg1, %mul3A : i32
    %add3A = arith.addi %mul3A_0, %arg0 : i32
    %mul3A_1 = arith.constant 4096 : i32
    %mul3A_2 = arith.muli %add3A, %mul3A_1 : i32
    %add3A_3 = arith.constant 0 : i32
    %add3A_4 = arith.addi %mul3A_2, %add3A_3 : i32
    "tpu.region"() ({
      %run_scoped3A = tpu.sem_alloc : memref<!tpu.dma_semaphore, #tpu.memory_space<semaphore_mem>>
      %dma_start3A_9 = tpu.memref_slice %arg2[%add3A_4] : memref<131072xi32, #tpu.memory_space<hbm>> -> memref<4096xi32, #tpu.memory_space<hbm>>
      %dma_start3A_10 = tpu.memref_slice %arg2[%add3A_4] : memref<131072xi32, #tpu.memory_space<hbm>> -> memref<4096xi32, #tpu.memory_space<hbm>>
      tpu.enqueue_dma source(%dma_start3A_10 : memref<4096xi32, #tpu.memory_space<hbm>>) target(%arg5 : memref<4096xi32, #tpu.memory_space<vmem>>) target_semaphore(%run_scoped3A : memref<!tpu.dma_semaphore, #tpu.memory_space<semaphore_mem>>)
      %dma_wait3A_11 = tpu.memref_slice %arg2[%add3A_4] : memref<131072xi32, #tpu.memory_space<hbm>> -> memref<4096xi32, #tpu.memory_space<hbm>>
      %dma_wait3A_12 = tpu.memref_slice %arg2[%add3A_4] : memref<131072xi32, #tpu.memory_space<hbm>> -> memref<4096xi32, #tpu.memory_space<hbm>>
      tpu.wait_dma2 semaphore(%run_scoped3A : memref<!tpu.dma_semaphore, #tpu.memory_space<semaphore_mem>>) src(%dma_wait3A_12 : memref<4096xi32, #tpu.memory_space<hbm>>) dst(%arg5 : memref<4096xi32, #tpu.memory_space<vmem>>)
      tpu.yield
    }) : () -> ()
    %dma_start3A = arith.constant 0 : i32
    %dma_start3A_5 = arith.constant 0 : i32
    %dma_start3A_6 = tpu.memref_slice %arg3[%dma_start3A, %dma_start3A_5] : memref<8192x16xf32, #tpu.memory_space<hbm>> -> memref<8192x16xf32, #tpu.memory_space<hbm>>
    tpu.enqueue_indirect_dma source(%dma_start3A_6 : memref<8192x16xf32, #tpu.memory_space<hbm>>) target(%arg6 : memref<4096x16xf32, #tpu.memory_space<vmem>>) offsets(%arg5 : memref<4096xi32, #tpu.memory_space<vmem>>) semaphore(%arg7 : memref<!tpu.dma_semaphore, #tpu.memory_space<semaphore_mem>>)
    %dma_wait3A = arith.constant 0 : i32
    %dma_wait3A_7 = arith.constant 0 : i32
    %dma_wait3A_8 = tpu.memref_slice %arg3[%dma_wait3A, %dma_wait3A_7] : memref<8192x16xf32, #tpu.memory_space<hbm>> -> memref<8192x16xf32, #tpu.memory_space<hbm>>
    tpu.wait_indirect_dma semaphore(%arg7 : memref<!tpu.dma_semaphore, #tpu.memory_space<semaphore_mem>>) src(%dma_wait3A_8 : memref<8192x16xf32, #tpu.memory_space<hbm>>) dst(%arg6 : memref<4096x16xf32, #tpu.memory_space<vmem>>)
    "tpu.region"() ({
      %run_scoped3A = tpu.sem_alloc : memref<!tpu.dma_semaphore, #tpu.memory_space<semaphore_mem>>
      %dma_start3A_9 = arith.constant 0 : i32
      %dma_start3A_10 = tpu.memref_slice %arg4[%add3A_4, %dma_start3A_9] : memref<131072x16xf32, #tpu.memory_space<hbm>> -> memref<4096x16xf32, #tpu.memory_space<hbm>>
      %dma_start3A_11 = arith.constant 0 : i32
      %dma_start3A_12 = tpu.memref_slice %arg4[%add3A_4, %dma_start3A_11] : memref<131072x16xf32, #tpu.memory_space<hbm>> -> memref<4096x16xf32, #tpu.memory_space<hbm>>
      tpu.enqueue_dma source(%arg6 : memref<4096x16xf32, #tpu.memory_space<vmem>>) target(%dma_start3A_12 : memref<4096x16xf32, #tpu.memory_space<hbm>>) target_semaphore(%run_scoped3A : memref<!tpu.dma_semaphore, #tpu.memory_space<semaphore_mem>>)
      %dma_wait3A_13 = arith.constant 0 : i32
      %dma_wait3A_14 = tpu.memref_slice %arg4[%add3A_4, %dma_wait3A_13] : memref<131072x16xf32, #tpu.memory_space<hbm>> -> memref<4096x16xf32, #tpu.memory_space<hbm>>
      %dma_wait3A_15 = arith.constant 0 : i32
      %dma_wait3A_16 = tpu.memref_slice %arg4[%add3A_4, %dma_wait3A_15] : memref<131072x16xf32, #tpu.memory_space<hbm>> -> memref<4096x16xf32, #tpu.memory_space<hbm>>
      tpu.wait_dma2 semaphore(%run_scoped3A : memref<!tpu.dma_semaphore, #tpu.memory_space<semaphore_mem>>) src(%arg6 : memref<4096x16xf32, #tpu.memory_space<vmem>>) dst(%dma_wait3A_16 : memref<4096x16xf32, #tpu.memory_space<hbm>>)
      tpu.yield
    }) : () -> ()
    return
  }
}

#map = affine_map<(d0, d1) -> (0)>
#map1 = affine_map<(d0, d1) -> (0, 0)>
module attributes {stable_mosaic.version = 14 : i64} {
  func.func @body(%arg0: i32, %arg1: i32, %arg2: memref<131072xi32, #tpu.memory_space<hbm>>, %arg3: memref<8192x32xf32, #tpu.memory_space<hbm>>, %arg4: memref<131072x32xf32, #tpu.memory_space<hbm>>, %arg5: memref<2048xi32, #tpu.memory_space<vmem>>, %arg6: memref<2048x32xf32, #tpu.memory_space<vmem>>, %arg7: memref<!tpu.dma_semaphore, #tpu.memory_space<semaphore_mem>>) attributes {dimension_semantics = [#tpu.dimension_semantics<core_parallel>, #tpu.dimension_semantics<subcore_parallel>], iteration_bounds = array<i64: 2, 16>, scalar_prefetch = 0 : i64, scratch_operands = 3 : i64, tpu.core_type = #tpu.core_type<sc_vector_subcore>, window_params = [{transform_indices = #map}, {transform_indices = #map1}, {transform_indices = #map1}]} {
    %mul3A = arith.constant 2 : i32
    %mul3A_0 = arith.muli %arg1, %mul3A : i32
    %add3A = arith.addi %mul3A_0, %arg0 : i32
    %mul3A_1 = arith.constant 4096 : i32
    %mul3A_2 = arith.muli %add3A, %mul3A_1 : i32
    %add3A_3 = arith.constant 0 : i32
    %add3A_4 = arith.addi %mul3A_2, %add3A_3 : i32
    "tpu.region"() ({
      %run_scoped3A = tpu.sem_alloc : memref<!tpu.dma_semaphore, #tpu.memory_space<semaphore_mem>>
      %dma_start3A_19 = tpu.memref_slice %arg2[%add3A_4] : memref<131072xi32, #tpu.memory_space<hbm>> -> memref<2048xi32, #tpu.memory_space<hbm>>
      %dma_start3A_20 = tpu.memref_slice %arg2[%add3A_4] : memref<131072xi32, #tpu.memory_space<hbm>> -> memref<2048xi32, #tpu.memory_space<hbm>>
      tpu.enqueue_dma source(%dma_start3A_20 : memref<2048xi32, #tpu.memory_space<hbm>>) target(%arg5 : memref<2048xi32, #tpu.memory_space<vmem>>) target_semaphore(%run_scoped3A : memref<!tpu.dma_semaphore, #tpu.memory_space<semaphore_mem>>)
      %dma_wait3A_21 = tpu.memref_slice %arg2[%add3A_4] : memref<131072xi32, #tpu.memory_space<hbm>> -> memref<2048xi32, #tpu.memory_space<hbm>>
      %dma_wait3A_22 = tpu.memref_slice %arg2[%add3A_4] : memref<131072xi32, #tpu.memory_space<hbm>> -> memref<2048xi32, #tpu.memory_space<hbm>>
      tpu.wait_dma2 semaphore(%run_scoped3A : memref<!tpu.dma_semaphore, #tpu.memory_space<semaphore_mem>>) src(%dma_wait3A_22 : memref<2048xi32, #tpu.memory_space<hbm>>) dst(%arg5 : memref<2048xi32, #tpu.memory_space<vmem>>)
      tpu.yield
    }) : () -> ()
    %dma_start3A = arith.constant 0 : i32
    %dma_start3A_5 = arith.constant 0 : i32
    %dma_start3A_6 = tpu.memref_slice %arg3[%dma_start3A, %dma_start3A_5] : memref<8192x32xf32, #tpu.memory_space<hbm>> -> memref<8192x32xf32, #tpu.memory_space<hbm>>
    tpu.enqueue_indirect_dma source(%dma_start3A_6 : memref<8192x32xf32, #tpu.memory_space<hbm>>) target(%arg6 : memref<2048x32xf32, #tpu.memory_space<vmem>>) offsets(%arg5 : memref<2048xi32, #tpu.memory_space<vmem>>) semaphore(%arg7 : memref<!tpu.dma_semaphore, #tpu.memory_space<semaphore_mem>>)
    %dma_wait3A = arith.constant 0 : i32
    %dma_wait3A_7 = arith.constant 0 : i32
    %dma_wait3A_8 = tpu.memref_slice %arg3[%dma_wait3A, %dma_wait3A_7] : memref<8192x32xf32, #tpu.memory_space<hbm>> -> memref<8192x32xf32, #tpu.memory_space<hbm>>
    tpu.wait_indirect_dma semaphore(%arg7 : memref<!tpu.dma_semaphore, #tpu.memory_space<semaphore_mem>>) src(%dma_wait3A_8 : memref<8192x32xf32, #tpu.memory_space<hbm>>) dst(%arg6 : memref<2048x32xf32, #tpu.memory_space<vmem>>)
    "tpu.region"() ({
      %run_scoped3A = tpu.sem_alloc : memref<!tpu.dma_semaphore, #tpu.memory_space<semaphore_mem>>
      %dma_start3A_19 = arith.constant 0 : i32
      %dma_start3A_20 = tpu.memref_slice %arg4[%add3A_4, %dma_start3A_19] : memref<131072x32xf32, #tpu.memory_space<hbm>> -> memref<2048x32xf32, #tpu.memory_space<hbm>>
      %dma_start3A_21 = arith.constant 0 : i32
      %dma_start3A_22 = tpu.memref_slice %arg4[%add3A_4, %dma_start3A_21] : memref<131072x32xf32, #tpu.memory_space<hbm>> -> memref<2048x32xf32, #tpu.memory_space<hbm>>
      tpu.enqueue_dma source(%arg6 : memref<2048x32xf32, #tpu.memory_space<vmem>>) target(%dma_start3A_22 : memref<2048x32xf32, #tpu.memory_space<hbm>>) target_semaphore(%run_scoped3A : memref<!tpu.dma_semaphore, #tpu.memory_space<semaphore_mem>>)
      %dma_wait3A_23 = arith.constant 0 : i32
      %dma_wait3A_24 = tpu.memref_slice %arg4[%add3A_4, %dma_wait3A_23] : memref<131072x32xf32, #tpu.memory_space<hbm>> -> memref<2048x32xf32, #tpu.memory_space<hbm>>
      %dma_wait3A_25 = arith.constant 0 : i32
      %dma_wait3A_26 = tpu.memref_slice %arg4[%add3A_4, %dma_wait3A_25] : memref<131072x32xf32, #tpu.memory_space<hbm>> -> memref<2048x32xf32, #tpu.memory_space<hbm>>
      tpu.wait_dma2 semaphore(%run_scoped3A : memref<!tpu.dma_semaphore, #tpu.memory_space<semaphore_mem>>) src(%arg6 : memref<2048x32xf32, #tpu.memory_space<vmem>>) dst(%dma_wait3A_26 : memref<2048x32xf32, #tpu.memory_space<hbm>>)
      tpu.yield
    }) : () -> ()
    %mul3A_9 = arith.constant 4096 : i32
    %mul3A_10 = arith.muli %add3A, %mul3A_9 : i32
    %add3A_11 = arith.constant 2048 : i32
    %add3A_12 = arith.addi %mul3A_10, %add3A_11 : i32
    "tpu.region"() ({
      %run_scoped3A = tpu.sem_alloc : memref<!tpu.dma_semaphore, #tpu.memory_space<semaphore_mem>>
      %dma_start3A_19 = tpu.memref_slice %arg2[%add3A_12] : memref<131072xi32, #tpu.memory_space<hbm>> -> memref<2048xi32, #tpu.memory_space<hbm>>
      %dma_start3A_20 = tpu.memref_slice %arg2[%add3A_12] : memref<131072xi32, #tpu.memory_space<hbm>> -> memref<2048xi32, #tpu.memory_space<hbm>>
      tpu.enqueue_dma source(%dma_start3A_20 : memref<2048xi32, #tpu.memory_space<hbm>>) target(%arg5 : memref<2048xi32, #tpu.memory_space<vmem>>) target_semaphore(%run_scoped3A : memref<!tpu.dma_semaphore, #tpu.memory_space<semaphore_mem>>)
      %dma_wait3A_21 = tpu.memref_slice %arg2[%add3A_12] : memref<131072xi32, #tpu.memory_space<hbm>> -> memref<2048xi32, #tpu.memory_space<hbm>>
      %dma_wait3A_22 = tpu.memref_slice %arg2[%add3A_12] : memref<131072xi32, #tpu.memory_space<hbm>> -> memref<2048xi32, #tpu.memory_space<hbm>>
      tpu.wait_dma2 semaphore(%run_scoped3A : memref<!tpu.dma_semaphore, #tpu.memory_space<semaphore_mem>>) src(%dma_wait3A_22 : memref<2048xi32, #tpu.memory_space<hbm>>) dst(%arg5 : memref<2048xi32, #tpu.memory_space<vmem>>)
      tpu.yield
    }) : () -> ()
    %dma_start3A_13 = arith.constant 0 : i32
    %dma_start3A_14 = arith.constant 0 : i32
    %dma_start3A_15 = tpu.memref_slice %arg3[%dma_start3A_13, %dma_start3A_14] : memref<8192x32xf32, #tpu.memory_space<hbm>> -> memref<8192x32xf32, #tpu.memory_space<hbm>>
    tpu.enqueue_indirect_dma source(%dma_start3A_15 : memref<8192x32xf32, #tpu.memory_space<hbm>>) target(%arg6 : memref<2048x32xf32, #tpu.memory_space<vmem>>) offsets(%arg5 : memref<2048xi32, #tpu.memory_space<vmem>>) semaphore(%arg7 : memref<!tpu.dma_semaphore, #tpu.memory_space<semaphore_mem>>)
    %dma_wait3A_16 = arith.constant 0 : i32
    %dma_wait3A_17 = arith.constant 0 : i32
    %dma_wait3A_18 = tpu.memref_slice %arg3[%dma_wait3A_16, %dma_wait3A_17] : memref<8192x32xf32, #tpu.memory_space<hbm>> -> memref<8192x32xf32, #tpu.memory_space<hbm>>
    tpu.wait_indirect_dma semaphore(%arg7 : memref<!tpu.dma_semaphore, #tpu.memory_space<semaphore_mem>>) src(%dma_wait3A_18 : memref<8192x32xf32, #tpu.memory_space<hbm>>) dst(%arg6 : memref<2048x32xf32, #tpu.memory_space<vmem>>)
    "tpu.region"() ({
      %run_scoped3A = tpu.sem_alloc : memref<!tpu.dma_semaphore, #tpu.memory_space<semaphore_mem>>
      %dma_start3A_19 = arith.constant 0 : i32
      %dma_start3A_20 = tpu.memref_slice %arg4[%add3A_12, %dma_start3A_19] : memref<131072x32xf32, #tpu.memory_space<hbm>> -> memref<2048x32xf32, #tpu.memory_space<hbm>>
      %dma_start3A_21 = arith.constant 0 : i32
      %dma_start3A_22 = tpu.memref_slice %arg4[%add3A_12, %dma_start3A_21] : memref<131072x32xf32, #tpu.memory_space<hbm>> -> memref<2048x32xf32, #tpu.memory_space<hbm>>
      tpu.enqueue_dma source(%arg6 : memref<2048x32xf32, #tpu.memory_space<vmem>>) target(%dma_start3A_22 : memref<2048x32xf32, #tpu.memory_space<hbm>>) target_semaphore(%run_scoped3A : memref<!tpu.dma_semaphore, #tpu.memory_space<semaphore_mem>>)
      %dma_wait3A_23 = arith.constant 0 : i32
      %dma_wait3A_24 = tpu.memref_slice %arg4[%add3A_12, %dma_wait3A_23] : memref<131072x32xf32, #tpu.memory_space<hbm>> -> memref<2048x32xf32, #tpu.memory_space<hbm>>
      %dma_wait3A_25 = arith.constant 0 : i32
      %dma_wait3A_26 = tpu.memref_slice %arg4[%add3A_12, %dma_wait3A_25] : memref<131072x32xf32, #tpu.memory_space<hbm>> -> memref<2048x32xf32, #tpu.memory_space<hbm>>
      tpu.wait_dma2 semaphore(%run_scoped3A : memref<!tpu.dma_semaphore, #tpu.memory_space<semaphore_mem>>) src(%arg6 : memref<2048x32xf32, #tpu.memory_space<vmem>>) dst(%dma_wait3A_26 : memref<2048x32xf32, #tpu.memory_space<hbm>>)
      tpu.yield
    }) : () -> ()
    return
  }
}

module attributes {stable_mosaic.version = 14 : i64} {
  func.func @_knn_body(%arg0: i32, %arg1: i32, %arg2: memref<1x1024x3xf32, #tpu.memory_space<vmem>>, %arg3: memref<1x16x256xi32, #tpu.memory_space<vmem>>) attributes {dimension_semantics = [#tpu.dimension_semantics<arbitrary>, #tpu.dimension_semantics<arbitrary>], iteration_bounds = array<i64: 8, 4>, scalar_prefetch = 0 : i64, scratch_operands = 0 : i64, tpu.core_type = #tpu.core_type<tc>, window_params = [{transform_indices = @transform_0, window_bounds = array<i64: 1, 1024, 3>}, {transform_indices = @transform_1, window_bounds = array<i64: 1, 16, 256>}]} {
    %get3A = arith.constant 0 : index
    %get3A_0 = arith.constant 0 : index
    %get3A_1 = arith.constant 0 : index
    %get3A_2 = vector.load %arg2[%get3A, %get3A_0, %get3A_1] : memref<1x1024x3xf32, #tpu.memory_space<vmem>>, vector<1x1024x3xf32>
    %get3A_3 = vector.shape_cast %get3A_2 : vector<1x1024x3xf32> to vector<1024x3xf32>
    %mul3A = arith.constant 256 : i32
    %mul3A_4 = arith.muli %arg1, %mul3A : i32
    %get3A_5 = arith.constant 0 : index
    %get3A_6 = arith.index_cast %mul3A_4 : i32 to index
    %get3A_7 = arith.constant 0 : index
    %get3A_8 = vector.load %arg2[%get3A_5, %get3A_6, %get3A_7] : memref<1x1024x3xf32, #tpu.memory_space<vmem>>, vector<1x256x3xf32>
    %get3A_9 = vector.shape_cast %get3A_8 : vector<1x256x3xf32> to vector<256x3xf32>
    %mul3A_10 = arith.mulf %get3A_3, %get3A_3 : vector<1024x3xf32>
    %broadcast_in_dim3A = arith.constant 1.000000e+00 : f32
    %broadcast_in_dim3A_11 = vector.broadcast %broadcast_in_dim3A : f32 to vector<1x3xf32>
    %dot_general3A = arith.constant dense<0.000000e+00> : vector<1x1024xf32>
    %dot_general3A_12 = tpu.matmul %broadcast_in_dim3A_11, %mul3A_10, %dot_general3A {dimension_numbers = #tpu.dot_dimension_numbers<[1], [1], [0], [0], [0, 0, 1, 0], [], []>, transpose_lhs_hint = false} : vector<1x3xf32>, vector<1024x3xf32>, vector<1x1024xf32> -> vector<1x1024xf32>
    %mul3A_13 = arith.mulf %get3A_9, %get3A_9 : vector<256x3xf32>
    %reduce_sum3A = arith.constant dense<0.000000e+00> : vector<256xf32>
    %reduce_sum3A_14 = vector.multi_reduction <add>, %mul3A_13, %reduce_sum3A [1] : vector<256x3xf32> to vector<256xf32>
    %broadcast_in_dim3A_15 = vector.shape_cast %reduce_sum3A_14 : vector<256xf32> to vector<256x1xf32>
    %dot_general3A_16 = arith.constant dense<0.000000e+00> : vector<256x1024xf32>
    %dot_general3A_17 = tpu.matmul %get3A_9, %get3A_3, %dot_general3A_16 {dimension_numbers = #tpu.dot_dimension_numbers<[1], [1], [0], [0], [0, 0, 1, 0], [], []>, transpose_lhs_hint = false} : vector<256x3xf32>, vector<1024x3xf32>, vector<256x1024xf32> -> vector<256x1024xf32>
    %add3A = vector.broadcast %broadcast_in_dim3A_15 : vector<256x1xf32> to vector<256x1024xf32>
    %add3A_18 = vector.broadcast %dot_general3A_12 : vector<1x1024xf32> to vector<256x1024xf32>
    %add3A_19 = arith.addf %add3A, %add3A_18 : vector<256x1024xf32>
    %mul3A_20 = arith.constant 2.000000e+00 : f32
    %mul3A_21 = vector.broadcast %mul3A_20 : f32 to vector<256x1024xf32>
    %mul3A_22 = arith.mulf %mul3A_21, %dot_general3A_17 : vector<256x1024xf32>
    %sub3A = arith.subf %add3A_19, %mul3A_22 : vector<256x1024xf32>
    %bitcast_convert_type3A = tpu.bitcast %sub3A : vector<256x1024xf32> -> vector<256x1024xi32>
    %ge3A = arith.constant 0 : i32
    %ge3A_23 = vector.broadcast %ge3A : i32 to vector<256x1024xi32>
    %ge3A_24 = arith.cmpi sge, %bitcast_convert_type3A, %ge3A_23 : vector<256x1024xi32>
    %not3A = arith.constant dense<-1> : vector<256x1024xi32>
    %not3A_25 = arith.xori %bitcast_convert_type3A, %not3A : vector<256x1024xi32>
    %select_n3A = arith.select %ge3A_24, %bitcast_convert_type3A, %not3A_25 : vector<256x1024xi1>, vector<256x1024xi32>
    %iota3A = tpu.iota {dimensions = array<i32: 1>} : vector<256x1024xi32>
    %and3A = arith.constant -1024 : i32
    %and3A_26 = vector.broadcast %and3A : i32 to vector<256x1024xi32>
    %and3A_27 = arith.andi %select_n3A, %and3A_26 : vector<256x1024xi32>
    %or3A = arith.ori %and3A_27, %iota3A : vector<256x1024xi32>
    %iota3A_28 = tpu.iota {dimensions = array<i32: 0>} : vector<256x1024xi32>
    %mul3A_29 = arith.constant 256 : i32
    %mul3A_30 = arith.muli %arg1, %mul3A_29 : i32
    %add3A_31 = vector.broadcast %mul3A_30 : i32 to vector<256x1024xi32>
    %add3A_32 = arith.addi %iota3A_28, %add3A_31 : vector<256x1024xi32>
    %eq3A = arith.cmpi eq, %iota3A, %add3A_32 : vector<256x1024xi32>
    %jit3A = arith.constant 2147483647 : i32
    %broadcast_in_dim3A_33 = vector.broadcast %jit3A : i32 to vector<256x1024xi32>
    %select_n3A_34 = arith.select %eq3A, %broadcast_in_dim3A_33, %or3A : vector<256x1024xi1>, vector<256x1024xi32>
    %slice3A = vector.extract_strided_slice %select_n3A_34 {offsets = [0, 0], sizes = [256, 512], strides = [1, 1]} : vector<256x1024xi32> to vector<256x512xi32>
    %slice3A_35 = vector.extract_strided_slice %select_n3A_34 {offsets = [0, 512], sizes = [256, 512], strides = [1, 1]} : vector<256x1024xi32> to vector<256x512xi32>
    %min3A = arith.minsi %slice3A, %slice3A_35 : vector<256x512xi32>
    %max3A = arith.maxsi %slice3A, %slice3A_35 : vector<256x512xi32>
    %reduce_min3A = arith.constant dense<2147483647> : vector<256xi32>
    %reduce_min3A_36 = vector.multi_reduction <minsi>, %min3A, %reduce_min3A [1] : vector<256x512xi32> to vector<256xi32>
    %broadcast_in_dim3A_37 = vector.shape_cast %reduce_min3A_36 : vector<256xi32> to vector<256x1xi32>
    %and3A_38 = arith.constant 1023 : i32
    %and3A_39 = vector.broadcast %and3A_38 : i32 to vector<256x1xi32>
    %and3A_40 = arith.andi %broadcast_in_dim3A_37, %and3A_39 : vector<256x1xi32>
    %mul3A_41 = arith.constant 1024 : i32
    %mul3A_42 = arith.muli %arg0, %mul3A_41 : i32
    %add3A_43 = vector.broadcast %mul3A_42 : i32 to vector<256x1xi32>
    %add3A_44 = arith.addi %and3A_40, %add3A_43 : vector<256x1xi32>
    %eq3A_45 = vector.broadcast %broadcast_in_dim3A_37 : vector<256x1xi32> to vector<256x512xi32>
    %eq3A_46 = arith.cmpi eq, %min3A, %eq3A_45 : vector<256x512xi32>
    %select_n3A_47 = arith.select %eq3A_46, %max3A, %min3A : vector<256x512xi1>, vector<256x512xi32>
    %jit3A_48 = arith.constant 2147483647 : i32
    %broadcast_in_dim3A_49 = vector.broadcast %jit3A_48 : i32 to vector<256x512xi32>
    %select_n3A_50 = arith.select %eq3A_46, %broadcast_in_dim3A_49, %max3A : vector<256x512xi1>, vector<256x512xi32>
    %reduce_min3A_51 = arith.constant dense<2147483647> : vector<256xi32>
    %reduce_min3A_52 = vector.multi_reduction <minsi>, %select_n3A_47, %reduce_min3A_51 [1] : vector<256x512xi32> to vector<256xi32>
    %broadcast_in_dim3A_53 = vector.shape_cast %reduce_min3A_52 : vector<256xi32> to vector<256x1xi32>
    %and3A_54 = arith.constant 1023 : i32
    %and3A_55 = vector.broadcast %and3A_54 : i32 to vector<256x1xi32>
    %and3A_56 = arith.andi %broadcast_in_dim3A_53, %and3A_55 : vector<256x1xi32>
    %mul3A_57 = arith.constant 1024 : i32
    %mul3A_58 = arith.muli %arg0, %mul3A_57 : i32
    %add3A_59 = vector.broadcast %mul3A_58 : i32 to vector<256x1xi32>
    %add3A_60 = arith.addi %and3A_56, %add3A_59 : vector<256x1xi32>
    %eq3A_61 = vector.broadcast %broadcast_in_dim3A_53 : vector<256x1xi32> to vector<256x512xi32>
    %eq3A_62 = arith.cmpi eq, %select_n3A_47, %eq3A_61 : vector<256x512xi32>
    %select_n3A_63 = arith.select %eq3A_62, %select_n3A_50, %select_n3A_47 : vector<256x512xi1>, vector<256x512xi32>
    %jit3A_64 = arith.constant 2147483647 : i32
    %broadcast_in_dim3A_65 = vector.broadcast %jit3A_64 : i32 to vector<256x512xi32>
    %select_n3A_66 = arith.select %eq3A_62, %broadcast_in_dim3A_65, %select_n3A_50 : vector<256x512xi1>, vector<256x512xi32>
    %reduce_min3A_67 = arith.constant dense<2147483647> : vector<256xi32>
    %reduce_min3A_68 = vector.multi_reduction <minsi>, %select_n3A_63, %reduce_min3A_67 [1] : vector<256x512xi32> to vector<256xi32>
    %broadcast_in_dim3A_69 = vector.shape_cast %reduce_min3A_68 : vector<256xi32> to vector<256x1xi32>
    %and3A_70 = arith.constant 1023 : i32
    %and3A_71 = vector.broadcast %and3A_70 : i32 to vector<256x1xi32>
    %and3A_72 = arith.andi %broadcast_in_dim3A_69, %and3A_71 : vector<256x1xi32>
    %mul3A_73 = arith.constant 1024 : i32
    %mul3A_74 = arith.muli %arg0, %mul3A_73 : i32
    %add3A_75 = vector.broadcast %mul3A_74 : i32 to vector<256x1xi32>
    %add3A_76 = arith.addi %and3A_72, %add3A_75 : vector<256x1xi32>
    %eq3A_77 = vector.broadcast %broadcast_in_dim3A_69 : vector<256x1xi32> to vector<256x512xi32>
    %eq3A_78 = arith.cmpi eq, %select_n3A_63, %eq3A_77 : vector<256x512xi32>
    %select_n3A_79 = arith.select %eq3A_78, %select_n3A_66, %select_n3A_63 : vector<256x512xi1>, vector<256x512xi32>
    %jit3A_80 = arith.constant 2147483647 : i32
    %broadcast_in_dim3A_81 = vector.broadcast %jit3A_80 : i32 to vector<256x512xi32>
    %select_n3A_82 = arith.select %eq3A_78, %broadcast_in_dim3A_81, %select_n3A_66 : vector<256x512xi1>, vector<256x512xi32>
    %reduce_min3A_83 = arith.constant dense<2147483647> : vector<256xi32>
    %reduce_min3A_84 = vector.multi_reduction <minsi>, %select_n3A_79, %reduce_min3A_83 [1] : vector<256x512xi32> to vector<256xi32>
    %broadcast_in_dim3A_85 = vector.shape_cast %reduce_min3A_84 : vector<256xi32> to vector<256x1xi32>
    %and3A_86 = arith.constant 1023 : i32
    %and3A_87 = vector.broadcast %and3A_86 : i32 to vector<256x1xi32>
    %and3A_88 = arith.andi %broadcast_in_dim3A_85, %and3A_87 : vector<256x1xi32>
    %mul3A_89 = arith.constant 1024 : i32
    %mul3A_90 = arith.muli %arg0, %mul3A_89 : i32
    %add3A_91 = vector.broadcast %mul3A_90 : i32 to vector<256x1xi32>
    %add3A_92 = arith.addi %and3A_88, %add3A_91 : vector<256x1xi32>
    %eq3A_93 = vector.broadcast %broadcast_in_dim3A_85 : vector<256x1xi32> to vector<256x512xi32>
    %eq3A_94 = arith.cmpi eq, %select_n3A_79, %eq3A_93 : vector<256x512xi32>
    %select_n3A_95 = arith.select %eq3A_94, %select_n3A_82, %select_n3A_79 : vector<256x512xi1>, vector<256x512xi32>
    %jit3A_96 = arith.constant 2147483647 : i32
    %broadcast_in_dim3A_97 = vector.broadcast %jit3A_96 : i32 to vector<256x512xi32>
    %select_n3A_98 = arith.select %eq3A_94, %broadcast_in_dim3A_97, %select_n3A_82 : vector<256x512xi1>, vector<256x512xi32>
    %reduce_min3A_99 = arith.constant dense<2147483647> : vector<256xi32>
    %reduce_min3A_100 = vector.multi_reduction <minsi>, %select_n3A_95, %reduce_min3A_99 [1] : vector<256x512xi32> to vector<256xi32>
    %broadcast_in_dim3A_101 = vector.shape_cast %reduce_min3A_100 : vector<256xi32> to vector<256x1xi32>
    %and3A_102 = arith.constant 1023 : i32
    %and3A_103 = vector.broadcast %and3A_102 : i32 to vector<256x1xi32>
    %and3A_104 = arith.andi %broadcast_in_dim3A_101, %and3A_103 : vector<256x1xi32>
    %mul3A_105 = arith.constant 1024 : i32
    %mul3A_106 = arith.muli %arg0, %mul3A_105 : i32
    %add3A_107 = vector.broadcast %mul3A_106 : i32 to vector<256x1xi32>
    %add3A_108 = arith.addi %and3A_104, %add3A_107 : vector<256x1xi32>
    %eq3A_109 = vector.broadcast %broadcast_in_dim3A_101 : vector<256x1xi32> to vector<256x512xi32>
    %eq3A_110 = arith.cmpi eq, %select_n3A_95, %eq3A_109 : vector<256x512xi32>
    %select_n3A_111 = arith.select %eq3A_110, %select_n3A_98, %select_n3A_95 : vector<256x512xi1>, vector<256x512xi32>
    %jit3A_112 = arith.constant 2147483647 : i32
    %broadcast_in_dim3A_113 = vector.broadcast %jit3A_112 : i32 to vector<256x512xi32>
    %select_n3A_114 = arith.select %eq3A_110, %broadcast_in_dim3A_113, %select_n3A_98 : vector<256x512xi1>, vector<256x512xi32>
    %reduce_min3A_115 = arith.constant dense<2147483647> : vector<256xi32>
    %reduce_min3A_116 = vector.multi_reduction <minsi>, %select_n3A_111, %reduce_min3A_115 [1] : vector<256x512xi32> to vector<256xi32>
    %broadcast_in_dim3A_117 = vector.shape_cast %reduce_min3A_116 : vector<256xi32> to vector<256x1xi32>
    %and3A_118 = arith.constant 1023 : i32
    %and3A_119 = vector.broadcast %and3A_118 : i32 to vector<256x1xi32>
    %and3A_120 = arith.andi %broadcast_in_dim3A_117, %and3A_119 : vector<256x1xi32>
    %mul3A_121 = arith.constant 1024 : i32
    %mul3A_122 = arith.muli %arg0, %mul3A_121 : i32
    %add3A_123 = vector.broadcast %mul3A_122 : i32 to vector<256x1xi32>
    %add3A_124 = arith.addi %and3A_120, %add3A_123 : vector<256x1xi32>
    %eq3A_125 = vector.broadcast %broadcast_in_dim3A_117 : vector<256x1xi32> to vector<256x512xi32>
    %eq3A_126 = arith.cmpi eq, %select_n3A_111, %eq3A_125 : vector<256x512xi32>
    %select_n3A_127 = arith.select %eq3A_126, %select_n3A_114, %select_n3A_111 : vector<256x512xi1>, vector<256x512xi32>
    %jit3A_128 = arith.constant 2147483647 : i32
    %broadcast_in_dim3A_129 = vector.broadcast %jit3A_128 : i32 to vector<256x512xi32>
    %select_n3A_130 = arith.select %eq3A_126, %broadcast_in_dim3A_129, %select_n3A_114 : vector<256x512xi1>, vector<256x512xi32>
    %reduce_min3A_131 = arith.constant dense<2147483647> : vector<256xi32>
    %reduce_min3A_132 = vector.multi_reduction <minsi>, %select_n3A_127, %reduce_min3A_131 [1] : vector<256x512xi32> to vector<256xi32>
    %broadcast_in_dim3A_133 = vector.shape_cast %reduce_min3A_132 : vector<256xi32> to vector<256x1xi32>
    %and3A_134 = arith.constant 1023 : i32
    %and3A_135 = vector.broadcast %and3A_134 : i32 to vector<256x1xi32>
    %and3A_136 = arith.andi %broadcast_in_dim3A_133, %and3A_135 : vector<256x1xi32>
    %mul3A_137 = arith.constant 1024 : i32
    %mul3A_138 = arith.muli %arg0, %mul3A_137 : i32
    %add3A_139 = vector.broadcast %mul3A_138 : i32 to vector<256x1xi32>
    %add3A_140 = arith.addi %and3A_136, %add3A_139 : vector<256x1xi32>
    %eq3A_141 = vector.broadcast %broadcast_in_dim3A_133 : vector<256x1xi32> to vector<256x512xi32>
    %eq3A_142 = arith.cmpi eq, %select_n3A_127, %eq3A_141 : vector<256x512xi32>
    %select_n3A_143 = arith.select %eq3A_142, %select_n3A_130, %select_n3A_127 : vector<256x512xi1>, vector<256x512xi32>
    %jit3A_144 = arith.constant 2147483647 : i32
    %broadcast_in_dim3A_145 = vector.broadcast %jit3A_144 : i32 to vector<256x512xi32>
    %select_n3A_146 = arith.select %eq3A_142, %broadcast_in_dim3A_145, %select_n3A_130 : vector<256x512xi1>, vector<256x512xi32>
    %reduce_min3A_147 = arith.constant dense<2147483647> : vector<256xi32>
    %reduce_min3A_148 = vector.multi_reduction <minsi>, %select_n3A_143, %reduce_min3A_147 [1] : vector<256x512xi32> to vector<256xi32>
    %broadcast_in_dim3A_149 = vector.shape_cast %reduce_min3A_148 : vector<256xi32> to vector<256x1xi32>
    %and3A_150 = arith.constant 1023 : i32
    %and3A_151 = vector.broadcast %and3A_150 : i32 to vector<256x1xi32>
    %and3A_152 = arith.andi %broadcast_in_dim3A_149, %and3A_151 : vector<256x1xi32>
    %mul3A_153 = arith.constant 1024 : i32
    %mul3A_154 = arith.muli %arg0, %mul3A_153 : i32
    %add3A_155 = vector.broadcast %mul3A_154 : i32 to vector<256x1xi32>
    %add3A_156 = arith.addi %and3A_152, %add3A_155 : vector<256x1xi32>
    %eq3A_157 = vector.broadcast %broadcast_in_dim3A_149 : vector<256x1xi32> to vector<256x512xi32>
    %eq3A_158 = arith.cmpi eq, %select_n3A_143, %eq3A_157 : vector<256x512xi32>
    %select_n3A_159 = arith.select %eq3A_158, %select_n3A_146, %select_n3A_143 : vector<256x512xi1>, vector<256x512xi32>
    %jit3A_160 = arith.constant 2147483647 : i32
    %broadcast_in_dim3A_161 = vector.broadcast %jit3A_160 : i32 to vector<256x512xi32>
    %select_n3A_162 = arith.select %eq3A_158, %broadcast_in_dim3A_161, %select_n3A_146 : vector<256x512xi1>, vector<256x512xi32>
    %reduce_min3A_163 = arith.constant dense<2147483647> : vector<256xi32>
    %reduce_min3A_164 = vector.multi_reduction <minsi>, %select_n3A_159, %reduce_min3A_163 [1] : vector<256x512xi32> to vector<256xi32>
    %broadcast_in_dim3A_165 = vector.shape_cast %reduce_min3A_164 : vector<256xi32> to vector<256x1xi32>
    %and3A_166 = arith.constant 1023 : i32
    %and3A_167 = vector.broadcast %and3A_166 : i32 to vector<256x1xi32>
    %and3A_168 = arith.andi %broadcast_in_dim3A_165, %and3A_167 : vector<256x1xi32>
    %mul3A_169 = arith.constant 1024 : i32
    %mul3A_170 = arith.muli %arg0, %mul3A_169 : i32
    %add3A_171 = vector.broadcast %mul3A_170 : i32 to vector<256x1xi32>
    %add3A_172 = arith.addi %and3A_168, %add3A_171 : vector<256x1xi32>
    %eq3A_173 = vector.broadcast %broadcast_in_dim3A_165 : vector<256x1xi32> to vector<256x512xi32>
    %eq3A_174 = arith.cmpi eq, %select_n3A_159, %eq3A_173 : vector<256x512xi32>
    %select_n3A_175 = arith.select %eq3A_174, %select_n3A_162, %select_n3A_159 : vector<256x512xi1>, vector<256x512xi32>
    %jit3A_176 = arith.constant 2147483647 : i32
    %broadcast_in_dim3A_177 = vector.broadcast %jit3A_176 : i32 to vector<256x512xi32>
    %select_n3A_178 = arith.select %eq3A_174, %broadcast_in_dim3A_177, %select_n3A_162 : vector<256x512xi1>, vector<256x512xi32>
    %reduce_min3A_179 = arith.constant dense<2147483647> : vector<256xi32>
    %reduce_min3A_180 = vector.multi_reduction <minsi>, %select_n3A_175, %reduce_min3A_179 [1] : vector<256x512xi32> to vector<256xi32>
    %broadcast_in_dim3A_181 = vector.shape_cast %reduce_min3A_180 : vector<256xi32> to vector<256x1xi32>
    %and3A_182 = arith.constant 1023 : i32
    %and3A_183 = vector.broadcast %and3A_182 : i32 to vector<256x1xi32>
    %and3A_184 = arith.andi %broadcast_in_dim3A_181, %and3A_183 : vector<256x1xi32>
    %mul3A_185 = arith.constant 1024 : i32
    %mul3A_186 = arith.muli %arg0, %mul3A_185 : i32
    %add3A_187 = vector.broadcast %mul3A_186 : i32 to vector<256x1xi32>
    %add3A_188 = arith.addi %and3A_184, %add3A_187 : vector<256x1xi32>
    %eq3A_189 = vector.broadcast %broadcast_in_dim3A_181 : vector<256x1xi32> to vector<256x512xi32>
    %eq3A_190 = arith.cmpi eq, %select_n3A_175, %eq3A_189 : vector<256x512xi32>
    %select_n3A_191 = arith.select %eq3A_190, %select_n3A_178, %select_n3A_175 : vector<256x512xi1>, vector<256x512xi32>
    %jit3A_192 = arith.constant 2147483647 : i32
    %broadcast_in_dim3A_193 = vector.broadcast %jit3A_192 : i32 to vector<256x512xi32>
    %select_n3A_194 = arith.select %eq3A_190, %broadcast_in_dim3A_193, %select_n3A_178 : vector<256x512xi1>, vector<256x512xi32>
    %reduce_min3A_195 = arith.constant dense<2147483647> : vector<256xi32>
    %reduce_min3A_196 = vector.multi_reduction <minsi>, %select_n3A_191, %reduce_min3A_195 [1] : vector<256x512xi32> to vector<256xi32>
    %broadcast_in_dim3A_197 = vector.shape_cast %reduce_min3A_196 : vector<256xi32> to vector<256x1xi32>
    %and3A_198 = arith.constant 1023 : i32
    %and3A_199 = vector.broadcast %and3A_198 : i32 to vector<256x1xi32>
    %and3A_200 = arith.andi %broadcast_in_dim3A_197, %and3A_199 : vector<256x1xi32>
    %mul3A_201 = arith.constant 1024 : i32
    %mul3A_202 = arith.muli %arg0, %mul3A_201 : i32
    %add3A_203 = vector.broadcast %mul3A_202 : i32 to vector<256x1xi32>
    %add3A_204 = arith.addi %and3A_200, %add3A_203 : vector<256x1xi32>
    %eq3A_205 = vector.broadcast %broadcast_in_dim3A_197 : vector<256x1xi32> to vector<256x512xi32>
    %eq3A_206 = arith.cmpi eq, %select_n3A_191, %eq3A_205 : vector<256x512xi32>
    %select_n3A_207 = arith.select %eq3A_206, %select_n3A_194, %select_n3A_191 : vector<256x512xi1>, vector<256x512xi32>
    %jit3A_208 = arith.constant 2147483647 : i32
    %broadcast_in_dim3A_209 = vector.broadcast %jit3A_208 : i32 to vector<256x512xi32>
    %select_n3A_210 = arith.select %eq3A_206, %broadcast_in_dim3A_209, %select_n3A_194 : vector<256x512xi1>, vector<256x512xi32>
    %reduce_min3A_211 = arith.constant dense<2147483647> : vector<256xi32>
    %reduce_min3A_212 = vector.multi_reduction <minsi>, %select_n3A_207, %reduce_min3A_211 [1] : vector<256x512xi32> to vector<256xi32>
    %broadcast_in_dim3A_213 = vector.shape_cast %reduce_min3A_212 : vector<256xi32> to vector<256x1xi32>
    %and3A_214 = arith.constant 1023 : i32
    %and3A_215 = vector.broadcast %and3A_214 : i32 to vector<256x1xi32>
    %and3A_216 = arith.andi %broadcast_in_dim3A_213, %and3A_215 : vector<256x1xi32>
    %mul3A_217 = arith.constant 1024 : i32
    %mul3A_218 = arith.muli %arg0, %mul3A_217 : i32
    %add3A_219 = vector.broadcast %mul3A_218 : i32 to vector<256x1xi32>
    %add3A_220 = arith.addi %and3A_216, %add3A_219 : vector<256x1xi32>
    %eq3A_221 = vector.broadcast %broadcast_in_dim3A_213 : vector<256x1xi32> to vector<256x512xi32>
    %eq3A_222 = arith.cmpi eq, %select_n3A_207, %eq3A_221 : vector<256x512xi32>
    %select_n3A_223 = arith.select %eq3A_222, %select_n3A_210, %select_n3A_207 : vector<256x512xi1>, vector<256x512xi32>
    %jit3A_224 = arith.constant 2147483647 : i32
    %broadcast_in_dim3A_225 = vector.broadcast %jit3A_224 : i32 to vector<256x512xi32>
    %select_n3A_226 = arith.select %eq3A_222, %broadcast_in_dim3A_225, %select_n3A_210 : vector<256x512xi1>, vector<256x512xi32>
    %reduce_min3A_227 = arith.constant dense<2147483647> : vector<256xi32>
    %reduce_min3A_228 = vector.multi_reduction <minsi>, %select_n3A_223, %reduce_min3A_227 [1] : vector<256x512xi32> to vector<256xi32>
    %broadcast_in_dim3A_229 = vector.shape_cast %reduce_min3A_228 : vector<256xi32> to vector<256x1xi32>
    %and3A_230 = arith.constant 1023 : i32
    %and3A_231 = vector.broadcast %and3A_230 : i32 to vector<256x1xi32>
    %and3A_232 = arith.andi %broadcast_in_dim3A_229, %and3A_231 : vector<256x1xi32>
    %mul3A_233 = arith.constant 1024 : i32
    %mul3A_234 = arith.muli %arg0, %mul3A_233 : i32
    %add3A_235 = vector.broadcast %mul3A_234 : i32 to vector<256x1xi32>
    %add3A_236 = arith.addi %and3A_232, %add3A_235 : vector<256x1xi32>
    %eq3A_237 = vector.broadcast %broadcast_in_dim3A_229 : vector<256x1xi32> to vector<256x512xi32>
    %eq3A_238 = arith.cmpi eq, %select_n3A_223, %eq3A_237 : vector<256x512xi32>
    %select_n3A_239 = arith.select %eq3A_238, %select_n3A_226, %select_n3A_223 : vector<256x512xi1>, vector<256x512xi32>
    %jit3A_240 = arith.constant 2147483647 : i32
    %broadcast_in_dim3A_241 = vector.broadcast %jit3A_240 : i32 to vector<256x512xi32>
    %select_n3A_242 = arith.select %eq3A_238, %broadcast_in_dim3A_241, %select_n3A_226 : vector<256x512xi1>, vector<256x512xi32>
    %reduce_min3A_243 = arith.constant dense<2147483647> : vector<256xi32>
    %reduce_min3A_244 = vector.multi_reduction <minsi>, %select_n3A_239, %reduce_min3A_243 [1] : vector<256x512xi32> to vector<256xi32>
    %broadcast_in_dim3A_245 = vector.shape_cast %reduce_min3A_244 : vector<256xi32> to vector<256x1xi32>
    %and3A_246 = arith.constant 1023 : i32
    %and3A_247 = vector.broadcast %and3A_246 : i32 to vector<256x1xi32>
    %and3A_248 = arith.andi %broadcast_in_dim3A_245, %and3A_247 : vector<256x1xi32>
    %mul3A_249 = arith.constant 1024 : i32
    %mul3A_250 = arith.muli %arg0, %mul3A_249 : i32
    %add3A_251 = vector.broadcast %mul3A_250 : i32 to vector<256x1xi32>
    %add3A_252 = arith.addi %and3A_248, %add3A_251 : vector<256x1xi32>
    %eq3A_253 = vector.broadcast %broadcast_in_dim3A_245 : vector<256x1xi32> to vector<256x512xi32>
    %eq3A_254 = arith.cmpi eq, %select_n3A_239, %eq3A_253 : vector<256x512xi32>
    %select_n3A_255 = arith.select %eq3A_254, %select_n3A_242, %select_n3A_239 : vector<256x512xi1>, vector<256x512xi32>
    %jit3A_256 = arith.constant 2147483647 : i32
    %broadcast_in_dim3A_257 = vector.broadcast %jit3A_256 : i32 to vector<256x512xi32>
    %select_n3A_258 = arith.select %eq3A_254, %broadcast_in_dim3A_257, %select_n3A_242 : vector<256x512xi1>, vector<256x512xi32>
    %reduce_min3A_259 = arith.constant dense<2147483647> : vector<256xi32>
    %reduce_min3A_260 = vector.multi_reduction <minsi>, %select_n3A_255, %reduce_min3A_259 [1] : vector<256x512xi32> to vector<256xi32>
    %broadcast_in_dim3A_261 = vector.shape_cast %reduce_min3A_260 : vector<256xi32> to vector<256x1xi32>
    %and3A_262 = arith.constant 1023 : i32
    %and3A_263 = vector.broadcast %and3A_262 : i32 to vector<256x1xi32>
    %and3A_264 = arith.andi %broadcast_in_dim3A_261, %and3A_263 : vector<256x1xi32>
    %mul3A_265 = arith.constant 1024 : i32
    %mul3A_266 = arith.muli %arg0, %mul3A_265 : i32
    %add3A_267 = vector.broadcast %mul3A_266 : i32 to vector<256x1xi32>
    %add3A_268 = arith.addi %and3A_264, %add3A_267 : vector<256x1xi32>
    %eq3A_269 = vector.broadcast %broadcast_in_dim3A_261 : vector<256x1xi32> to vector<256x512xi32>
    %eq3A_270 = arith.cmpi eq, %select_n3A_255, %eq3A_269 : vector<256x512xi32>
    %select_n3A_271 = arith.select %eq3A_270, %select_n3A_258, %select_n3A_255 : vector<256x512xi1>, vector<256x512xi32>
    %reduce_min3A_272 = arith.constant dense<2147483647> : vector<256xi32>
    %reduce_min3A_273 = vector.multi_reduction <minsi>, %select_n3A_271, %reduce_min3A_272 [1] : vector<256x512xi32> to vector<256xi32>
    %broadcast_in_dim3A_274 = vector.shape_cast %reduce_min3A_273 : vector<256xi32> to vector<256x1xi32>
    %and3A_275 = arith.constant 1023 : i32
    %and3A_276 = vector.broadcast %and3A_275 : i32 to vector<256x1xi32>
    %and3A_277 = arith.andi %broadcast_in_dim3A_274, %and3A_276 : vector<256x1xi32>
    %mul3A_278 = arith.constant 1024 : i32
    %mul3A_279 = arith.muli %arg0, %mul3A_278 : i32
    %add3A_280 = vector.broadcast %mul3A_279 : i32 to vector<256x1xi32>
    %add3A_281 = arith.addi %and3A_277, %add3A_280 : vector<256x1xi32>
    %concatenate3A = tpu.concatenate %add3A_44, %add3A_60, %add3A_76, %add3A_92, %add3A_108, %add3A_124, %add3A_140, %add3A_156, %add3A_172, %add3A_188, %add3A_204, %add3A_220, %add3A_236, %add3A_252, %add3A_268, %add3A_281 in 1 : vector<256x1xi32>, vector<256x1xi32>, vector<256x1xi32>, vector<256x1xi32>, vector<256x1xi32>, vector<256x1xi32>, vector<256x1xi32>, vector<256x1xi32>, vector<256x1xi32>, vector<256x1xi32>, vector<256x1xi32>, vector<256x1xi32>, vector<256x1xi32>, vector<256x1xi32>, vector<256x1xi32>, vector<256x1xi32> -> vector<256x16xi32>
    %transpose3A = tpu.transpose %concatenate3A, [1, 0] : vector<256x16xi32> -> vector<16x256xi32>
    %swap3A = arith.constant 0 : index
    %swap3A_282 = arith.constant 0 : index
    %swap3A_283 = arith.constant 0 : index
    %swap3A_284 = vector.load %arg3[%swap3A, %swap3A_282, %swap3A_283] : memref<1x16x256xi32, #tpu.memory_space<vmem>>, vector<1x16x256xi32>
    %swap3A_285 = vector.shape_cast %swap3A_284 : vector<1x16x256xi32> to vector<16x256xi32>
    %swap3A_286 = vector.shape_cast %transpose3A : vector<16x256xi32> to vector<1x16x256xi32>
    tpu.vector_store %arg3[%swap3A, %swap3A_282, %swap3A_283], %swap3A_286 {strides = array<i32>} : memref<1x16x256xi32, #tpu.memory_space<vmem>>, vector<1x16x256xi32>,
    return
  }
  func.func @transform_0(%arg0: i32, %arg1: i32) -> (i32, i32, i32) {
    %c0_i32 = arith.constant 0 : i32
    %c0_i32_0 = arith.constant 0 : i32
    %c0_i32_1 = arith.constant 0 : i32
    return %arg0, %c0_i32, %c0_i32_0 : i32, i32, i32
  }
  func.func @transform_1(%arg0: i32, %arg1: i32) -> (i32, i32, i32) {
    %c0_i32 = arith.constant 0 : i32
    %c0_i32_0 = arith.constant 0 : i32
    return %arg0, %c0_i32, %arg1 : i32, i32, i32
  }
}

module attributes {stable_mosaic.version = 14 : i64} {
  func.func @_spline_body(%arg0: i32, %arg1: memref<1x2048x128xf32, #tpu.memory_space<vmem>>, %arg2: memref<1x128x128xf32, #tpu.memory_space<vmem>>, %arg3: memref<16x3xf32, #tpu.memory_space<vmem>>, %arg4: memref<16x8xf32, #tpu.memory_space<vmem>>, %arg5: memref<1x128x128xf32, #tpu.memory_space<vmem>>, %arg6: memref<1x128x128xf32, #tpu.memory_space<vmem>>) attributes {dimension_semantics = [#tpu.dimension_semantics<arbitrary>], iteration_bounds = array<i64: 8>, scalar_prefetch = 0 : i64, scratch_operands = 0 : i64, tpu.core_type = #tpu.core_type<tc>, window_params = [{transform_indices = @transform_0, window_bounds = array<i64: 1, 2048, 128>}, {transform_indices = @transform_1, window_bounds = array<i64: 1, 128, 128>}, {pipeline_mode = #tpu.pipeline_mode<synchronous>, transform_indices = @transform_2, window_bounds = array<i64: 16, 3>}, {pipeline_mode = #tpu.pipeline_mode<synchronous>, transform_indices = @transform_3, window_bounds = array<i64: 16, 8>}, {transform_indices = @transform_4, window_bounds = array<i64: 1, 128, 128>}, {transform_indices = @transform_5, window_bounds = array<i64: 1, 128, 128>}]} {
    %get3A = arith.constant 0 : index
    %get3A_0 = arith.constant 0 : index
    %get3A_1 = arith.constant 0 : index
    %get3A_2 = vector.load %arg2[%get3A, %get3A_0, %get3A_1] : memref<1x128x128xf32, #tpu.memory_space<vmem>>, vector<1x128x128xf32>
    %get3A_3 = vector.shape_cast %get3A_2 : vector<1x128x128xf32> to vector<128x128xf32>
    %get3A_4 = arith.constant 0 : index
    %get3A_5 = arith.constant 0 : index
    %get3A_6 = vector.load %arg3[%get3A_4, %get3A_5] : memref<16x3xf32, #tpu.memory_space<vmem>>, vector<16x3xf32>
    %get3A_7 = arith.constant 0 : index
    %get3A_8 = arith.constant 0 : index
    %get3A_9 = vector.load %arg4[%get3A_7, %get3A_8] : memref<16x8xf32, #tpu.memory_space<vmem>>, vector<16x8xf32>
    %iota3A = tpu.iota {dimensions = array<i32: 0>} : vector<128x128xi32>
    %iota3A_10 = tpu.iota {dimensions = array<i32: 1>} : vector<128x128xi32>
    %jit3A = arith.constant 16 : i32
    %div3A = vector.broadcast %jit3A : i32 to vector<128x128xi32>
    %div3A_11 = arith.divsi %iota3A, %div3A : vector<128x128xi32>
    %sign3A = arith.constant 0 : i32
    %sign3A_12 = vector.broadcast %sign3A : i32 to vector<128x128xi32>
    %sign3A_13 = arith.cmpi sgt, %iota3A, %sign3A_12 : vector<128x128xi32>
    %sign3A_14 = arith.extui %sign3A_13 : vector<128x128xi1> to vector<128x128xi32>
    %sign3A_15 = arith.constant 0 : i32
    %sign3A_16 = vector.broadcast %sign3A_15 : i32 to vector<128x128xi32>
    %sign3A_17 = arith.cmpi slt, %iota3A, %sign3A_16 : vector<128x128xi32>
    %sign3A_18 = arith.extui %sign3A_17 : vector<128x128xi1> to vector<128x128xi32>
    %sign3A_19 = arith.subi %sign3A_14, %sign3A_18 : vector<128x128xi32>
    %sign3A_20 = arith.constant 0 : i32
    %sign3A_21 = arith.cmpi sgt, %jit3A, %sign3A_20 : i32
    %sign3A_22 = arith.extui %sign3A_21 : i1 to i32
    %sign3A_23 = arith.constant 0 : i32
    %sign3A_24 = arith.cmpi slt, %jit3A, %sign3A_23 : i32
    %sign3A_25 = arith.extui %sign3A_24 : i1 to i32
    %sign3A_26 = arith.subi %sign3A_22, %sign3A_25 : i32
    %ne3A = vector.broadcast %sign3A_26 : i32 to vector<128x128xi32>
    %ne3A_27 = arith.cmpi ne, %sign3A_19, %ne3A : vector<128x128xi32>
    %rem3A = vector.broadcast %jit3A : i32 to vector<128x128xi32>
    %rem3A_28 = arith.remsi %iota3A, %rem3A : vector<128x128xi32>
    %ne3A_29 = arith.constant 0 : i32
    %ne3A_30 = vector.broadcast %ne3A_29 : i32 to vector<128x128xi32>
    %ne3A_31 = arith.cmpi ne, %rem3A_28, %ne3A_30 : vector<128x128xi32>
    %and3A = arith.andi %ne3A_27, %ne3A_31 : vector<128x128xi1>
    %sub3A = arith.constant 1 : i32
    %sub3A_32 = vector.broadcast %sub3A : i32 to vector<128x128xi32>
    %sub3A_33 = arith.subi %div3A_11, %sub3A_32 : vector<128x128xi32>
    %select_n3A = arith.select %and3A, %sub3A_33, %div3A_11 : vector<128x128xi1>, vector<128x128xi32>
    %jit3A_34 = arith.constant 16 : i32
    %div3A_35 = vector.broadcast %jit3A_34 : i32 to vector<128x128xi32>
    %div3A_36 = arith.divsi %iota3A_10, %div3A_35 : vector<128x128xi32>
    %sign3A_37 = arith.constant 0 : i32
    %sign3A_38 = vector.broadcast %sign3A_37 : i32 to vector<128x128xi32>
    %sign3A_39 = arith.cmpi sgt, %iota3A_10, %sign3A_38 : vector<128x128xi32>
    %sign3A_40 = arith.extui %sign3A_39 : vector<128x128xi1> to vector<128x128xi32>
    %sign3A_41 = arith.constant 0 : i32
    %sign3A_42 = vector.broadcast %sign3A_41 : i32 to vector<128x128xi32>
    %sign3A_43 = arith.cmpi slt, %iota3A_10, %sign3A_42 : vector<128x128xi32>
    %sign3A_44 = arith.extui %sign3A_43 : vector<128x128xi1> to vector<128x128xi32>
    %sign3A_45 = arith.subi %sign3A_40, %sign3A_44 : vector<128x128xi32>
    %sign3A_46 = arith.constant 0 : i32
    %sign3A_47 = arith.cmpi sgt, %jit3A_34, %sign3A_46 : i32
    %sign3A_48 = arith.extui %sign3A_47 : i1 to i32
    %sign3A_49 = arith.constant 0 : i32
    %sign3A_50 = arith.cmpi slt, %jit3A_34, %sign3A_49 : i32
    %sign3A_51 = arith.extui %sign3A_50 : i1 to i32
    %sign3A_52 = arith.subi %sign3A_48, %sign3A_51 : i32
    %ne3A_53 = vector.broadcast %sign3A_52 : i32 to vector<128x128xi32>
    %ne3A_54 = arith.cmpi ne, %sign3A_45, %ne3A_53 : vector<128x128xi32>
    %rem3A_55 = vector.broadcast %jit3A_34 : i32 to vector<128x128xi32>
    %rem3A_56 = arith.remsi %iota3A_10, %rem3A_55 : vector<128x128xi32>
    %ne3A_57 = arith.constant 0 : i32
    %ne3A_58 = vector.broadcast %ne3A_57 : i32 to vector<128x128xi32>
    %ne3A_59 = arith.cmpi ne, %rem3A_56, %ne3A_58 : vector<128x128xi32>
    %and3A_60 = arith.andi %ne3A_54, %ne3A_59 : vector<128x128xi1>
    %sub3A_61 = arith.constant 1 : i32
    %sub3A_62 = vector.broadcast %sub3A_61 : i32 to vector<128x128xi32>
    %sub3A_63 = arith.subi %div3A_36, %sub3A_62 : vector<128x128xi32>
    %select_n3A_64 = arith.select %and3A_60, %sub3A_63, %div3A_36 : vector<128x128xi1>, vector<128x128xi32>
    %eq3A = arith.cmpi eq, %select_n3A, %select_n3A_64 : vector<128x128xi32>
    %jit3A_65 = arith.constant 16 : i32
    %eq3A_66 = arith.constant 0 : i32
    %eq3A_67 = arith.cmpi eq, %jit3A_65, %eq3A_66 : i32
    %jit3A_68 = arith.constant 1 : i32
    %select_n3A_69 = arith.select %eq3A_67, %jit3A_68, %jit3A_65 : i32
    %rem3A_70 = vector.broadcast %select_n3A_69 : i32 to vector<128x128xi32>
    %rem3A_71 = arith.remsi %iota3A, %rem3A_70 : vector<128x128xi32>
    %ne3A_72 = arith.constant 0 : i32
    %ne3A_73 = vector.broadcast %ne3A_72 : i32 to vector<128x128xi32>
    %ne3A_74 = arith.cmpi ne, %rem3A_71, %ne3A_73 : vector<128x128xi32>
    %lt3A = arith.constant 0 : i32
    %lt3A_75 = vector.broadcast %lt3A : i32 to vector<128x128xi32>
    %lt3A_76 = arith.cmpi slt, %rem3A_71, %lt3A_75 : vector<128x128xi32>
    %lt3A_77 = arith.constant 0 : i32
    %lt3A_78 = arith.cmpi slt, %select_n3A_69, %lt3A_77 : i32
    %ne3A_79 = vector.broadcast %lt3A_78 : i1 to vector<128x128xi1>
    %ne3A_80 = vector.broadcast %ne3A_79 : vector<128x128xi1> to vector<128x128xi1>
    %ne3A_81 = arith.xori %lt3A_76, %ne3A_80 : vector<128x128xi1>
    %and3A_82 = arith.andi %ne3A_81, %ne3A_74 : vector<128x128xi1>
    %add3A = vector.broadcast %select_n3A_69 : i32 to vector<128x128xi32>
    %add3A_83 = arith.addi %rem3A_71, %add3A : vector<128x128xi32>
    %select_n3A_84 = arith.select %and3A_82, %add3A_83, %rem3A_71 : vector<128x128xi1>, vector<128x128xi32>
    %jit3A_85 = arith.constant 16 : i32
    %eq3A_86 = arith.constant 0 : i32
    %eq3A_87 = arith.cmpi eq, %jit3A_85, %eq3A_86 : i32
    %jit3A_88 = arith.constant 1 : i32
    %select_n3A_89 = arith.select %eq3A_87, %jit3A_88, %jit3A_85 : i32
    %rem3A_90 = vector.broadcast %select_n3A_89 : i32 to vector<128x128xi32>
    %rem3A_91 = arith.remsi %iota3A_10, %rem3A_90 : vector<128x128xi32>
    %ne3A_92 = arith.constant 0 : i32
    %ne3A_93 = vector.broadcast %ne3A_92 : i32 to vector<128x128xi32>
    %ne3A_94 = arith.cmpi ne, %rem3A_91, %ne3A_93 : vector<128x128xi32>
    %lt3A_95 = arith.constant 0 : i32
    %lt3A_96 = vector.broadcast %lt3A_95 : i32 to vector<128x128xi32>
    %lt3A_97 = arith.cmpi slt, %rem3A_91, %lt3A_96 : vector<128x128xi32>
    %lt3A_98 = arith.constant 0 : i32
    %lt3A_99 = arith.cmpi slt, %select_n3A_89, %lt3A_98 : i32
    %ne3A_100 = vector.broadcast %lt3A_99 : i1 to vector<128x128xi1>
    %ne3A_101 = vector.broadcast %ne3A_100 : vector<128x128xi1> to vector<128x128xi1>
    %ne3A_102 = arith.xori %lt3A_97, %ne3A_101 : vector<128x128xi1>
    %and3A_103 = arith.andi %ne3A_102, %ne3A_94 : vector<128x128xi1>
    %add3A_104 = vector.broadcast %select_n3A_89 : i32 to vector<128x128xi32>
    %add3A_105 = arith.addi %rem3A_91, %add3A_104 : vector<128x128xi32>
    %select_n3A_106 = arith.select %and3A_103, %add3A_105, %rem3A_91 : vector<128x128xi1>, vector<128x128xi32>
    %iota3A_107 = tpu.iota {dimensions = array<i32: 0>} : vector<16x128xi32>
    %iota3A_108 = tpu.iota {dimensions = array<i32: 1>} : vector<16x128xi32>
    %jit3A_109 = arith.constant 16 : i32
    %eq3A_110 = arith.constant 0 : i32
    %eq3A_111 = arith.cmpi eq, %jit3A_109, %eq3A_110 : i32
    %jit3A_112 = arith.constant 1 : i32
    %select_n3A_113 = arith.select %eq3A_111, %jit3A_112, %jit3A_109 : i32
    %rem3A_114 = vector.broadcast %select_n3A_113 : i32 to vector<16x128xi32>
    %rem3A_115 = arith.remsi %iota3A_108, %rem3A_114 : vector<16x128xi32>
    %ne3A_116 = arith.constant 0 : i32
    %ne3A_117 = vector.broadcast %ne3A_116 : i32 to vector<16x128xi32>
    %ne3A_118 = arith.cmpi ne, %rem3A_115, %ne3A_117 : vector<16x128xi32>
    %lt3A_119 = arith.constant 0 : i32
    %lt3A_120 = vector.broadcast %lt3A_119 : i32 to vector<16x128xi32>
    %lt3A_121 = arith.cmpi slt, %rem3A_115, %lt3A_120 : vector<16x128xi32>
    %lt3A_122 = arith.constant 0 : i32
    %lt3A_123 = arith.cmpi slt, %select_n3A_113, %lt3A_122 : i32
    %ne3A_124 = vector.broadcast %lt3A_123 : i1 to vector<16x128xi1>
    %ne3A_125 = vector.broadcast %ne3A_124 : vector<16x128xi1> to vector<16x128xi1>
    %ne3A_126 = arith.xori %lt3A_121, %ne3A_125 : vector<16x128xi1>
    %and3A_127 = arith.andi %ne3A_126, %ne3A_118 : vector<16x128xi1>
    %add3A_128 = vector.broadcast %select_n3A_113 : i32 to vector<16x128xi32>
    %add3A_129 = arith.addi %rem3A_115, %add3A_128 : vector<16x128xi32>
    %select_n3A_130 = arith.select %and3A_127, %add3A_129, %rem3A_115 : vector<16x128xi1>, vector<16x128xi32>
    %eq3A_131 = arith.cmpi eq, %select_n3A_130, %iota3A_107 : vector<16x128xi32>
    %convert_element_type3A = arith.extui %eq3A_131 : vector<16x128xi1> to vector<16x128xi32>
    %convert_element_type3A_132 = arith.sitofp %convert_element_type3A : vector<16x128xi32> to vector<16x128xf32>
    %transpose3A = tpu.transpose %get3A_6, [1, 0] : vector<16x3xf32> -> vector<3x16xf32>
    %dot_general3A = arith.constant dense<0.000000e+00> : vector<3x128xf32>
    %dot_general3A_133 = tpu.matmul %transpose3A, %convert_element_type3A_132, %dot_general3A {dimension_numbers = #tpu.dot_dimension_numbers<[1], [0], [0], [1], [0, 0, 1, 1], [], []>, transpose_lhs_hint = false} : vector<3x16xf32>, vector<16x128xf32>, vector<3x128xf32> -> vector<3x128xf32>
    %mul3A = arith.mulf %dot_general3A_133, %dot_general3A_133 : vector<3x128xf32>
    %reduce_sum3A = arith.constant dense<0.000000e+00> : vector<128xf32>
    %reduce_sum3A_134 = vector.multi_reduction <add>, %mul3A, %reduce_sum3A [0] : vector<3x128xf32> to vector<128xf32>
    %broadcast_in_dim3A = vector.shape_cast %reduce_sum3A_134 : vector<128xf32> to vector<1x128xf32>
    %broadcast_in_dim3A_135 = arith.constant 0.000000e+00 : f32
    %broadcast_in_dim3A_136 = vector.broadcast %broadcast_in_dim3A_135 : f32 to vector<128x128xf32>
    %eq3A_137 = arith.constant 0 : i32
    %eq3A_138 = vector.broadcast %eq3A_137 : i32 to vector<128x128xi32>
    %eq3A_139 = arith.cmpi eq, %select_n3A_84, %eq3A_138 : vector<128x128xi32>
    %and3A_140 = arith.andi %eq3A, %eq3A_139 : vector<128x128xi1>
    %slice3A = vector.extract_strided_slice %dot_general3A_133 {offsets = [0, 0], sizes = [1, 128], strides = [1, 1]} : vector<3x128xf32> to vector<1x128xf32>
    %jit3A_141 = arith.constant 0.000000e+00 : f32
    %broadcast_in_dim3A_142 = vector.shape_cast %slice3A : vector<1x128xf32> to vector<1x128xf32>
    %broadcast_in_dim3A_143 = vector.broadcast %broadcast_in_dim3A_142 : vector<1x128xf32> to vector<128x128xf32>
    %broadcast_in_dim3A_144 = vector.broadcast %jit3A_141 : f32 to vector<128x128xf32>
    %select_n3A_145 = arith.select %and3A_140, %broadcast_in_dim3A_143, %broadcast_in_dim3A_144 : vector<128x128xi1>, vector<128x128xf32>
    %add3A_146 = arith.addf %broadcast_in_dim3A_136, %select_n3A_145 : vector<128x128xf32>
    %eq3A_147 = arith.constant 1 : i32
    %eq3A_148 = vector.broadcast %eq3A_147 : i32 to vector<128x128xi32>
    %eq3A_149 = arith.cmpi eq, %select_n3A_84, %eq3A_148 : vector<128x128xi32>
    %and3A_150 = arith.andi %eq3A, %eq3A_149 : vector<128x128xi1>
    %slice3A_151 = vector.extract_strided_slice %dot_general3A_133 {offsets = [1, 0], sizes = [1, 128], strides = [1, 1]} : vector<3x128xf32> to vector<1x128xf32>
    %jit3A_152 = arith.constant 0.000000e+00 : f32
    %broadcast_in_dim3A_153 = vector.shape_cast %slice3A_151 : vector<1x128xf32> to vector<1x128xf32>
    %broadcast_in_dim3A_154 = vector.broadcast %broadcast_in_dim3A_153 : vector<1x128xf32> to vector<128x128xf32>
    %broadcast_in_dim3A_155 = vector.broadcast %jit3A_152 : f32 to vector<128x128xf32>
    %select_n3A_156 = arith.select %and3A_150, %broadcast_in_dim3A_154, %broadcast_in_dim3A_155 : vector<128x128xi1>, vector<128x128xf32>
    %add3A_157 = arith.addf %add3A_146, %select_n3A_156 : vector<128x128xf32>
    %eq3A_158 = arith.constant 2 : i32
    %eq3A_159 = vector.broadcast %eq3A_158 : i32 to vector<128x128xi32>
    %eq3A_160 = arith.cmpi eq, %select_n3A_84, %eq3A_159 : vector<128x128xi32>
    %and3A_161 = arith.andi %eq3A, %eq3A_160 : vector<128x128xi1>
    %slice3A_162 = vector.extract_strided_slice %dot_general3A_133 {offsets = [2, 0], sizes = [1, 128], strides = [1, 1]} : vector<3x128xf32> to vector<1x128xf32>
    %jit3A_163 = arith.constant 0.000000e+00 : f32
    %broadcast_in_dim3A_164 = vector.shape_cast %slice3A_162 : vector<1x128xf32> to vector<1x128xf32>
    %broadcast_in_dim3A_165 = vector.broadcast %broadcast_in_dim3A_164 : vector<1x128xf32> to vector<128x128xf32>
    %broadcast_in_dim3A_166 = vector.broadcast %jit3A_163 : f32 to vector<128x128xf32>
    %select_n3A_167 = arith.select %and3A_161, %broadcast_in_dim3A_165, %broadcast_in_dim3A_166 : vector<128x128xi1>, vector<128x128xf32>
    %add3A_168 = arith.addf %add3A_157, %select_n3A_167 : vector<128x128xf32>
    %lt3A_169 = arith.constant 3 : i32
    %lt3A_170 = vector.broadcast %lt3A_169 : i32 to vector<128x128xi32>
    %lt3A_171 = arith.cmpi slt, %select_n3A_84, %lt3A_170 : vector<128x128xi32>
    %and3A_172 = arith.andi %eq3A, %lt3A_171 : vector<128x128xi1>
    %convert_element_type3A_173 = arith.extui %and3A_172 : vector<128x128xi1> to vector<128x128xi32>
    %convert_element_type3A_174 = arith.sitofp %convert_element_type3A_173 : vector<128x128xi32> to vector<128x128xf32>
    %transpose3A_175 = tpu.transpose %convert_element_type3A_132, [1, 0] : vector<16x128xf32> -> vector<128x16xf32>
    %dot_general3A_176 = arith.constant dense<0.000000e+00> : vector<128x8xf32>
    %dot_general3A_177 = tpu.matmul %transpose3A_175, %get3A_9, %dot_general3A_176 {dimension_numbers = #tpu.dot_dimension_numbers<[1], [0], [0], [1], [0, 0, 1, 1], [], []>, transpose_lhs_hint = false} : vector<128x16xf32>, vector<16x8xf32>, vector<128x8xf32> -> vector<128x8xf32>
    %broadcast_in_dim3A_178 = arith.constant 0.000000e+00 : f32
    %broadcast_in_dim3A_179 = vector.broadcast %broadcast_in_dim3A_178 : f32 to vector<128x128xf32>
    %eq3A_180 = arith.constant 0 : i32
    %eq3A_181 = vector.broadcast %eq3A_180 : i32 to vector<128x128xi32>
    %eq3A_182 = arith.cmpi eq, %select_n3A_106, %eq3A_181 : vector<128x128xi32>
    %and3A_183 = arith.andi %eq3A, %eq3A_182 : vector<128x128xi1>
    %slice3A_184 = vector.extract_strided_slice %dot_general3A_177 {offsets = [0, 0], sizes = [128, 1], strides = [1, 1]} : vector<128x8xf32> to vector<128x1xf32>
    %jit3A_185 = arith.constant 0.000000e+00 : f32
    %broadcast_in_dim3A_186 = vector.shape_cast %slice3A_184 : vector<128x1xf32> to vector<128x1xf32>
    %broadcast_in_dim3A_187 = vector.broadcast %broadcast_in_dim3A_186 : vector<128x1xf32> to vector<128x128xf32>
    %broadcast_in_dim3A_188 = vector.broadcast %jit3A_185 : f32 to vector<128x128xf32>
    %select_n3A_189 = arith.select %and3A_183, %broadcast_in_dim3A_187, %broadcast_in_dim3A_188 : vector<128x128xi1>, vector<128x128xf32>
    %add3A_190 = arith.addf %broadcast_in_dim3A_179, %select_n3A_189 : vector<128x128xf32>
    %eq3A_191 = arith.constant 1 : i32
    %eq3A_192 = vector.broadcast %eq3A_191 : i32 to vector<128x128xi32>
    %eq3A_193 = arith.cmpi eq, %select_n3A_106, %eq3A_192 : vector<128x128xi32>
    %and3A_194 = arith.andi %eq3A, %eq3A_193 : vector<128x128xi1>
    %slice3A_195 = vector.extract_strided_slice %dot_general3A_177 {offsets = [0, 1], sizes = [128, 1], strides = [1, 1]} : vector<128x8xf32> to vector<128x1xf32>
    %jit3A_196 = arith.constant 0.000000e+00 : f32
    %broadcast_in_dim3A_197 = vector.shape_cast %slice3A_195 : vector<128x1xf32> to vector<128x1xf32>
    %broadcast_in_dim3A_198 = vector.broadcast %broadcast_in_dim3A_197 : vector<128x1xf32> to vector<128x128xf32>
    %broadcast_in_dim3A_199 = vector.broadcast %jit3A_196 : f32 to vector<128x128xf32>
    %select_n3A_200 = arith.select %and3A_194, %broadcast_in_dim3A_198, %broadcast_in_dim3A_199 : vector<128x128xi1>, vector<128x128xf32>
    %add3A_201 = arith.addf %add3A_190, %select_n3A_200 : vector<128x128xf32>
    %eq3A_202 = arith.constant 2 : i32
    %eq3A_203 = vector.broadcast %eq3A_202 : i32 to vector<128x128xi32>
    %eq3A_204 = arith.cmpi eq, %select_n3A_106, %eq3A_203 : vector<128x128xi32>
    %and3A_205 = arith.andi %eq3A, %eq3A_204 : vector<128x128xi1>
    %slice3A_206 = vector.extract_strided_slice %dot_general3A_177 {offsets = [0, 2], sizes = [128, 1], strides = [1, 1]} : vector<128x8xf32> to vector<128x1xf32>
    %jit3A_207 = arith.constant 0.000000e+00 : f32
    %broadcast_in_dim3A_208 = vector.shape_cast %slice3A_206 : vector<128x1xf32> to vector<128x1xf32>
    %broadcast_in_dim3A_209 = vector.broadcast %broadcast_in_dim3A_208 : vector<128x1xf32> to vector<128x128xf32>
    %broadcast_in_dim3A_210 = vector.broadcast %jit3A_207 : f32 to vector<128x128xf32>
    %select_n3A_211 = arith.select %and3A_205, %broadcast_in_dim3A_209, %broadcast_in_dim3A_210 : vector<128x128xi1>, vector<128x128xf32>
    %add3A_212 = arith.addf %add3A_201, %select_n3A_211 : vector<128x128xf32>
    %eq3A_213 = arith.constant 3 : i32
    %eq3A_214 = vector.broadcast %eq3A_213 : i32 to vector<128x128xi32>
    %eq3A_215 = arith.cmpi eq, %select_n3A_106, %eq3A_214 : vector<128x128xi32>
    %and3A_216 = arith.andi %eq3A, %eq3A_215 : vector<128x128xi1>
    %slice3A_217 = vector.extract_strided_slice %dot_general3A_177 {offsets = [0, 3], sizes = [128, 1], strides = [1, 1]} : vector<128x8xf32> to vector<128x1xf32>
    %jit3A_218 = arith.constant 0.000000e+00 : f32
    %broadcast_in_dim3A_219 = vector.shape_cast %slice3A_217 : vector<128x1xf32> to vector<128x1xf32>
    %broadcast_in_dim3A_220 = vector.broadcast %broadcast_in_dim3A_219 : vector<128x1xf32> to vector<128x128xf32>
    %broadcast_in_dim3A_221 = vector.broadcast %jit3A_218 : f32 to vector<128x128xf32>
    %select_n3A_222 = arith.select %and3A_216, %broadcast_in_dim3A_220, %broadcast_in_dim3A_221 : vector<128x128xi1>, vector<128x128xf32>
    %add3A_223 = arith.addf %add3A_212, %select_n3A_222 : vector<128x128xf32>
    %eq3A_224 = arith.constant 4 : i32
    %eq3A_225 = vector.broadcast %eq3A_224 : i32 to vector<128x128xi32>
    %eq3A_226 = arith.cmpi eq, %select_n3A_106, %eq3A_225 : vector<128x128xi32>
    %and3A_227 = arith.andi %eq3A, %eq3A_226 : vector<128x128xi1>
    %slice3A_228 = vector.extract_strided_slice %dot_general3A_177 {offsets = [0, 4], sizes = [128, 1], strides = [1, 1]} : vector<128x8xf32> to vector<128x1xf32>
    %jit3A_229 = arith.constant 0.000000e+00 : f32
    %broadcast_in_dim3A_230 = vector.shape_cast %slice3A_228 : vector<128x1xf32> to vector<128x1xf32>
    %broadcast_in_dim3A_231 = vector.broadcast %broadcast_in_dim3A_230 : vector<128x1xf32> to vector<128x128xf32>
    %broadcast_in_dim3A_232 = vector.broadcast %jit3A_229 : f32 to vector<128x128xf32>
    %select_n3A_233 = arith.select %and3A_227, %broadcast_in_dim3A_231, %broadcast_in_dim3A_232 : vector<128x128xi1>, vector<128x128xf32>
    %add3A_234 = arith.addf %add3A_223, %select_n3A_233 : vector<128x128xf32>
    %eq3A_235 = arith.constant 5 : i32
    %eq3A_236 = vector.broadcast %eq3A_235 : i32 to vector<128x128xi32>
    %eq3A_237 = arith.cmpi eq, %select_n3A_106, %eq3A_236 : vector<128x128xi32>
    %and3A_238 = arith.andi %eq3A, %eq3A_237 : vector<128x128xi1>
    %slice3A_239 = vector.extract_strided_slice %dot_general3A_177 {offsets = [0, 5], sizes = [128, 1], strides = [1, 1]} : vector<128x8xf32> to vector<128x1xf32>
    %jit3A_240 = arith.constant 0.000000e+00 : f32
    %broadcast_in_dim3A_241 = vector.shape_cast %slice3A_239 : vector<128x1xf32> to vector<128x1xf32>
    %broadcast_in_dim3A_242 = vector.broadcast %broadcast_in_dim3A_241 : vector<128x1xf32> to vector<128x128xf32>
    %broadcast_in_dim3A_243 = vector.broadcast %jit3A_240 : f32 to vector<128x128xf32>
    %select_n3A_244 = arith.select %and3A_238, %broadcast_in_dim3A_242, %broadcast_in_dim3A_243 : vector<128x128xi1>, vector<128x128xf32>
    %add3A_245 = arith.addf %add3A_234, %select_n3A_244 : vector<128x128xf32>
    %eq3A_246 = arith.constant 6 : i32
    %eq3A_247 = vector.broadcast %eq3A_246 : i32 to vector<128x128xi32>
    %eq3A_248 = arith.cmpi eq, %select_n3A_106, %eq3A_247 : vector<128x128xi32>
    %and3A_249 = arith.andi %eq3A, %eq3A_248 : vector<128x128xi1>
    %slice3A_250 = vector.extract_strided_slice %dot_general3A_177 {offsets = [0, 6], sizes = [128, 1], strides = [1, 1]} : vector<128x8xf32> to vector<128x1xf32>
    %jit3A_251 = arith.constant 0.000000e+00 : f32
    %broadcast_in_dim3A_252 = vector.shape_cast %slice3A_250 : vector<128x1xf32> to vector<128x1xf32>
    %broadcast_in_dim3A_253 = vector.broadcast %broadcast_in_dim3A_252 : vector<128x1xf32> to vector<128x128xf32>
    %broadcast_in_dim3A_254 = vector.broadcast %jit3A_251 : f32 to vector<128x128xf32>
    %select_n3A_255 = arith.select %and3A_249, %broadcast_in_dim3A_253, %broadcast_in_dim3A_254 : vector<128x128xi1>, vector<128x128xf32>
    %add3A_256 = arith.addf %add3A_245, %select_n3A_255 : vector<128x128xf32>
    %eq3A_257 = arith.constant 7 : i32
    %eq3A_258 = vector.broadcast %eq3A_257 : i32 to vector<128x128xi32>
    %eq3A_259 = arith.cmpi eq, %select_n3A_106, %eq3A_258 : vector<128x128xi32>
    %and3A_260 = arith.andi %eq3A, %eq3A_259 : vector<128x128xi1>
    %slice3A_261 = vector.extract_strided_slice %dot_general3A_177 {offsets = [0, 7], sizes = [128, 1], strides = [1, 1]} : vector<128x8xf32> to vector<128x1xf32>
    %jit3A_262 = arith.constant 0.000000e+00 : f32
    %broadcast_in_dim3A_263 = vector.shape_cast %slice3A_261 : vector<128x1xf32> to vector<128x1xf32>
    %broadcast_in_dim3A_264 = vector.broadcast %broadcast_in_dim3A_263 : vector<128x1xf32> to vector<128x128xf32>
    %broadcast_in_dim3A_265 = vector.broadcast %jit3A_262 : f32 to vector<128x128xf32>
    %select_n3A_266 = arith.select %and3A_260, %broadcast_in_dim3A_264, %broadcast_in_dim3A_265 : vector<128x128xi1>, vector<128x128xf32>
    %add3A_267 = arith.addf %add3A_256, %select_n3A_266 : vector<128x128xf32>
    %jit3A_268 = arith.constant 3 : i32
    %div3A_269 = vector.broadcast %jit3A_268 : i32 to vector<128x128xi32>
    %div3A_270 = arith.divsi %select_n3A_106, %div3A_269 : vector<128x128xi32>
    %sign3A_271 = arith.constant 0 : i32
    %sign3A_272 = vector.broadcast %sign3A_271 : i32 to vector<128x128xi32>
    %sign3A_273 = arith.cmpi sgt, %select_n3A_106, %sign3A_272 : vector<128x128xi32>
    %sign3A_274 = arith.extui %sign3A_273 : vector<128x128xi1> to vector<128x128xi32>
    %sign3A_275 = arith.constant 0 : i32
    %sign3A_276 = vector.broadcast %sign3A_275 : i32 to vector<128x128xi32>
    %sign3A_277 = arith.cmpi slt, %select_n3A_106, %sign3A_276 : vector<128x128xi32>
    %sign3A_278 = arith.extui %sign3A_277 : vector<128x128xi1> to vector<128x128xi32>
    %sign3A_279 = arith.subi %sign3A_274, %sign3A_278 : vector<128x128xi32>
    %sign3A_280 = arith.constant 0 : i32
    %sign3A_281 = arith.cmpi sgt, %jit3A_268, %sign3A_280 : i32
    %sign3A_282 = arith.extui %sign3A_281 : i1 to i32
    %sign3A_283 = arith.constant 0 : i32
    %sign3A_284 = arith.cmpi slt, %jit3A_268, %sign3A_283 : i32
    %sign3A_285 = arith.extui %sign3A_284 : i1 to i32
    %sign3A_286 = arith.subi %sign3A_282, %sign3A_285 : i32
    %ne3A_287 = vector.broadcast %sign3A_286 : i32 to vector<128x128xi32>
    %ne3A_288 = arith.cmpi ne, %sign3A_279, %ne3A_287 : vector<128x128xi32>
    %rem3A_289 = vector.broadcast %jit3A_268 : i32 to vector<128x128xi32>
    %rem3A_290 = arith.remsi %select_n3A_106, %rem3A_289 : vector<128x128xi32>
    %ne3A_291 = arith.constant 0 : i32
    %ne3A_292 = vector.broadcast %ne3A_291 : i32 to vector<128x128xi32>
    %ne3A_293 = arith.cmpi ne, %rem3A_290, %ne3A_292 : vector<128x128xi32>
    %and3A_294 = arith.andi %ne3A_288, %ne3A_293 : vector<128x128xi1>
    %sub3A_295 = arith.constant 1 : i32
    %sub3A_296 = vector.broadcast %sub3A_295 : i32 to vector<128x128xi32>
    %sub3A_297 = arith.subi %div3A_270, %sub3A_296 : vector<128x128xi32>
    %select_n3A_298 = arith.select %and3A_294, %sub3A_297, %div3A_270 : vector<128x128xi1>, vector<128x128xi32>
    %eq3A_299 = arith.cmpi eq, %select_n3A_84, %select_n3A_298 : vector<128x128xi32>
    %and3A_300 = arith.andi %eq3A, %eq3A_299 : vector<128x128xi1>
    %convert_element_type3A_301 = arith.extui %and3A_300 : vector<128x128xi1> to vector<128x128xi32>
    %convert_element_type3A_302 = arith.sitofp %convert_element_type3A_301 : vector<128x128xi32> to vector<128x128xf32>
    %jit3A_303 = arith.constant 3 : i32
    %eq3A_304 = arith.constant 0 : i32
    %eq3A_305 = arith.cmpi eq, %jit3A_303, %eq3A_304 : i32
    %jit3A_306 = arith.constant 1 : i32
    %select_n3A_307 = arith.select %eq3A_305, %jit3A_306, %jit3A_303 : i32
    %rem3A_308 = vector.broadcast %select_n3A_307 : i32 to vector<128x128xi32>
    %rem3A_309 = arith.remsi %select_n3A_106, %rem3A_308 : vector<128x128xi32>
    %ne3A_310 = arith.constant 0 : i32
    %ne3A_311 = vector.broadcast %ne3A_310 : i32 to vector<128x128xi32>
    %ne3A_312 = arith.cmpi ne, %rem3A_309, %ne3A_311 : vector<128x128xi32>
    %lt3A_313 = arith.constant 0 : i32
    %lt3A_314 = vector.broadcast %lt3A_313 : i32 to vector<128x128xi32>
    %lt3A_315 = arith.cmpi slt, %rem3A_309, %lt3A_314 : vector<128x128xi32>
    %lt3A_316 = arith.constant 0 : i32
    %lt3A_317 = arith.cmpi slt, %select_n3A_307, %lt3A_316 : i32
    %ne3A_318 = vector.broadcast %lt3A_317 : i1 to vector<128x128xi1>
    %ne3A_319 = vector.broadcast %ne3A_318 : vector<128x128xi1> to vector<128x128xi1>
    %ne3A_320 = arith.xori %lt3A_315, %ne3A_319 : vector<128x128xi1>
    %and3A_321 = arith.andi %ne3A_320, %ne3A_312 : vector<128x128xi1>
    %add3A_322 = vector.broadcast %select_n3A_307 : i32 to vector<128x128xi32>
    %add3A_323 = arith.addi %rem3A_309, %add3A_322 : vector<128x128xi32>
    %select_n3A_324 = arith.select %and3A_321, %add3A_323, %rem3A_309 : vector<128x128xi1>, vector<128x128xi32>
    %eq3A_325 = arith.cmpi eq, %select_n3A_84, %select_n3A_324 : vector<128x128xi32>
    %and3A_326 = arith.andi %eq3A, %eq3A_325 : vector<128x128xi1>
    %convert_element_type3A_327 = arith.extui %and3A_326 : vector<128x128xi1> to vector<128x128xi32>
    %convert_element_type3A_328 = arith.sitofp %convert_element_type3A_327 : vector<128x128xi32> to vector<128x128xf32>
    %lt3A_329 = arith.constant 8 : i32
    %lt3A_330 = vector.broadcast %lt3A_329 : i32 to vector<128x128xi32>
    %lt3A_331 = arith.cmpi slt, %select_n3A_106, %lt3A_330 : vector<128x128xi32>
    %and3A_332 = arith.andi %eq3A, %lt3A_331 : vector<128x128xi1>
    %add3A_333 = arith.constant 16 : i32
    %add3A_334 = vector.broadcast %add3A_333 : i32 to vector<128x128xi32>
    %add3A_335 = arith.addi %select_n3A_106, %add3A_334 : vector<128x128xi32>
    %jit3A_336 = arith.constant 3 : i32
    %div3A_337 = vector.broadcast %jit3A_336 : i32 to vector<128x128xi32>
    %div3A_338 = arith.divsi %add3A_335, %div3A_337 : vector<128x128xi32>
    %sign3A_339 = arith.constant 0 : i32
    %sign3A_340 = vector.broadcast %sign3A_339 : i32 to vector<128x128xi32>
    %sign3A_341 = arith.cmpi sgt, %add3A_335, %sign3A_340 : vector<128x128xi32>
    %sign3A_342 = arith.extui %sign3A_341 : vector<128x128xi1> to vector<128x128xi32>
    %sign3A_343 = arith.constant 0 : i32
    %sign3A_344 = vector.broadcast %sign3A_343 : i32 to vector<128x128xi32>
    %sign3A_345 = arith.cmpi slt, %add3A_335, %sign3A_344 : vector<128x128xi32>
    %sign3A_346 = arith.extui %sign3A_345 : vector<128x128xi1> to vector<128x128xi32>
    %sign3A_347 = arith.subi %sign3A_342, %sign3A_346 : vector<128x128xi32>
    %sign3A_348 = arith.constant 0 : i32
    %sign3A_349 = arith.cmpi sgt, %jit3A_336, %sign3A_348 : i32
    %sign3A_350 = arith.extui %sign3A_349 : i1 to i32
    %sign3A_351 = arith.constant 0 : i32
    %sign3A_352 = arith.cmpi slt, %jit3A_336, %sign3A_351 : i32
    %sign3A_353 = arith.extui %sign3A_352 : i1 to i32
    %sign3A_354 = arith.subi %sign3A_350, %sign3A_353 : i32
    %ne3A_355 = vector.broadcast %sign3A_354 : i32 to vector<128x128xi32>
    %ne3A_356 = arith.cmpi ne, %sign3A_347, %ne3A_355 : vector<128x128xi32>
    %rem3A_357 = vector.broadcast %jit3A_336 : i32 to vector<128x128xi32>
    %rem3A_358 = arith.remsi %add3A_335, %rem3A_357 : vector<128x128xi32>
    %ne3A_359 = arith.constant 0 : i32
    %ne3A_360 = vector.broadcast %ne3A_359 : i32 to vector<128x128xi32>
    %ne3A_361 = arith.cmpi ne, %rem3A_358, %ne3A_360 : vector<128x128xi32>
    %and3A_362 = arith.andi %ne3A_356, %ne3A_361 : vector<128x128xi1>
    %sub3A_363 = arith.constant 1 : i32
    %sub3A_364 = vector.broadcast %sub3A_363 : i32 to vector<128x128xi32>
    %sub3A_365 = arith.subi %div3A_338, %sub3A_364 : vector<128x128xi32>
    %select_n3A_366 = arith.select %and3A_362, %sub3A_365, %div3A_338 : vector<128x128xi1>, vector<128x128xi32>
    %eq3A_367 = arith.cmpi eq, %select_n3A_84, %select_n3A_366 : vector<128x128xi32>
    %and3A_368 = arith.andi %and3A_332, %eq3A_367 : vector<128x128xi1>
    %convert_element_type3A_369 = arith.extui %and3A_368 : vector<128x128xi1> to vector<128x128xi32>
    %convert_element_type3A_370 = arith.sitofp %convert_element_type3A_369 : vector<128x128xi32> to vector<128x128xf32>
    %lt3A_371 = arith.constant 8 : i32
    %lt3A_372 = vector.broadcast %lt3A_371 : i32 to vector<128x128xi32>
    %lt3A_373 = arith.cmpi slt, %select_n3A_106, %lt3A_372 : vector<128x128xi32>
    %and3A_374 = arith.andi %eq3A, %lt3A_373 : vector<128x128xi1>
    %add3A_375 = arith.constant 16 : i32
    %add3A_376 = vector.broadcast %add3A_375 : i32 to vector<128x128xi32>
    %add3A_377 = arith.addi %select_n3A_106, %add3A_376 : vector<128x128xi32>
    %jit3A_378 = arith.constant 3 : i32
    %eq3A_379 = arith.constant 0 : i32
    %eq3A_380 = arith.cmpi eq, %jit3A_378, %eq3A_379 : i32
    %jit3A_381 = arith.constant 1 : i32
    %select_n3A_382 = arith.select %eq3A_380, %jit3A_381, %jit3A_378 : i32
    %rem3A_383 = vector.broadcast %select_n3A_382 : i32 to vector<128x128xi32>
    %rem3A_384 = arith.remsi %add3A_377, %rem3A_383 : vector<128x128xi32>
    %ne3A_385 = arith.constant 0 : i32
    %ne3A_386 = vector.broadcast %ne3A_385 : i32 to vector<128x128xi32>
    %ne3A_387 = arith.cmpi ne, %rem3A_384, %ne3A_386 : vector<128x128xi32>
    %lt3A_388 = arith.constant 0 : i32
    %lt3A_389 = vector.broadcast %lt3A_388 : i32 to vector<128x128xi32>
    %lt3A_390 = arith.cmpi slt, %rem3A_384, %lt3A_389 : vector<128x128xi32>
    %lt3A_391 = arith.constant 0 : i32
    %lt3A_392 = arith.cmpi slt, %select_n3A_382, %lt3A_391 : i32
    %ne3A_393 = vector.broadcast %lt3A_392 : i1 to vector<128x128xi1>
    %ne3A_394 = vector.broadcast %ne3A_393 : vector<128x128xi1> to vector<128x128xi1>
    %ne3A_395 = arith.xori %lt3A_390, %ne3A_394 : vector<128x128xi1>
    %and3A_396 = arith.andi %ne3A_395, %ne3A_387 : vector<128x128xi1>
    %add3A_397 = vector.broadcast %select_n3A_382 : i32 to vector<128x128xi32>
    %add3A_398 = arith.addi %rem3A_384, %add3A_397 : vector<128x128xi32>
    %select_n3A_399 = arith.select %and3A_396, %add3A_398, %rem3A_384 : vector<128x128xi1>, vector<128x128xi32>
    %eq3A_400 = arith.cmpi eq, %select_n3A_84, %select_n3A_399 : vector<128x128xi32>
    %and3A_401 = arith.andi %and3A_374, %eq3A_400 : vector<128x128xi1>
    %convert_element_type3A_402 = arith.extui %and3A_401 : vector<128x128xi1> to vector<128x128xi32>
    %convert_element_type3A_403 = arith.sitofp %convert_element_type3A_402 : vector<128x128xi32> to vector<128x128xf32>
    %lt3A_404 = arith.constant 3 : i32
    %lt3A_405 = vector.broadcast %lt3A_404 : i32 to vector<128x128xi32>
    %lt3A_406 = arith.cmpi slt, %select_n3A_84, %lt3A_405 : vector<128x128xi32>
    %and3A_407 = arith.andi %eq3A, %lt3A_406 : vector<128x128xi1>
    %add3A_408 = arith.constant 8 : i32
    %add3A_409 = vector.broadcast %add3A_408 : i32 to vector<128x128xi32>
    %add3A_410 = arith.addi %add3A_409, %select_n3A_84 : vector<128x128xi32>
    %eq3A_411 = arith.cmpi eq, %select_n3A_106, %add3A_410 : vector<128x128xi32>
    %and3A_412 = arith.andi %and3A_407, %eq3A_411 : vector<128x128xi1>
    %convert_element_type3A_413 = arith.extui %and3A_412 : vector<128x128xi1> to vector<128x128xi32>
    %convert_element_type3A_414 = arith.sitofp %convert_element_type3A_413 : vector<128x128xi32> to vector<128x128xf32>
    %concatenate3A = tpu.concatenate %get3A_3, %get3A_3, %get3A_3, %get3A_3, %get3A_3, %get3A_3, %get3A_3, %get3A_3, %get3A_3, %get3A_3, %get3A_3, %get3A_3, %get3A_3, %get3A_3, %get3A_3, %get3A_3 in 0 : vector<128x128xf32>, vector<128x128xf32>, vector<128x128xf32>, vector<128x128xf32>, vector<128x128xf32>, vector<128x128xf32>, vector<128x128xf32>, vector<128x128xf32>, vector<128x128xf32>, vector<128x128xf32>, vector<128x128xf32>, vector<128x128xf32>, vector<128x128xf32>, vector<128x128xf32>, vector<128x128xf32>, vector<128x128xf32> -> vector<2048x128xf32>
    %get3A_415 = arith.constant 0 : index
    %get3A_416 = arith.constant 0 : index
    %get3A_417 = arith.constant 0 : index
    %get3A_418 = vector.load %arg1[%get3A_415, %get3A_416, %get3A_417] : memref<1x2048x128xf32, #tpu.memory_space<vmem>>, vector<1x2048x128xf32>
    %get3A_419 = vector.shape_cast %get3A_418 : vector<1x2048x128xf32> to vector<2048x128xf32>
    %sub3A_420 = arith.subf %get3A_419, %concatenate3A : vector<2048x128xf32>
    %dot_general3A_421 = arith.constant dense<0.000000e+00> : vector<2048x128xf32>
    %dot_general3A_422 = tpu.matmul %sub3A_420, %add3A_168, %dot_general3A_421 {dimension_numbers = #tpu.dot_dimension_numbers<[1], [0], [0], [1], [0, 0, 1, 1], [], []>, transpose_lhs_hint = false} : vector<2048x128xf32>, vector<128x128xf32>, vector<2048x128xf32> -> vector<2048x128xf32>
    %mul3A_423 = arith.mulf %sub3A_420, %sub3A_420 : vector<2048x128xf32>
    %dot_general3A_424 = arith.constant dense<0.000000e+00> : vector<2048x128xf32>
    %dot_general3A_425 = tpu.matmul %mul3A_423, %convert_element_type3A_174, %dot_general3A_424 {dimension_numbers = #tpu.dot_dimension_numbers<[1], [0], [0], [1], [0, 0, 1, 1], [], []>, transpose_lhs_hint = false} : vector<2048x128xf32>, vector<128x128xf32>, vector<2048x128xf32> -> vector<2048x128xf32>
    %mul3A_426 = arith.constant 2.000000e+00 : f32
    %mul3A_427 = vector.broadcast %mul3A_426 : f32 to vector<2048x128xf32>
    %mul3A_428 = arith.mulf %mul3A_427, %dot_general3A_422 : vector<2048x128xf32>
    %sub3A_429 = arith.subf %dot_general3A_425, %mul3A_428 : vector<2048x128xf32>
    %add3A_430 = vector.broadcast %broadcast_in_dim3A : vector<1x128xf32> to vector<2048x128xf32>
    %add3A_431 = arith.addf %sub3A_429, %add3A_430 : vector<2048x128xf32>
    %neg3A = arith.constant 0.000000e+00 : f32
    %neg3A_432 = vector.broadcast %neg3A : f32 to vector<2048x128xf32>
    %neg3A_433 = arith.subf %neg3A_432, %add3A_431 : vector<2048x128xf32>
    %exp3A = math.exp %neg3A_433 : vector<2048x128xf32>
    %dot_general3A_434 = arith.constant dense<0.000000e+00> : vector<2048x128xf32>
    %dot_general3A_435 = tpu.matmul %exp3A, %add3A_267, %dot_general3A_434 {dimension_numbers = #tpu.dot_dimension_numbers<[1], [0], [0], [1], [0, 0, 1, 1], [], []>, transpose_lhs_hint = false} : vector<2048x128xf32>, vector<128x128xf32>, vector<2048x128xf32> -> vector<2048x128xf32>
    %sqrt3A = math.sqrt %dot_general3A_425 : vector<2048x128xf32>
    %add3A_436 = arith.constant 9.99999993E-9 : f32
    %add3A_437 = vector.broadcast %add3A_436 : f32 to vector<2048x128xf32>
    %add3A_438 = arith.addf %sqrt3A, %add3A_437 : vector<2048x128xf32>
    %div3A_439 = arith.constant 1.000000e+00 : f32
    %div3A_440 = vector.broadcast %div3A_439 : f32 to vector<2048x128xf32>
    %div3A_441 = arith.divf %div3A_440, %add3A_438 : vector<2048x128xf32>
    %mul3A_442 = arith.mulf %sub3A_420, %div3A_441 : vector<2048x128xf32>
    %dot_general3A_443 = arith.constant dense<0.000000e+00> : vector<2048x128xf32>
    %dot_general3A_444 = tpu.matmul %dot_general3A_435, %convert_element_type3A_302, %dot_general3A_443 {dimension_numbers = #tpu.dot_dimension_numbers<[1], [0], [0], [1], [0, 0, 1, 1], [], []>, transpose_lhs_hint = false} : vector<2048x128xf32>, vector<128x128xf32>, vector<2048x128xf32> -> vector<2048x128xf32>
    %dot_general3A_445 = arith.constant dense<0.000000e+00> : vector<2048x128xf32>
    %dot_general3A_446 = tpu.matmul %mul3A_442, %convert_element_type3A_328, %dot_general3A_445 {dimension_numbers = #tpu.dot_dimension_numbers<[1], [0], [0], [1], [0, 0, 1, 1], [], []>, transpose_lhs_hint = false} : vector<2048x128xf32>, vector<128x128xf32>, vector<2048x128xf32> -> vector<2048x128xf32>
    %mul3A_447 = arith.mulf %dot_general3A_444, %dot_general3A_446 : vector<2048x128xf32>
    %dot_general3A_448 = arith.constant dense<0.000000e+00> : vector<2048x128xf32>
    %dot_general3A_449 = tpu.matmul %dot_general3A_435, %convert_element_type3A_370, %dot_general3A_448 {dimension_numbers = #tpu.dot_dimension_numbers<[1], [0], [0], [1], [0, 0, 1, 1], [], []>, transpose_lhs_hint = false} : vector<2048x128xf32>, vector<128x128xf32>, vector<2048x128xf32> -> vector<2048x128xf32>
    %dot_general3A_450 = arith.constant dense<0.000000e+00> : vector<2048x128xf32>
    %dot_general3A_451 = tpu.matmul %mul3A_442, %convert_element_type3A_403, %dot_general3A_450 {dimension_numbers = #tpu.dot_dimension_numbers<[1], [0], [0], [1], [0, 0, 1, 1], [], []>, transpose_lhs_hint = false} : vector<2048x128xf32>, vector<128x128xf32>, vector<2048x128xf32> -> vector<2048x128xf32>
    %mul3A_452 = arith.mulf %dot_general3A_449, %dot_general3A_451 : vector<2048x128xf32>
    %broadcast_in_dim3A_453 = arith.constant 0.000000e+00 : f32
    %broadcast_in_dim3A_454 = vector.broadcast %broadcast_in_dim3A_453 : f32 to vector<128x128xf32>
    %broadcast_in_dim3A_455 = arith.constant 0.000000e+00 : f32
    %broadcast_in_dim3A_456 = vector.broadcast %broadcast_in_dim3A_455 : f32 to vector<128x128xf32>
    %slice3A_457 = vector.extract_strided_slice %mul3A_447 {offsets = [0, 0], sizes = [128, 128], strides = [1, 1]} : vector<2048x128xf32> to vector<128x128xf32>
    %add3A_458 = arith.addf %broadcast_in_dim3A_454, %slice3A_457 : vector<128x128xf32>
    %slice3A_459 = vector.extract_strided_slice %mul3A_452 {offsets = [0, 0], sizes = [128, 128], strides = [1, 1]} : vector<2048x128xf32> to vector<128x128xf32>
    %add3A_460 = arith.addf %broadcast_in_dim3A_456, %slice3A_459 : vector<128x128xf32>
    %slice3A_461 = vector.extract_strided_slice %mul3A_447 {offsets = [128, 0], sizes = [128, 128], strides = [1, 1]} : vector<2048x128xf32> to vector<128x128xf32>
    %add3A_462 = arith.addf %add3A_458, %slice3A_461 : vector<128x128xf32>
    %slice3A_463 = vector.extract_strided_slice %mul3A_452 {offsets = [128, 0], sizes = [128, 128], strides = [1, 1]} : vector<2048x128xf32> to vector<128x128xf32>
    %add3A_464 = arith.addf %add3A_460, %slice3A_463 : vector<128x128xf32>
    %slice3A_465 = vector.extract_strided_slice %mul3A_447 {offsets = [256, 0], sizes = [128, 128], strides = [1, 1]} : vector<2048x128xf32> to vector<128x128xf32>
    %add3A_466 = arith.addf %add3A_462, %slice3A_465 : vector<128x128xf32>
    %slice3A_467 = vector.extract_strided_slice %mul3A_452 {offsets = [256, 0], sizes = [128, 128], strides = [1, 1]} : vector<2048x128xf32> to vector<128x128xf32>
    %add3A_468 = arith.addf %add3A_464, %slice3A_467 : vector<128x128xf32>
    %slice3A_469 = vector.extract_strided_slice %mul3A_447 {offsets = [384, 0], sizes = [128, 128], strides = [1, 1]} : vector<2048x128xf32> to vector<128x128xf32>
    %add3A_470 = arith.addf %add3A_466, %slice3A_469 : vector<128x128xf32>
    %slice3A_471 = vector.extract_strided_slice %mul3A_452 {offsets = [384, 0], sizes = [128, 128], strides = [1, 1]} : vector<2048x128xf32> to vector<128x128xf32>
    %add3A_472 = arith.addf %add3A_468, %slice3A_471 : vector<128x128xf32>
    %slice3A_473 = vector.extract_strided_slice %mul3A_447 {offsets = [512, 0], sizes = [128, 128], strides = [1, 1]} : vector<2048x128xf32> to vector<128x128xf32>
    %add3A_474 = arith.addf %add3A_470, %slice3A_473 : vector<128x128xf32>
    %slice3A_475 = vector.extract_strided_slice %mul3A_452 {offsets = [512, 0], sizes = [128, 128], strides = [1, 1]} : vector<2048x128xf32> to vector<128x128xf32>
    %add3A_476 = arith.addf %add3A_472, %slice3A_475 : vector<128x128xf32>
    %slice3A_477 = vector.extract_strided_slice %mul3A_447 {offsets = [640, 0], sizes = [128, 128], strides = [1, 1]} : vector<2048x128xf32> to vector<128x128xf32>
    %add3A_478 = arith.addf %add3A_474, %slice3A_477 : vector<128x128xf32>
    %slice3A_479 = vector.extract_strided_slice %mul3A_452 {offsets = [640, 0], sizes = [128, 128], strides = [1, 1]} : vector<2048x128xf32> to vector<128x128xf32>
    %add3A_480 = arith.addf %add3A_476, %slice3A_479 : vector<128x128xf32>
    %slice3A_481 = vector.extract_strided_slice %mul3A_447 {offsets = [768, 0], sizes = [128, 128], strides = [1, 1]} : vector<2048x128xf32> to vector<128x128xf32>
    %add3A_482 = arith.addf %add3A_478, %slice3A_481 : vector<128x128xf32>
    %slice3A_483 = vector.extract_strided_slice %mul3A_452 {offsets = [768, 0], sizes = [128, 128], strides = [1, 1]} : vector<2048x128xf32> to vector<128x128xf32>
    %add3A_484 = arith.addf %add3A_480, %slice3A_483 : vector<128x128xf32>
    %slice3A_485 = vector.extract_strided_slice %mul3A_447 {offsets = [896, 0], sizes = [128, 128], strides = [1, 1]} : vector<2048x128xf32> to vector<128x128xf32>
    %add3A_486 = arith.addf %add3A_482, %slice3A_485 : vector<128x128xf32>
    %slice3A_487 = vector.extract_strided_slice %mul3A_452 {offsets = [896, 0], sizes = [128, 128], strides = [1, 1]} : vector<2048x128xf32> to vector<128x128xf32>
    %add3A_488 = arith.addf %add3A_484, %slice3A_487 : vector<128x128xf32>
    %slice3A_489 = vector.extract_strided_slice %mul3A_447 {offsets = [1024, 0], sizes = [128, 128], strides = [1, 1]} : vector<2048x128xf32> to vector<128x128xf32>
    %add3A_490 = arith.addf %add3A_486, %slice3A_489 : vector<128x128xf32>
    %slice3A_491 = vector.extract_strided_slice %mul3A_452 {offsets = [1024, 0], sizes = [128, 128], strides = [1, 1]} : vector<2048x128xf32> to vector<128x128xf32>
    %add3A_492 = arith.addf %add3A_488, %slice3A_491 : vector<128x128xf32>
    %slice3A_493 = vector.extract_strided_slice %mul3A_447 {offsets = [1152, 0], sizes = [128, 128], strides = [1, 1]} : vector<2048x128xf32> to vector<128x128xf32>
    %add3A_494 = arith.addf %add3A_490, %slice3A_493 : vector<128x128xf32>
    %slice3A_495 = vector.extract_strided_slice %mul3A_452 {offsets = [1152, 0], sizes = [128, 128], strides = [1, 1]} : vector<2048x128xf32> to vector<128x128xf32>
    %add3A_496 = arith.addf %add3A_492, %slice3A_495 : vector<128x128xf32>
    %slice3A_497 = vector.extract_strided_slice %mul3A_447 {offsets = [1280, 0], sizes = [128, 128], strides = [1, 1]} : vector<2048x128xf32> to vector<128x128xf32>
    %add3A_498 = arith.addf %add3A_494, %slice3A_497 : vector<128x128xf32>
    %slice3A_499 = vector.extract_strided_slice %mul3A_452 {offsets = [1280, 0], sizes = [128, 128], strides = [1, 1]} : vector<2048x128xf32> to vector<128x128xf32>
    %add3A_500 = arith.addf %add3A_496, %slice3A_499 : vector<128x128xf32>
    %slice3A_501 = vector.extract_strided_slice %mul3A_447 {offsets = [1408, 0], sizes = [128, 128], strides = [1, 1]} : vector<2048x128xf32> to vector<128x128xf32>
    %add3A_502 = arith.addf %add3A_498, %slice3A_501 : vector<128x128xf32>
    %slice3A_503 = vector.extract_strided_slice %mul3A_452 {offsets = [1408, 0], sizes = [128, 128], strides = [1, 1]} : vector<2048x128xf32> to vector<128x128xf32>
    %add3A_504 = arith.addf %add3A_500, %slice3A_503 : vector<128x128xf32>
    %slice3A_505 = vector.extract_strided_slice %mul3A_447 {offsets = [1536, 0], sizes = [128, 128], strides = [1, 1]} : vector<2048x128xf32> to vector<128x128xf32>
    %add3A_506 = arith.addf %add3A_502, %slice3A_505 : vector<128x128xf32>
    %slice3A_507 = vector.extract_strided_slice %mul3A_452 {offsets = [1536, 0], sizes = [128, 128], strides = [1, 1]} : vector<2048x128xf32> to vector<128x128xf32>
    %add3A_508 = arith.addf %add3A_504, %slice3A_507 : vector<128x128xf32>
    %slice3A_509 = vector.extract_strided_slice %mul3A_447 {offsets = [1664, 0], sizes = [128, 128], strides = [1, 1]} : vector<2048x128xf32> to vector<128x128xf32>
    %add3A_510 = arith.addf %add3A_506, %slice3A_509 : vector<128x128xf32>
    %slice3A_511 = vector.extract_strided_slice %mul3A_452 {offsets = [1664, 0], sizes = [128, 128], strides = [1, 1]} : vector<2048x128xf32> to vector<128x128xf32>
    %add3A_512 = arith.addf %add3A_508, %slice3A_511 : vector<128x128xf32>
    %slice3A_513 = vector.extract_strided_slice %mul3A_447 {offsets = [1792, 0], sizes = [128, 128], strides = [1, 1]} : vector<2048x128xf32> to vector<128x128xf32>
    %add3A_514 = arith.addf %add3A_510, %slice3A_513 : vector<128x128xf32>
    %slice3A_515 = vector.extract_strided_slice %mul3A_452 {offsets = [1792, 0], sizes = [128, 128], strides = [1, 1]} : vector<2048x128xf32> to vector<128x128xf32>
    %add3A_516 = arith.addf %add3A_512, %slice3A_515 : vector<128x128xf32>
    %slice3A_517 = vector.extract_strided_slice %mul3A_447 {offsets = [1920, 0], sizes = [128, 128], strides = [1, 1]} : vector<2048x128xf32> to vector<128x128xf32>
    %add3A_518 = arith.addf %add3A_514, %slice3A_517 : vector<128x128xf32>
    %slice3A_519 = vector.extract_strided_slice %mul3A_452 {offsets = [1920, 0], sizes = [128, 128], strides = [1, 1]} : vector<2048x128xf32> to vector<128x128xf32>
    %add3A_520 = arith.addf %add3A_516, %slice3A_519 : vector<128x128xf32>
    %div3A_521 = arith.constant 1.600000e+01 : f32
    %div3A_522 = vector.broadcast %div3A_521 : f32 to vector<128x128xf32>
    %div3A_523 = arith.divf %add3A_518, %div3A_522 : vector<128x128xf32>
    %logistic3A = arith.negf %div3A_523 : vector<128x128xf32>
    %logistic3A_524 = math.exp %logistic3A : vector<128x128xf32>
    %logistic3A_525 = arith.constant 1.000000e+00 : f32
    %logistic3A_526 = vector.broadcast %logistic3A_525 : f32 to vector<128x128xf32>
    %logistic3A_527 = arith.addf %logistic3A_526, %logistic3A_524 : vector<128x128xf32>
    %logistic3A_528 = arith.divf %logistic3A_526, %logistic3A_527 : vector<128x128xf32>
    %swap3A = arith.constant 0 : index
    %swap3A_529 = arith.constant 0 : index
    %swap3A_530 = arith.constant 0 : index
    %swap3A_531 = vector.load %arg5[%swap3A, %swap3A_529, %swap3A_530] : memref<1x128x128xf32, #tpu.memory_space<vmem>>, vector<1x128x128xf32>
    %swap3A_532 = vector.shape_cast %swap3A_531 : vector<1x128x128xf32> to vector<128x128xf32>
    %swap3A_533 = vector.shape_cast %logistic3A_528 : vector<128x128xf32> to vector<1x128x128xf32>
    tpu.vector_store %arg5[%swap3A, %swap3A_529, %swap3A_530], %swap3A_533 {strides = array<i32>} : memref<1x128x128xf32, #tpu.memory_space<vmem>>, vector<1x128x128xf32>,
    %lt3A_534 = arith.constant 8 : i32
    %lt3A_535 = vector.broadcast %lt3A_534 : i32 to vector<128x128xi32>
    %lt3A_536 = arith.cmpi slt, %select_n3A_106, %lt3A_535 : vector<128x128xi32>
    %div3A_537 = arith.constant 1.600000e+01 : f32
    %div3A_538 = vector.broadcast %div3A_537 : f32 to vector<128x128xf32>
    %div3A_539 = arith.divf %add3A_520, %div3A_538 : vector<128x128xf32>
    %logistic3A_540 = arith.negf %div3A_539 : vector<128x128xf32>
    %logistic3A_541 = math.exp %logistic3A_540 : vector<128x128xf32>
    %logistic3A_542 = arith.constant 1.000000e+00 : f32
    %logistic3A_543 = vector.broadcast %logistic3A_542 : f32 to vector<128x128xf32>
    %logistic3A_544 = arith.addf %logistic3A_543, %logistic3A_541 : vector<128x128xf32>
    %logistic3A_545 = arith.divf %logistic3A_543, %logistic3A_544 : vector<128x128xf32>
    %jit3A_546 = arith.constant 0.000000e+00 : f32
    %broadcast_in_dim3A_547 = vector.broadcast %jit3A_546 : f32 to vector<128x128xf32>
    %select_n3A_548 = arith.select %lt3A_536, %logistic3A_545, %broadcast_in_dim3A_547 : vector<128x128xi1>, vector<128x128xf32>
    %dot_general3A_549 = arith.constant dense<0.000000e+00> : vector<128x128xf32>
    %dot_general3A_550 = tpu.matmul %get3A_3, %convert_element_type3A_414, %dot_general3A_549 {dimension_numbers = #tpu.dot_dimension_numbers<[1], [0], [0], [1], [0, 0, 1, 1], [], []>, transpose_lhs_hint = false} : vector<128x128xf32>, vector<128x128xf32>, vector<128x128xf32> -> vector<128x128xf32>
    %add3A_551 = arith.addf %select_n3A_548, %dot_general3A_550 : vector<128x128xf32>
    %swap3A_552 = arith.constant 0 : index
    %swap3A_553 = arith.constant 0 : index
    %swap3A_554 = arith.constant 0 : index
    %swap3A_555 = vector.load %arg6[%swap3A_552, %swap3A_553, %swap3A_554] : memref<1x128x128xf32, #tpu.memory_space<vmem>>, vector<1x128x128xf32>
    %swap3A_556 = vector.shape_cast %swap3A_555 : vector<1x128x128xf32> to vector<128x128xf32>
    %swap3A_557 = vector.shape_cast %add3A_551 : vector<128x128xf32> to vector<1x128x128xf32>
    tpu.vector_store %arg6[%swap3A_552, %swap3A_553, %swap3A_554], %swap3A_557 {strides = array<i32>} : memref<1x128x128xf32, #tpu.memory_space<vmem>>, vector<1x128x128xf32>,
    return
  }
  func.func @transform_0(%arg0: i32) -> (i32, i32, i32) {
    %c0_i32 = arith.constant 0 : i32
    %c0_i32_0 = arith.constant 0 : i32
    %c0_i32_1 = arith.constant 0 : i32
    return %arg0, %c0_i32, %c0_i32_0 : i32, i32, i32
  }
  func.func @transform_1(%arg0: i32) -> (i32, i32, i32) {
    %c0_i32 = arith.constant 0 : i32
    %c0_i32_0 = arith.constant 0 : i32
    %c0_i32_1 = arith.constant 0 : i32
    return %arg0, %c0_i32, %c0_i32_0 : i32, i32, i32
  }
  func.func @transform_2(%arg0: i32) -> (i32, i32) {
    %c0_i32 = arith.constant 0 : i32
    %c0_i32_0 = arith.constant 0 : i32
    %c0_i32_1 = arith.constant 0 : i32
    return %c0_i32, %c0_i32_0 : i32, i32
  }
  func.func @transform_3(%arg0: i32) -> (i32, i32) {
    %c0_i32 = arith.constant 0 : i32
    %c0_i32_0 = arith.constant 0 : i32
    %c0_i32_1 = arith.constant 0 : i32
    return %c0_i32, %c0_i32_0 : i32, i32
  }
  func.func @transform_4(%arg0: i32) -> (i32, i32, i32) {
    %c0_i32 = arith.constant 0 : i32
    %c0_i32_0 = arith.constant 0 : i32
    %c0_i32_1 = arith.constant 0 : i32
    return %arg0, %c0_i32, %c0_i32_0 : i32, i32, i32
  }
  func.func @transform_5(%arg0: i32) -> (i32, i32, i32) {
    %c0_i32 = arith.constant 0 : i32
    %c0_i32_0 = arith.constant 0 : i32
    %c0_i32_1 = arith.constant 0 : i32
    return %arg0, %c0_i32, %c0_i32_0 : i32, i32, i32
  }
}

module attributes {stable_mosaic.version = 14 : i64} {
  func.func @_dd_head_body(%arg0: i32, %arg1: memref<1x4096x128xf32, #tpu.memory_space<vmem>>, %arg2: memref<1x256x128xf32, #tpu.memory_space<vmem>>, %arg3: memref<128x1024xf32, #tpu.memory_space<vmem>>, %arg4: memref<1x256xf32, #tpu.memory_space<vmem>>, %arg5: memref<256x256xf32, #tpu.memory_space<vmem>>, %arg6: memref<1x256xf32, #tpu.memory_space<vmem>>, %arg7: memref<256x256xf32, #tpu.memory_space<vmem>>, %arg8: memref<1x256xf32, #tpu.memory_space<vmem>>, %arg9: memref<256x40xf32, #tpu.memory_space<vmem>>, %arg10: memref<1x40xf32, #tpu.memory_space<vmem>>, %arg11: memref<1x1x40xf32, #tpu.memory_space<vmem>>) attributes {dimension_semantics = [#tpu.dimension_semantics<arbitrary>], iteration_bounds = array<i64: 8>, scalar_prefetch = 0 : i64, scratch_operands = 0 : i64, tpu.core_type = #tpu.core_type<tc>, window_params = [{transform_indices = @transform_0, window_bounds = array<i64: 1, 4096, 128>}, {transform_indices = @transform_1, window_bounds = array<i64: 1, 256, 128>}, {pipeline_mode = #tpu.pipeline_mode<synchronous>, transform_indices = @transform_2, window_bounds = array<i64: 128, 1024>}, {pipeline_mode = #tpu.pipeline_mode<synchronous>, transform_indices = @transform_3, window_bounds = array<i64: 1, 256>}, {pipeline_mode = #tpu.pipeline_mode<synchronous>, transform_indices = @transform_4, window_bounds = array<i64: 256, 256>}, {pipeline_mode = #tpu.pipeline_mode<synchronous>, transform_indices = @transform_5, window_bounds = array<i64: 1, 256>}, {pipeline_mode = #tpu.pipeline_mode<synchronous>, transform_indices = @transform_6, window_bounds = array<i64: 256, 256>}, {pipeline_mode = #tpu.pipeline_mode<synchronous>, transform_indices = @transform_7, window_bounds = array<i64: 1, 256>}, {pipeline_mode = #tpu.pipeline_mode<synchronous>, transform_indices = @transform_8, window_bounds = array<i64: 256, 40>}, {pipeline_mode = #tpu.pipeline_mode<synchronous>, transform_indices = @transform_9, window_bounds = array<i64: 1, 40>}, {transform_indices = @transform_10, window_bounds = array<i64: 1, 1, 40>}]} {
    %get3A = arith.constant 0 : index
    %get3A_0 = arith.constant 0 : index
    %get3A_1 = vector.load %arg3[%get3A, %get3A_0] : memref<128x1024xf32, #tpu.memory_space<vmem>>, vector<128x1024xf32>
    %get3A_2 = arith.constant 0 : index
    %get3A_3 = arith.constant 0 : index
    %get3A_4 = vector.load %arg4[%get3A_2, %get3A_3] : memref<1x256xf32, #tpu.memory_space<vmem>>, vector<1x256xf32>
    %get3A_5 = arith.constant 0 : index
    %get3A_6 = arith.constant 0 : index
    %get3A_7 = vector.load %arg5[%get3A_5, %get3A_6] : memref<256x256xf32, #tpu.memory_space<vmem>>, vector<256x256xf32>
    %get3A_8 = arith.constant 0 : index
    %get3A_9 = arith.constant 0 : index
    %get3A_10 = vector.load %arg6[%get3A_8, %get3A_9] : memref<1x256xf32, #tpu.memory_space<vmem>>, vector<1x256xf32>
    %get3A_11 = arith.constant 0 : index
    %get3A_12 = arith.constant 0 : index
    %get3A_13 = arith.constant 0 : index
    %get3A_14 = vector.load %arg2[%get3A_11, %get3A_12, %get3A_13] : memref<1x256x128xf32, #tpu.memory_space<vmem>>, vector<1x256x128xf32>
    %get3A_15 = vector.shape_cast %get3A_14 : vector<1x256x128xf32> to vector<256x128xf32>
    %broadcast_in_dim3A = arith.constant 0.000000e+00 : f32
    %broadcast_in_dim3A_16 = vector.broadcast %broadcast_in_dim3A : f32 to vector<256x256xf32>
    %broadcast_in_dim3A_17 = arith.constant 0.000000e+00 : f32
    %broadcast_in_dim3A_18 = vector.broadcast %broadcast_in_dim3A_17 : f32 to vector<256x256xf32>
    %broadcast_in_dim3A_19 = arith.constant 0.000000e+00 : f32
    %broadcast_in_dim3A_20 = vector.broadcast %broadcast_in_dim3A_19 : f32 to vector<256x256xf32>
    %broadcast_in_dim3A_21 = arith.constant 0.000000e+00 : f32
    %broadcast_in_dim3A_22 = vector.broadcast %broadcast_in_dim3A_21 : f32 to vector<256x256xf32>
    %get3A_23 = arith.constant 0 : index
    %get3A_24 = arith.constant 0 : index
    %get3A_25 = arith.constant 0 : index
    %get3A_26 = vector.load %arg1[%get3A_23, %get3A_24, %get3A_25] : memref<1x4096x128xf32, #tpu.memory_space<vmem>>, vector<1x256x128xf32>
    %get3A_27 = vector.shape_cast %get3A_26 : vector<1x256x128xf32> to vector<256x128xf32>
    %sub3A = arith.subf %get3A_27, %get3A_15 : vector<256x128xf32>
    %dot_general3A = arith.constant dense<0.000000e+00> : vector<256x1024xf32>
    %dot_general3A_28 = tpu.matmul %sub3A, %get3A_1, %dot_general3A {dimension_numbers = #tpu.dot_dimension_numbers<[1], [0], [0], [1], [0, 0, 1, 1], [], []>, transpose_lhs_hint = false} : vector<256x128xf32>, vector<128x1024xf32>, vector<256x1024xf32> -> vector<256x1024xf32>
    %slice3A = vector.extract_strided_slice %dot_general3A_28 {offsets = [0, 0], sizes = [256, 256], strides = [1, 1]} : vector<256x1024xf32> to vector<256x256xf32>
    %add3A = vector.broadcast %get3A_4 : vector<1x256xf32> to vector<256x256xf32>
    %add3A_29 = arith.addf %slice3A, %add3A : vector<256x256xf32>
    %max3A = arith.constant 0.000000e+00 : f32
    %max3A_30 = vector.broadcast %max3A : f32 to vector<256x256xf32>
    %max3A_31 = arith.maximumf %add3A_29, %max3A_30 : vector<256x256xf32>
    %dot_general3A_32 = arith.constant dense<0.000000e+00> : vector<256x256xf32>
    %dot_general3A_33 = tpu.matmul %max3A_31, %get3A_7, %dot_general3A_32 {dimension_numbers = #tpu.dot_dimension_numbers<[1], [0], [0], [1], [0, 0, 1, 1], [], []>, transpose_lhs_hint = false} : vector<256x256xf32>, vector<256x256xf32>, vector<256x256xf32> -> vector<256x256xf32>
    %add3A_34 = vector.broadcast %get3A_10 : vector<1x256xf32> to vector<256x256xf32>
    %add3A_35 = arith.addf %dot_general3A_33, %add3A_34 : vector<256x256xf32>
    %max3A_36 = arith.constant 0.000000e+00 : f32
    %max3A_37 = vector.broadcast %max3A_36 : f32 to vector<256x256xf32>
    %max3A_38 = arith.maximumf %add3A_35, %max3A_37 : vector<256x256xf32>
    %max3A_39 = arith.maximumf %broadcast_in_dim3A_16, %max3A_38 : vector<256x256xf32>
    %slice3A_40 = vector.extract_strided_slice %dot_general3A_28 {offsets = [0, 256], sizes = [256, 256], strides = [1, 1]} : vector<256x1024xf32> to vector<256x256xf32>
    %add3A_41 = vector.broadcast %get3A_4 : vector<1x256xf32> to vector<256x256xf32>
    %add3A_42 = arith.addf %slice3A_40, %add3A_41 : vector<256x256xf32>
    %max3A_43 = arith.constant 0.000000e+00 : f32
    %max3A_44 = vector.broadcast %max3A_43 : f32 to vector<256x256xf32>
    %max3A_45 = arith.maximumf %add3A_42, %max3A_44 : vector<256x256xf32>
    %dot_general3A_46 = arith.constant dense<0.000000e+00> : vector<256x256xf32>
    %dot_general3A_47 = tpu.matmul %max3A_45, %get3A_7, %dot_general3A_46 {dimension_numbers = #tpu.dot_dimension_numbers<[1], [0], [0], [1], [0, 0, 1, 1], [], []>, transpose_lhs_hint = false} : vector<256x256xf32>, vector<256x256xf32>, vector<256x256xf32> -> vector<256x256xf32>
    %add3A_48 = vector.broadcast %get3A_10 : vector<1x256xf32> to vector<256x256xf32>
    %add3A_49 = arith.addf %dot_general3A_47, %add3A_48 : vector<256x256xf32>
    %max3A_50 = arith.constant 0.000000e+00 : f32
    %max3A_51 = vector.broadcast %max3A_50 : f32 to vector<256x256xf32>
    %max3A_52 = arith.maximumf %add3A_49, %max3A_51 : vector<256x256xf32>
    %max3A_53 = arith.maximumf %broadcast_in_dim3A_18, %max3A_52 : vector<256x256xf32>
    %slice3A_54 = vector.extract_strided_slice %dot_general3A_28 {offsets = [0, 512], sizes = [256, 256], strides = [1, 1]} : vector<256x1024xf32> to vector<256x256xf32>
    %add3A_55 = vector.broadcast %get3A_4 : vector<1x256xf32> to vector<256x256xf32>
    %add3A_56 = arith.addf %slice3A_54, %add3A_55 : vector<256x256xf32>
    %max3A_57 = arith.constant 0.000000e+00 : f32
    %max3A_58 = vector.broadcast %max3A_57 : f32 to vector<256x256xf32>
    %max3A_59 = arith.maximumf %add3A_56, %max3A_58 : vector<256x256xf32>
    %dot_general3A_60 = arith.constant dense<0.000000e+00> : vector<256x256xf32>
    %dot_general3A_61 = tpu.matmul %max3A_59, %get3A_7, %dot_general3A_60 {dimension_numbers = #tpu.dot_dimension_numbers<[1], [0], [0], [1], [0, 0, 1, 1], [], []>, transpose_lhs_hint = false} : vector<256x256xf32>, vector<256x256xf32>, vector<256x256xf32> -> vector<256x256xf32>
    %add3A_62 = vector.broadcast %get3A_10 : vector<1x256xf32> to vector<256x256xf32>
    %add3A_63 = arith.addf %dot_general3A_61, %add3A_62 : vector<256x256xf32>
    %max3A_64 = arith.constant 0.000000e+00 : f32
    %max3A_65 = vector.broadcast %max3A_64 : f32 to vector<256x256xf32>
    %max3A_66 = arith.maximumf %add3A_63, %max3A_65 : vector<256x256xf32>
    %max3A_67 = arith.maximumf %broadcast_in_dim3A_20, %max3A_66 : vector<256x256xf32>
    %slice3A_68 = vector.extract_strided_slice %dot_general3A_28 {offsets = [0, 768], sizes = [256, 256], strides = [1, 1]} : vector<256x1024xf32> to vector<256x256xf32>
    %add3A_69 = vector.broadcast %get3A_4 : vector<1x256xf32> to vector<256x256xf32>
    %add3A_70 = arith.addf %slice3A_68, %add3A_69 : vector<256x256xf32>
    %max3A_71 = arith.constant 0.000000e+00 : f32
    %max3A_72 = vector.broadcast %max3A_71 : f32 to vector<256x256xf32>
    %max3A_73 = arith.maximumf %add3A_70, %max3A_72 : vector<256x256xf32>
    %dot_general3A_74 = arith.constant dense<0.000000e+00> : vector<256x256xf32>
    %dot_general3A_75 = tpu.matmul %max3A_73, %get3A_7, %dot_general3A_74 {dimension_numbers = #tpu.dot_dimension_numbers<[1], [0], [0], [1], [0, 0, 1, 1], [], []>, transpose_lhs_hint = false} : vector<256x256xf32>, vector<256x256xf32>, vector<256x256xf32> -> vector<256x256xf32>
    %add3A_76 = vector.broadcast %get3A_10 : vector<1x256xf32> to vector<256x256xf32>
    %add3A_77 = arith.addf %dot_general3A_75, %add3A_76 : vector<256x256xf32>
    %max3A_78 = arith.constant 0.000000e+00 : f32
    %max3A_79 = vector.broadcast %max3A_78 : f32 to vector<256x256xf32>
    %max3A_80 = arith.maximumf %add3A_77, %max3A_79 : vector<256x256xf32>
    %max3A_81 = arith.maximumf %broadcast_in_dim3A_22, %max3A_80 : vector<256x256xf32>
    %get3A_82 = arith.constant 0 : index
    %get3A_83 = arith.constant 256 : index
    %get3A_84 = arith.constant 0 : index
    %get3A_85 = vector.load %arg1[%get3A_82, %get3A_83, %get3A_84] : memref<1x4096x128xf32, #tpu.memory_space<vmem>>, vector<1x256x128xf32>
    %get3A_86 = vector.shape_cast %get3A_85 : vector<1x256x128xf32> to vector<256x128xf32>
    %sub3A_87 = arith.subf %get3A_86, %get3A_15 : vector<256x128xf32>
    %dot_general3A_88 = arith.constant dense<0.000000e+00> : vector<256x1024xf32>
    %dot_general3A_89 = tpu.matmul %sub3A_87, %get3A_1, %dot_general3A_88 {dimension_numbers = #tpu.dot_dimension_numbers<[1], [0], [0], [1], [0, 0, 1, 1], [], []>, transpose_lhs_hint = false} : vector<256x128xf32>, vector<128x1024xf32>, vector<256x1024xf32> -> vector<256x1024xf32>
    %slice3A_90 = vector.extract_strided_slice %dot_general3A_89 {offsets = [0, 0], sizes = [256, 256], strides = [1, 1]} : vector<256x1024xf32> to vector<256x256xf32>
    %add3A_91 = vector.broadcast %get3A_4 : vector<1x256xf32> to vector<256x256xf32>
    %add3A_92 = arith.addf %slice3A_90, %add3A_91 : vector<256x256xf32>
    %max3A_93 = arith.constant 0.000000e+00 : f32
    %max3A_94 = vector.broadcast %max3A_93 : f32 to vector<256x256xf32>
    %max3A_95 = arith.maximumf %add3A_92, %max3A_94 : vector<256x256xf32>
    %dot_general3A_96 = arith.constant dense<0.000000e+00> : vector<256x256xf32>
    %dot_general3A_97 = tpu.matmul %max3A_95, %get3A_7, %dot_general3A_96 {dimension_numbers = #tpu.dot_dimension_numbers<[1], [0], [0], [1], [0, 0, 1, 1], [], []>, transpose_lhs_hint = false} : vector<256x256xf32>, vector<256x256xf32>, vector<256x256xf32> -> vector<256x256xf32>
    %add3A_98 = vector.broadcast %get3A_10 : vector<1x256xf32> to vector<256x256xf32>
    %add3A_99 = arith.addf %dot_general3A_97, %add3A_98 : vector<256x256xf32>
    %max3A_100 = arith.constant 0.000000e+00 : f32
    %max3A_101 = vector.broadcast %max3A_100 : f32 to vector<256x256xf32>
    %max3A_102 = arith.maximumf %add3A_99, %max3A_101 : vector<256x256xf32>
    %max3A_103 = arith.maximumf %max3A_39, %max3A_102 : vector<256x256xf32>
    %slice3A_104 = vector.extract_strided_slice %dot_general3A_89 {offsets = [0, 256], sizes = [256, 256], strides = [1, 1]} : vector<256x1024xf32> to vector<256x256xf32>
    %add3A_105 = vector.broadcast %get3A_4 : vector<1x256xf32> to vector<256x256xf32>
    %add3A_106 = arith.addf %slice3A_104, %add3A_105 : vector<256x256xf32>
    %max3A_107 = arith.constant 0.000000e+00 : f32
    %max3A_108 = vector.broadcast %max3A_107 : f32 to vector<256x256xf32>
    %max3A_109 = arith.maximumf %add3A_106, %max3A_108 : vector<256x256xf32>
    %dot_general3A_110 = arith.constant dense<0.000000e+00> : vector<256x256xf32>
    %dot_general3A_111 = tpu.matmul %max3A_109, %get3A_7, %dot_general3A_110 {dimension_numbers = #tpu.dot_dimension_numbers<[1], [0], [0], [1], [0, 0, 1, 1], [], []>, transpose_lhs_hint = false} : vector<256x256xf32>, vector<256x256xf32>, vector<256x256xf32> -> vector<256x256xf32>
    %add3A_112 = vector.broadcast %get3A_10 : vector<1x256xf32> to vector<256x256xf32>
    %add3A_113 = arith.addf %dot_general3A_111, %add3A_112 : vector<256x256xf32>
    %max3A_114 = arith.constant 0.000000e+00 : f32
    %max3A_115 = vector.broadcast %max3A_114 : f32 to vector<256x256xf32>
    %max3A_116 = arith.maximumf %add3A_113, %max3A_115 : vector<256x256xf32>
    %max3A_117 = arith.maximumf %max3A_53, %max3A_116 : vector<256x256xf32>
    %slice3A_118 = vector.extract_strided_slice %dot_general3A_89 {offsets = [0, 512], sizes = [256, 256], strides = [1, 1]} : vector<256x1024xf32> to vector<256x256xf32>
    %add3A_119 = vector.broadcast %get3A_4 : vector<1x256xf32> to vector<256x256xf32>
    %add3A_120 = arith.addf %slice3A_118, %add3A_119 : vector<256x256xf32>
    %max3A_121 = arith.constant 0.000000e+00 : f32
    %max3A_122 = vector.broadcast %max3A_121 : f32 to vector<256x256xf32>
    %max3A_123 = arith.maximumf %add3A_120, %max3A_122 : vector<256x256xf32>
    %dot_general3A_124 = arith.constant dense<0.000000e+00> : vector<256x256xf32>
    %dot_general3A_125 = tpu.matmul %max3A_123, %get3A_7, %dot_general3A_124 {dimension_numbers = #tpu.dot_dimension_numbers<[1], [0], [0], [1], [0, 0, 1, 1], [], []>, transpose_lhs_hint = false} : vector<256x256xf32>, vector<256x256xf32>, vector<256x256xf32> -> vector<256x256xf32>
    %add3A_126 = vector.broadcast %get3A_10 : vector<1x256xf32> to vector<256x256xf32>
    %add3A_127 = arith.addf %dot_general3A_125, %add3A_126 : vector<256x256xf32>
    %max3A_128 = arith.constant 0.000000e+00 : f32
    %max3A_129 = vector.broadcast %max3A_128 : f32 to vector<256x256xf32>
    %max3A_130 = arith.maximumf %add3A_127, %max3A_129 : vector<256x256xf32>
    %max3A_131 = arith.maximumf %max3A_67, %max3A_130 : vector<256x256xf32>
    %slice3A_132 = vector.extract_strided_slice %dot_general3A_89 {offsets = [0, 768], sizes = [256, 256], strides = [1, 1]} : vector<256x1024xf32> to vector<256x256xf32>
    %add3A_133 = vector.broadcast %get3A_4 : vector<1x256xf32> to vector<256x256xf32>
    %add3A_134 = arith.addf %slice3A_132, %add3A_133 : vector<256x256xf32>
    %max3A_135 = arith.constant 0.000000e+00 : f32
    %max3A_136 = vector.broadcast %max3A_135 : f32 to vector<256x256xf32>
    %max3A_137 = arith.maximumf %add3A_134, %max3A_136 : vector<256x256xf32>
    %dot_general3A_138 = arith.constant dense<0.000000e+00> : vector<256x256xf32>
    %dot_general3A_139 = tpu.matmul %max3A_137, %get3A_7, %dot_general3A_138 {dimension_numbers = #tpu.dot_dimension_numbers<[1], [0], [0], [1], [0, 0, 1, 1], [], []>, transpose_lhs_hint = false} : vector<256x256xf32>, vector<256x256xf32>, vector<256x256xf32> -> vector<256x256xf32>
    %add3A_140 = vector.broadcast %get3A_10 : vector<1x256xf32> to vector<256x256xf32>
    %add3A_141 = arith.addf %dot_general3A_139, %add3A_140 : vector<256x256xf32>
    %max3A_142 = arith.constant 0.000000e+00 : f32
    %max3A_143 = vector.broadcast %max3A_142 : f32 to vector<256x256xf32>
    %max3A_144 = arith.maximumf %add3A_141, %max3A_143 : vector<256x256xf32>
    %max3A_145 = arith.maximumf %max3A_81, %max3A_144 : vector<256x256xf32>
    %get3A_146 = arith.constant 0 : index
    %get3A_147 = arith.constant 512 : index
    %get3A_148 = arith.constant 0 : index
    %get3A_149 = vector.load %arg1[%get3A_146, %get3A_147, %get3A_148] : memref<1x4096x128xf32, #tpu.memory_space<vmem>>, vector<1x256x128xf32>
    %get3A_150 = vector.shape_cast %get3A_149 : vector<1x256x128xf32> to vector<256x128xf32>
    %sub3A_151 = arith.subf %get3A_150, %get3A_15 : vector<256x128xf32>
    %dot_general3A_152 = arith.constant dense<0.000000e+00> : vector<256x1024xf32>
    %dot_general3A_153 = tpu.matmul %sub3A_151, %get3A_1, %dot_general3A_152 {dimension_numbers = #tpu.dot_dimension_numbers<[1], [0], [0], [1], [0, 0, 1, 1], [], []>, transpose_lhs_hint = false} : vector<256x128xf32>, vector<128x1024xf32>, vector<256x1024xf32> -> vector<256x1024xf32>
    %slice3A_154 = vector.extract_strided_slice %dot_general3A_153 {offsets = [0, 0], sizes = [256, 256], strides = [1, 1]} : vector<256x1024xf32> to vector<256x256xf32>
    %add3A_155 = vector.broadcast %get3A_4 : vector<1x256xf32> to vector<256x256xf32>
    %add3A_156 = arith.addf %slice3A_154, %add3A_155 : vector<256x256xf32>
    %max3A_157 = arith.constant 0.000000e+00 : f32
    %max3A_158 = vector.broadcast %max3A_157 : f32 to vector<256x256xf32>
    %max3A_159 = arith.maximumf %add3A_156, %max3A_158 : vector<256x256xf32>
    %dot_general3A_160 = arith.constant dense<0.000000e+00> : vector<256x256xf32>
    %dot_general3A_161 = tpu.matmul %max3A_159, %get3A_7, %dot_general3A_160 {dimension_numbers = #tpu.dot_dimension_numbers<[1], [0], [0], [1], [0, 0, 1, 1], [], []>, transpose_lhs_hint = false} : vector<256x256xf32>, vector<256x256xf32>, vector<256x256xf32> -> vector<256x256xf32>
    %add3A_162 = vector.broadcast %get3A_10 : vector<1x256xf32> to vector<256x256xf32>
    %add3A_163 = arith.addf %dot_general3A_161, %add3A_162 : vector<256x256xf32>
    %max3A_164 = arith.constant 0.000000e+00 : f32
    %max3A_165 = vector.broadcast %max3A_164 : f32 to vector<256x256xf32>
    %max3A_166 = arith.maximumf %add3A_163, %max3A_165 : vector<256x256xf32>
    %max3A_167 = arith.maximumf %max3A_103, %max3A_166 : vector<256x256xf32>
    %slice3A_168 = vector.extract_strided_slice %dot_general3A_153 {offsets = [0, 256], sizes = [256, 256], strides = [1, 1]} : vector<256x1024xf32> to vector<256x256xf32>
    %add3A_169 = vector.broadcast %get3A_4 : vector<1x256xf32> to vector<256x256xf32>
    %add3A_170 = arith.addf %slice3A_168, %add3A_169 : vector<256x256xf32>
    %max3A_171 = arith.constant 0.000000e+00 : f32
    %max3A_172 = vector.broadcast %max3A_171 : f32 to vector<256x256xf32>
    %max3A_173 = arith.maximumf %add3A_170, %max3A_172 : vector<256x256xf32>
    %dot_general3A_174 = arith.constant dense<0.000000e+00> : vector<256x256xf32>
    %dot_general3A_175 = tpu.matmul %max3A_173, %get3A_7, %dot_general3A_174 {dimension_numbers = #tpu.dot_dimension_numbers<[1], [0], [0], [1], [0, 0, 1, 1], [], []>, transpose_lhs_hint = false} : vector<256x256xf32>, vector<256x256xf32>, vector<256x256xf32> -> vector<256x256xf32>
    %add3A_176 = vector.broadcast %get3A_10 : vector<1x256xf32> to vector<256x256xf32>
    %add3A_177 = arith.addf %dot_general3A_175, %add3A_176 : vector<256x256xf32>
    %max3A_178 = arith.constant 0.000000e+00 : f32
    %max3A_179 = vector.broadcast %max3A_178 : f32 to vector<256x256xf32>
    %max3A_180 = arith.maximumf %add3A_177, %max3A_179 : vector<256x256xf32>
    %max3A_181 = arith.maximumf %max3A_117, %max3A_180 : vector<256x256xf32>
    %slice3A_182 = vector.extract_strided_slice %dot_general3A_153 {offsets = [0, 512], sizes = [256, 256], strides = [1, 1]} : vector<256x1024xf32> to vector<256x256xf32>
    %add3A_183 = vector.broadcast %get3A_4 : vector<1x256xf32> to vector<256x256xf32>
    %add3A_184 = arith.addf %slice3A_182, %add3A_183 : vector<256x256xf32>
    %max3A_185 = arith.constant 0.000000e+00 : f32
    %max3A_186 = vector.broadcast %max3A_185 : f32 to vector<256x256xf32>
    %max3A_187 = arith.maximumf %add3A_184, %max3A_186 : vector<256x256xf32>
    %dot_general3A_188 = arith.constant dense<0.000000e+00> : vector<256x256xf32>
    %dot_general3A_189 = tpu.matmul %max3A_187, %get3A_7, %dot_general3A_188 {dimension_numbers = #tpu.dot_dimension_numbers<[1], [0], [0], [1], [0, 0, 1, 1], [], []>, transpose_lhs_hint = false} : vector<256x256xf32>, vector<256x256xf32>, vector<256x256xf32> -> vector<256x256xf32>
    %add3A_190 = vector.broadcast %get3A_10 : vector<1x256xf32> to vector<256x256xf32>
    %add3A_191 = arith.addf %dot_general3A_189, %add3A_190 : vector<256x256xf32>
    %max3A_192 = arith.constant 0.000000e+00 : f32
    %max3A_193 = vector.broadcast %max3A_192 : f32 to vector<256x256xf32>
    %max3A_194 = arith.maximumf %add3A_191, %max3A_193 : vector<256x256xf32>
    %max3A_195 = arith.maximumf %max3A_131, %max3A_194 : vector<256x256xf32>
    %slice3A_196 = vector.extract_strided_slice %dot_general3A_153 {offsets = [0, 768], sizes = [256, 256], strides = [1, 1]} : vector<256x1024xf32> to vector<256x256xf32>
    %add3A_197 = vector.broadcast %get3A_4 : vector<1x256xf32> to vector<256x256xf32>
    %add3A_198 = arith.addf %slice3A_196, %add3A_197 : vector<256x256xf32>
    %max3A_199 = arith.constant 0.000000e+00 : f32
    %max3A_200 = vector.broadcast %max3A_199 : f32 to vector<256x256xf32>
    %max3A_201 = arith.maximumf %add3A_198, %max3A_200 : vector<256x256xf32>
    %dot_general3A_202 = arith.constant dense<0.000000e+00> : vector<256x256xf32>
    %dot_general3A_203 = tpu.matmul %max3A_201, %get3A_7, %dot_general3A_202 {dimension_numbers = #tpu.dot_dimension_numbers<[1], [0], [0], [1], [0, 0, 1, 1], [], []>, transpose_lhs_hint = false} : vector<256x256xf32>, vector<256x256xf32>, vector<256x256xf32> -> vector<256x256xf32>
    %add3A_204 = vector.broadcast %get3A_10 : vector<1x256xf32> to vector<256x256xf32>
    %add3A_205 = arith.addf %dot_general3A_203, %add3A_204 : vector<256x256xf32>
    %max3A_206 = arith.constant 0.000000e+00 : f32
    %max3A_207 = vector.broadcast %max3A_206 : f32 to vector<256x256xf32>
    %max3A_208 = arith.maximumf %add3A_205, %max3A_207 : vector<256x256xf32>
    %max3A_209 = arith.maximumf %max3A_145, %max3A_208 : vector<256x256xf32>
    %get3A_210 = arith.constant 0 : index
    %get3A_211 = arith.constant 768 : index
    %get3A_212 = arith.constant 0 : index
    %get3A_213 = vector.load %arg1[%get3A_210, %get3A_211, %get3A_212] : memref<1x4096x128xf32, #tpu.memory_space<vmem>>, vector<1x256x128xf32>
    %get3A_214 = vector.shape_cast %get3A_213 : vector<1x256x128xf32> to vector<256x128xf32>
    %sub3A_215 = arith.subf %get3A_214, %get3A_15 : vector<256x128xf32>
    %dot_general3A_216 = arith.constant dense<0.000000e+00> : vector<256x1024xf32>
    %dot_general3A_217 = tpu.matmul %sub3A_215, %get3A_1, %dot_general3A_216 {dimension_numbers = #tpu.dot_dimension_numbers<[1], [0], [0], [1], [0, 0, 1, 1], [], []>, transpose_lhs_hint = false} : vector<256x128xf32>, vector<128x1024xf32>, vector<256x1024xf32> -> vector<256x1024xf32>
    %slice3A_218 = vector.extract_strided_slice %dot_general3A_217 {offsets = [0, 0], sizes = [256, 256], strides = [1, 1]} : vector<256x1024xf32> to vector<256x256xf32>
    %add3A_219 = vector.broadcast %get3A_4 : vector<1x256xf32> to vector<256x256xf32>
    %add3A_220 = arith.addf %slice3A_218, %add3A_219 : vector<256x256xf32>
    %max3A_221 = arith.constant 0.000000e+00 : f32
    %max3A_222 = vector.broadcast %max3A_221 : f32 to vector<256x256xf32>
    %max3A_223 = arith.maximumf %add3A_220, %max3A_222 : vector<256x256xf32>
    %dot_general3A_224 = arith.constant dense<0.000000e+00> : vector<256x256xf32>
    %dot_general3A_225 = tpu.matmul %max3A_223, %get3A_7, %dot_general3A_224 {dimension_numbers = #tpu.dot_dimension_numbers<[1], [0], [0], [1], [0, 0, 1, 1], [], []>, transpose_lhs_hint = false} : vector<256x256xf32>, vector<256x256xf32>, vector<256x256xf32> -> vector<256x256xf32>
    %add3A_226 = vector.broadcast %get3A_10 : vector<1x256xf32> to vector<256x256xf32>
    %add3A_227 = arith.addf %dot_general3A_225, %add3A_226 : vector<256x256xf32>
    %max3A_228 = arith.constant 0.000000e+00 : f32
    %max3A_229 = vector.broadcast %max3A_228 : f32 to vector<256x256xf32>
    %max3A_230 = arith.maximumf %add3A_227, %max3A_229 : vector<256x256xf32>
    %max3A_231 = arith.maximumf %max3A_167, %max3A_230 : vector<256x256xf32>
    %slice3A_232 = vector.extract_strided_slice %dot_general3A_217 {offsets = [0, 256], sizes = [256, 256], strides = [1, 1]} : vector<256x1024xf32> to vector<256x256xf32>
    %add3A_233 = vector.broadcast %get3A_4 : vector<1x256xf32> to vector<256x256xf32>
    %add3A_234 = arith.addf %slice3A_232, %add3A_233 : vector<256x256xf32>
    %max3A_235 = arith.constant 0.000000e+00 : f32
    %max3A_236 = vector.broadcast %max3A_235 : f32 to vector<256x256xf32>
    %max3A_237 = arith.maximumf %add3A_234, %max3A_236 : vector<256x256xf32>
    %dot_general3A_238 = arith.constant dense<0.000000e+00> : vector<256x256xf32>
    %dot_general3A_239 = tpu.matmul %max3A_237, %get3A_7, %dot_general3A_238 {dimension_numbers = #tpu.dot_dimension_numbers<[1], [0], [0], [1], [0, 0, 1, 1], [], []>, transpose_lhs_hint = false} : vector<256x256xf32>, vector<256x256xf32>, vector<256x256xf32> -> vector<256x256xf32>
    %add3A_240 = vector.broadcast %get3A_10 : vector<1x256xf32> to vector<256x256xf32>
    %add3A_241 = arith.addf %dot_general3A_239, %add3A_240 : vector<256x256xf32>
    %max3A_242 = arith.constant 0.000000e+00 : f32
    %max3A_243 = vector.broadcast %max3A_242 : f32 to vector<256x256xf32>
    %max3A_244 = arith.maximumf %add3A_241, %max3A_243 : vector<256x256xf32>
    %max3A_245 = arith.maximumf %max3A_181, %max3A_244 : vector<256x256xf32>
    %slice3A_246 = vector.extract_strided_slice %dot_general3A_217 {offsets = [0, 512], sizes = [256, 256], strides = [1, 1]} : vector<256x1024xf32> to vector<256x256xf32>
    %add3A_247 = vector.broadcast %get3A_4 : vector<1x256xf32> to vector<256x256xf32>
    %add3A_248 = arith.addf %slice3A_246, %add3A_247 : vector<256x256xf32>
    %max3A_249 = arith.constant 0.000000e+00 : f32
    %max3A_250 = vector.broadcast %max3A_249 : f32 to vector<256x256xf32>
    %max3A_251 = arith.maximumf %add3A_248, %max3A_250 : vector<256x256xf32>
    %dot_general3A_252 = arith.constant dense<0.000000e+00> : vector<256x256xf32>
    %dot_general3A_253 = tpu.matmul %max3A_251, %get3A_7, %dot_general3A_252 {dimension_numbers = #tpu.dot_dimension_numbers<[1], [0], [0], [1], [0, 0, 1, 1], [], []>, transpose_lhs_hint = false} : vector<256x256xf32>, vector<256x256xf32>, vector<256x256xf32> -> vector<256x256xf32>
    %add3A_254 = vector.broadcast %get3A_10 : vector<1x256xf32> to vector<256x256xf32>
    %add3A_255 = arith.addf %dot_general3A_253, %add3A_254 : vector<256x256xf32>
    %max3A_256 = arith.constant 0.000000e+00 : f32
    %max3A_257 = vector.broadcast %max3A_256 : f32 to vector<256x256xf32>
    %max3A_258 = arith.maximumf %add3A_255, %max3A_257 : vector<256x256xf32>
    %max3A_259 = arith.maximumf %max3A_195, %max3A_258 : vector<256x256xf32>
    %slice3A_260 = vector.extract_strided_slice %dot_general3A_217 {offsets = [0, 768], sizes = [256, 256], strides = [1, 1]} : vector<256x1024xf32> to vector<256x256xf32>
    %add3A_261 = vector.broadcast %get3A_4 : vector<1x256xf32> to vector<256x256xf32>
    %add3A_262 = arith.addf %slice3A_260, %add3A_261 : vector<256x256xf32>
    %max3A_263 = arith.constant 0.000000e+00 : f32
    %max3A_264 = vector.broadcast %max3A_263 : f32 to vector<256x256xf32>
    %max3A_265 = arith.maximumf %add3A_262, %max3A_264 : vector<256x256xf32>
    %dot_general3A_266 = arith.constant dense<0.000000e+00> : vector<256x256xf32>
    %dot_general3A_267 = tpu.matmul %max3A_265, %get3A_7, %dot_general3A_266 {dimension_numbers = #tpu.dot_dimension_numbers<[1], [0], [0], [1], [0, 0, 1, 1], [], []>, transpose_lhs_hint = false} : vector<256x256xf32>, vector<256x256xf32>, vector<256x256xf32> -> vector<256x256xf32>
    %add3A_268 = vector.broadcast %get3A_10 : vector<1x256xf32> to vector<256x256xf32>
    %add3A_269 = arith.addf %dot_general3A_267, %add3A_268 : vector<256x256xf32>
    %max3A_270 = arith.constant 0.000000e+00 : f32
    %max3A_271 = vector.broadcast %max3A_270 : f32 to vector<256x256xf32>
    %max3A_272 = arith.maximumf %add3A_269, %max3A_271 : vector<256x256xf32>
    %max3A_273 = arith.maximumf %max3A_209, %max3A_272 : vector<256x256xf32>
    %get3A_274 = arith.constant 0 : index
    %get3A_275 = arith.constant 1024 : index
    %get3A_276 = arith.constant 0 : index
    %get3A_277 = vector.load %arg1[%get3A_274, %get3A_275, %get3A_276] : memref<1x4096x128xf32, #tpu.memory_space<vmem>>, vector<1x256x128xf32>
    %get3A_278 = vector.shape_cast %get3A_277 : vector<1x256x128xf32> to vector<256x128xf32>
    %sub3A_279 = arith.subf %get3A_278, %get3A_15 : vector<256x128xf32>
    %dot_general3A_280 = arith.constant dense<0.000000e+00> : vector<256x1024xf32>
    %dot_general3A_281 = tpu.matmul %sub3A_279, %get3A_1, %dot_general3A_280 {dimension_numbers = #tpu.dot_dimension_numbers<[1], [0], [0], [1], [0, 0, 1, 1], [], []>, transpose_lhs_hint = false} : vector<256x128xf32>, vector<128x1024xf32>, vector<256x1024xf32> -> vector<256x1024xf32>
    %slice3A_282 = vector.extract_strided_slice %dot_general3A_281 {offsets = [0, 0], sizes = [256, 256], strides = [1, 1]} : vector<256x1024xf32> to vector<256x256xf32>
    %add3A_283 = vector.broadcast %get3A_4 : vector<1x256xf32> to vector<256x256xf32>
    %add3A_284 = arith.addf %slice3A_282, %add3A_283 : vector<256x256xf32>
    %max3A_285 = arith.constant 0.000000e+00 : f32
    %max3A_286 = vector.broadcast %max3A_285 : f32 to vector<256x256xf32>
    %max3A_287 = arith.maximumf %add3A_284, %max3A_286 : vector<256x256xf32>
    %dot_general3A_288 = arith.constant dense<0.000000e+00> : vector<256x256xf32>
    %dot_general3A_289 = tpu.matmul %max3A_287, %get3A_7, %dot_general3A_288 {dimension_numbers = #tpu.dot_dimension_numbers<[1], [0], [0], [1], [0, 0, 1, 1], [], []>, transpose_lhs_hint = false} : vector<256x256xf32>, vector<256x256xf32>, vector<256x256xf32> -> vector<256x256xf32>
    %add3A_290 = vector.broadcast %get3A_10 : vector<1x256xf32> to vector<256x256xf32>
    %add3A_291 = arith.addf %dot_general3A_289, %add3A_290 : vector<256x256xf32>
    %max3A_292 = arith.constant 0.000000e+00 : f32
    %max3A_293 = vector.broadcast %max3A_292 : f32 to vector<256x256xf32>
    %max3A_294 = arith.maximumf %add3A_291, %max3A_293 : vector<256x256xf32>
    %max3A_295 = arith.maximumf %max3A_231, %max3A_294 : vector<256x256xf32>
    %slice3A_296 = vector.extract_strided_slice %dot_general3A_281 {offsets = [0, 256], sizes = [256, 256], strides = [1, 1]} : vector<256x1024xf32> to vector<256x256xf32>
    %add3A_297 = vector.broadcast %get3A_4 : vector<1x256xf32> to vector<256x256xf32>
    %add3A_298 = arith.addf %slice3A_296, %add3A_297 : vector<256x256xf32>
    %max3A_299 = arith.constant 0.000000e+00 : f32
    %max3A_300 = vector.broadcast %max3A_299 : f32 to vector<256x256xf32>
    %max3A_301 = arith.maximumf %add3A_298, %max3A_300 : vector<256x256xf32>
    %dot_general3A_302 = arith.constant dense<0.000000e+00> : vector<256x256xf32>
    %dot_general3A_303 = tpu.matmul %max3A_301, %get3A_7, %dot_general3A_302 {dimension_numbers = #tpu.dot_dimension_numbers<[1], [0], [0], [1], [0, 0, 1, 1], [], []>, transpose_lhs_hint = false} : vector<256x256xf32>, vector<256x256xf32>, vector<256x256xf32> -> vector<256x256xf32>
    %add3A_304 = vector.broadcast %get3A_10 : vector<1x256xf32> to vector<256x256xf32>
    %add3A_305 = arith.addf %dot_general3A_303, %add3A_304 : vector<256x256xf32>
    %max3A_306 = arith.constant 0.000000e+00 : f32
    %max3A_307 = vector.broadcast %max3A_306 : f32 to vector<256x256xf32>
    %max3A_308 = arith.maximumf %add3A_305, %max3A_307 : vector<256x256xf32>
    %max3A_309 = arith.maximumf %max3A_245, %max3A_308 : vector<256x256xf32>
    %slice3A_310 = vector.extract_strided_slice %dot_general3A_281 {offsets = [0, 512], sizes = [256, 256], strides = [1, 1]} : vector<256x1024xf32> to vector<256x256xf32>
    %add3A_311 = vector.broadcast %get3A_4 : vector<1x256xf32> to vector<256x256xf32>
    %add3A_312 = arith.addf %slice3A_310, %add3A_311 : vector<256x256xf32>
    %max3A_313 = arith.constant 0.000000e+00 : f32
    %max3A_314 = vector.broadcast %max3A_313 : f32 to vector<256x256xf32>
    %max3A_315 = arith.maximumf %add3A_312, %max3A_314 : vector<256x256xf32>
    %dot_general3A_316 = arith.constant dense<0.000000e+00> : vector<256x256xf32>
    %dot_general3A_317 = tpu.matmul %max3A_315, %get3A_7, %dot_general3A_316 {dimension_numbers = #tpu.dot_dimension_numbers<[1], [0], [0], [1], [0, 0, 1, 1], [], []>, transpose_lhs_hint = false} : vector<256x256xf32>, vector<256x256xf32>, vector<256x256xf32> -> vector<256x256xf32>
    %add3A_318 = vector.broadcast %get3A_10 : vector<1x256xf32> to vector<256x256xf32>
    %add3A_319 = arith.addf %dot_general3A_317, %add3A_318 : vector<256x256xf32>
    %max3A_320 = arith.constant 0.000000e+00 : f32
    %max3A_321 = vector.broadcast %max3A_320 : f32 to vector<256x256xf32>
    %max3A_322 = arith.maximumf %add3A_319, %max3A_321 : vector<256x256xf32>
    %max3A_323 = arith.maximumf %max3A_259, %max3A_322 : vector<256x256xf32>
    %slice3A_324 = vector.extract_strided_slice %dot_general3A_281 {offsets = [0, 768], sizes = [256, 256], strides = [1, 1]} : vector<256x1024xf32> to vector<256x256xf32>
    %add3A_325 = vector.broadcast %get3A_4 : vector<1x256xf32> to vector<256x256xf32>
    %add3A_326 = arith.addf %slice3A_324, %add3A_325 : vector<256x256xf32>
    %max3A_327 = arith.constant 0.000000e+00 : f32
    %max3A_328 = vector.broadcast %max3A_327 : f32 to vector<256x256xf32>
    %max3A_329 = arith.maximumf %add3A_326, %max3A_328 : vector<256x256xf32>
    %dot_general3A_330 = arith.constant dense<0.000000e+00> : vector<256x256xf32>
    %dot_general3A_331 = tpu.matmul %max3A_329, %get3A_7, %dot_general3A_330 {dimension_numbers = #tpu.dot_dimension_numbers<[1], [0], [0], [1], [0, 0, 1, 1], [], []>, transpose_lhs_hint = false} : vector<256x256xf32>, vector<256x256xf32>, vector<256x256xf32> -> vector<256x256xf32>
    %add3A_332 = vector.broadcast %get3A_10 : vector<1x256xf32> to vector<256x256xf32>
    %add3A_333 = arith.addf %dot_general3A_331, %add3A_332 : vector<256x256xf32>
    %max3A_334 = arith.constant 0.000000e+00 : f32
    %max3A_335 = vector.broadcast %max3A_334 : f32 to vector<256x256xf32>
    %max3A_336 = arith.maximumf %add3A_333, %max3A_335 : vector<256x256xf32>
    %max3A_337 = arith.maximumf %max3A_273, %max3A_336 : vector<256x256xf32>
    %get3A_338 = arith.constant 0 : index
    %get3A_339 = arith.constant 1280 : index
    %get3A_340 = arith.constant 0 : index
    %get3A_341 = vector.load %arg1[%get3A_338, %get3A_339, %get3A_340] : memref<1x4096x128xf32, #tpu.memory_space<vmem>>, vector<1x256x128xf32>
    %get3A_342 = vector.shape_cast %get3A_341 : vector<1x256x128xf32> to vector<256x128xf32>
    %sub3A_343 = arith.subf %get3A_342, %get3A_15 : vector<256x128xf32>
    %dot_general3A_344 = arith.constant dense<0.000000e+00> : vector<256x1024xf32>
    %dot_general3A_345 = tpu.matmul %sub3A_343, %get3A_1, %dot_general3A_344 {dimension_numbers = #tpu.dot_dimension_numbers<[1], [0], [0], [1], [0, 0, 1, 1], [], []>, transpose_lhs_hint = false} : vector<256x128xf32>, vector<128x1024xf32>, vector<256x1024xf32> -> vector<256x1024xf32>
    %slice3A_346 = vector.extract_strided_slice %dot_general3A_345 {offsets = [0, 0], sizes = [256, 256], strides = [1, 1]} : vector<256x1024xf32> to vector<256x256xf32>
    %add3A_347 = vector.broadcast %get3A_4 : vector<1x256xf32> to vector<256x256xf32>
    %add3A_348 = arith.addf %slice3A_346, %add3A_347 : vector<256x256xf32>
    %max3A_349 = arith.constant 0.000000e+00 : f32
    %max3A_350 = vector.broadcast %max3A_349 : f32 to vector<256x256xf32>
    %max3A_351 = arith.maximumf %add3A_348, %max3A_350 : vector<256x256xf32>
    %dot_general3A_352 = arith.constant dense<0.000000e+00> : vector<256x256xf32>
    %dot_general3A_353 = tpu.matmul %max3A_351, %get3A_7, %dot_general3A_352 {dimension_numbers = #tpu.dot_dimension_numbers<[1], [0], [0], [1], [0, 0, 1, 1], [], []>, transpose_lhs_hint = false} : vector<256x256xf32>, vector<256x256xf32>, vector<256x256xf32> -> vector<256x256xf32>
    %add3A_354 = vector.broadcast %get3A_10 : vector<1x256xf32> to vector<256x256xf32>
    %add3A_355 = arith.addf %dot_general3A_353, %add3A_354 : vector<256x256xf32>
    %max3A_356 = arith.constant 0.000000e+00 : f32
    %max3A_357 = vector.broadcast %max3A_356 : f32 to vector<256x256xf32>
    %max3A_358 = arith.maximumf %add3A_355, %max3A_357 : vector<256x256xf32>
    %max3A_359 = arith.maximumf %max3A_295, %max3A_358 : vector<256x256xf32>
    %slice3A_360 = vector.extract_strided_slice %dot_general3A_345 {offsets = [0, 256], sizes = [256, 256], strides = [1, 1]} : vector<256x1024xf32> to vector<256x256xf32>
    %add3A_361 = vector.broadcast %get3A_4 : vector<1x256xf32> to vector<256x256xf32>
    %add3A_362 = arith.addf %slice3A_360, %add3A_361 : vector<256x256xf32>
    %max3A_363 = arith.constant 0.000000e+00 : f32
    %max3A_364 = vector.broadcast %max3A_363 : f32 to vector<256x256xf32>
    %max3A_365 = arith.maximumf %add3A_362, %max3A_364 : vector<256x256xf32>
    %dot_general3A_366 = arith.constant dense<0.000000e+00> : vector<256x256xf32>
    %dot_general3A_367 = tpu.matmul %max3A_365, %get3A_7, %dot_general3A_366 {dimension_numbers = #tpu.dot_dimension_numbers<[1], [0], [0], [1], [0, 0, 1, 1], [], []>, transpose_lhs_hint = false} : vector<256x256xf32>, vector<256x256xf32>, vector<256x256xf32> -> vector<256x256xf32>
    %add3A_368 = vector.broadcast %get3A_10 : vector<1x256xf32> to vector<256x256xf32>
    %add3A_369 = arith.addf %dot_general3A_367, %add3A_368 : vector<256x256xf32>
    %max3A_370 = arith.constant 0.000000e+00 : f32
    %max3A_371 = vector.broadcast %max3A_370 : f32 to vector<256x256xf32>
    %max3A_372 = arith.maximumf %add3A_369, %max3A_371 : vector<256x256xf32>
    %max3A_373 = arith.maximumf %max3A_309, %max3A_372 : vector<256x256xf32>
    %slice3A_374 = vector.extract_strided_slice %dot_general3A_345 {offsets = [0, 512], sizes = [256, 256], strides = [1, 1]} : vector<256x1024xf32> to vector<256x256xf32>
    %add3A_375 = vector.broadcast %get3A_4 : vector<1x256xf32> to vector<256x256xf32>
    %add3A_376 = arith.addf %slice3A_374, %add3A_375 : vector<256x256xf32>
    %max3A_377 = arith.constant 0.000000e+00 : f32
    %max3A_378 = vector.broadcast %max3A_377 : f32 to vector<256x256xf32>
    %max3A_379 = arith.maximumf %add3A_376, %max3A_378 : vector<256x256xf32>
    %dot_general3A_380 = arith.constant dense<0.000000e+00> : vector<256x256xf32>
    %dot_general3A_381 = tpu.matmul %max3A_379, %get3A_7, %dot_general3A_380 {dimension_numbers = #tpu.dot_dimension_numbers<[1], [0], [0], [1], [0, 0, 1, 1], [], []>, transpose_lhs_hint = false} : vector<256x256xf32>, vector<256x256xf32>, vector<256x256xf32> -> vector<256x256xf32>
    %add3A_382 = vector.broadcast %get3A_10 : vector<1x256xf32> to vector<256x256xf32>
    %add3A_383 = arith.addf %dot_general3A_381, %add3A_382 : vector<256x256xf32>
    %max3A_384 = arith.constant 0.000000e+00 : f32
    %max3A_385 = vector.broadcast %max3A_384 : f32 to vector<256x256xf32>
    %max3A_386 = arith.maximumf %add3A_383, %max3A_385 : vector<256x256xf32>
    %max3A_387 = arith.maximumf %max3A_323, %max3A_386 : vector<256x256xf32>
    %slice3A_388 = vector.extract_strided_slice %dot_general3A_345 {offsets = [0, 768], sizes = [256, 256], strides = [1, 1]} : vector<256x1024xf32> to vector<256x256xf32>
    %add3A_389 = vector.broadcast %get3A_4 : vector<1x256xf32> to vector<256x256xf32>
    %add3A_390 = arith.addf %slice3A_388, %add3A_389 : vector<256x256xf32>
    %max3A_391 = arith.constant 0.000000e+00 : f32
    %max3A_392 = vector.broadcast %max3A_391 : f32 to vector<256x256xf32>
    %max3A_393 = arith.maximumf %add3A_390, %max3A_392 : vector<256x256xf32>
    %dot_general3A_394 = arith.constant dense<0.000000e+00> : vector<256x256xf32>
    %dot_general3A_395 = tpu.matmul %max3A_393, %get3A_7, %dot_general3A_394 {dimension_numbers = #tpu.dot_dimension_numbers<[1], [0], [0], [1], [0, 0, 1, 1], [], []>, transpose_lhs_hint = false} : vector<256x256xf32>, vector<256x256xf32>, vector<256x256xf32> -> vector<256x256xf32>
    %add3A_396 = vector.broadcast %get3A_10 : vector<1x256xf32> to vector<256x256xf32>
    %add3A_397 = arith.addf %dot_general3A_395, %add3A_396 : vector<256x256xf32>
    %max3A_398 = arith.constant 0.000000e+00 : f32
    %max3A_399 = vector.broadcast %max3A_398 : f32 to vector<256x256xf32>
    %max3A_400 = arith.maximumf %add3A_397, %max3A_399 : vector<256x256xf32>
    %max3A_401 = arith.maximumf %max3A_337, %max3A_400 : vector<256x256xf32>
    %get3A_402 = arith.constant 0 : index
    %get3A_403 = arith.constant 1536 : index
    %get3A_404 = arith.constant 0 : index
    %get3A_405 = vector.load %arg1[%get3A_402, %get3A_403, %get3A_404] : memref<1x4096x128xf32, #tpu.memory_space<vmem>>, vector<1x256x128xf32>
    %get3A_406 = vector.shape_cast %get3A_405 : vector<1x256x128xf32> to vector<256x128xf32>
    %sub3A_407 = arith.subf %get3A_406, %get3A_15 : vector<256x128xf32>
    %dot_general3A_408 = arith.constant dense<0.000000e+00> : vector<256x1024xf32>
    %dot_general3A_409 = tpu.matmul %sub3A_407, %get3A_1, %dot_general3A_408 {dimension_numbers = #tpu.dot_dimension_numbers<[1], [0], [0], [1], [0, 0, 1, 1], [], []>, transpose_lhs_hint = false} : vector<256x128xf32>, vector<128x1024xf32>, vector<256x1024xf32> -> vector<256x1024xf32>
    %slice3A_410 = vector.extract_strided_slice %dot_general3A_409 {offsets = [0, 0], sizes = [256, 256], strides = [1, 1]} : vector<256x1024xf32> to vector<256x256xf32>
    %add3A_411 = vector.broadcast %get3A_4 : vector<1x256xf32> to vector<256x256xf32>
    %add3A_412 = arith.addf %slice3A_410, %add3A_411 : vector<256x256xf32>
    %max3A_413 = arith.constant 0.000000e+00 : f32
    %max3A_414 = vector.broadcast %max3A_413 : f32 to vector<256x256xf32>
    %max3A_415 = arith.maximumf %add3A_412, %max3A_414 : vector<256x256xf32>
    %dot_general3A_416 = arith.constant dense<0.000000e+00> : vector<256x256xf32>
    %dot_general3A_417 = tpu.matmul %max3A_415, %get3A_7, %dot_general3A_416 {dimension_numbers = #tpu.dot_dimension_numbers<[1], [0], [0], [1], [0, 0, 1, 1], [], []>, transpose_lhs_hint = false} : vector<256x256xf32>, vector<256x256xf32>, vector<256x256xf32> -> vector<256x256xf32>
    %add3A_418 = vector.broadcast %get3A_10 : vector<1x256xf32> to vector<256x256xf32>
    %add3A_419 = arith.addf %dot_general3A_417, %add3A_418 : vector<256x256xf32>
    %max3A_420 = arith.constant 0.000000e+00 : f32
    %max3A_421 = vector.broadcast %max3A_420 : f32 to vector<256x256xf32>
    %max3A_422 = arith.maximumf %add3A_419, %max3A_421 : vector<256x256xf32>
    %max3A_423 = arith.maximumf %max3A_359, %max3A_422 : vector<256x256xf32>
    %slice3A_424 = vector.extract_strided_slice %dot_general3A_409 {offsets = [0, 256], sizes = [256, 256], strides = [1, 1]} : vector<256x1024xf32> to vector<256x256xf32>
    %add3A_425 = vector.broadcast %get3A_4 : vector<1x256xf32> to vector<256x256xf32>
    %add3A_426 = arith.addf %slice3A_424, %add3A_425 : vector<256x256xf32>
    %max3A_427 = arith.constant 0.000000e+00 : f32
    %max3A_428 = vector.broadcast %max3A_427 : f32 to vector<256x256xf32>
    %max3A_429 = arith.maximumf %add3A_426, %max3A_428 : vector<256x256xf32>
    %dot_general3A_430 = arith.constant dense<0.000000e+00> : vector<256x256xf32>
    %dot_general3A_431 = tpu.matmul %max3A_429, %get3A_7, %dot_general3A_430 {dimension_numbers = #tpu.dot_dimension_numbers<[1], [0], [0], [1], [0, 0, 1, 1], [], []>, transpose_lhs_hint = false} : vector<256x256xf32>, vector<256x256xf32>, vector<256x256xf32> -> vector<256x256xf32>
    %add3A_432 = vector.broadcast %get3A_10 : vector<1x256xf32> to vector<256x256xf32>
    %add3A_433 = arith.addf %dot_general3A_431, %add3A_432 : vector<256x256xf32>
    %max3A_434 = arith.constant 0.000000e+00 : f32
    %max3A_435 = vector.broadcast %max3A_434 : f32 to vector<256x256xf32>
    %max3A_436 = arith.maximumf %add3A_433, %max3A_435 : vector<256x256xf32>
    %max3A_437 = arith.maximumf %max3A_373, %max3A_436 : vector<256x256xf32>
    %slice3A_438 = vector.extract_strided_slice %dot_general3A_409 {offsets = [0, 512], sizes = [256, 256], strides = [1, 1]} : vector<256x1024xf32> to vector<256x256xf32>
    %add3A_439 = vector.broadcast %get3A_4 : vector<1x256xf32> to vector<256x256xf32>
    %add3A_440 = arith.addf %slice3A_438, %add3A_439 : vector<256x256xf32>
    %max3A_441 = arith.constant 0.000000e+00 : f32
    %max3A_442 = vector.broadcast %max3A_441 : f32 to vector<256x256xf32>
    %max3A_443 = arith.maximumf %add3A_440, %max3A_442 : vector<256x256xf32>
    %dot_general3A_444 = arith.constant dense<0.000000e+00> : vector<256x256xf32>
    %dot_general3A_445 = tpu.matmul %max3A_443, %get3A_7, %dot_general3A_444 {dimension_numbers = #tpu.dot_dimension_numbers<[1], [0], [0], [1], [0, 0, 1, 1], [], []>, transpose_lhs_hint = false} : vector<256x256xf32>, vector<256x256xf32>, vector<256x256xf32> -> vector<256x256xf32>
    %add3A_446 = vector.broadcast %get3A_10 : vector<1x256xf32> to vector<256x256xf32>
    %add3A_447 = arith.addf %dot_general3A_445, %add3A_446 : vector<256x256xf32>
    %max3A_448 = arith.constant 0.000000e+00 : f32
    %max3A_449 = vector.broadcast %max3A_448 : f32 to vector<256x256xf32>
    %max3A_450 = arith.maximumf %add3A_447, %max3A_449 : vector<256x256xf32>
    %max3A_451 = arith.maximumf %max3A_387, %max3A_450 : vector<256x256xf32>
    %slice3A_452 = vector.extract_strided_slice %dot_general3A_409 {offsets = [0, 768], sizes = [256, 256], strides = [1, 1]} : vector<256x1024xf32> to vector<256x256xf32>
    %add3A_453 = vector.broadcast %get3A_4 : vector<1x256xf32> to vector<256x256xf32>
    %add3A_454 = arith.addf %slice3A_452, %add3A_453 : vector<256x256xf32>
    %max3A_455 = arith.constant 0.000000e+00 : f32
    %max3A_456 = vector.broadcast %max3A_455 : f32 to vector<256x256xf32>
    %max3A_457 = arith.maximumf %add3A_454, %max3A_456 : vector<256x256xf32>
    %dot_general3A_458 = arith.constant dense<0.000000e+00> : vector<256x256xf32>
    %dot_general3A_459 = tpu.matmul %max3A_457, %get3A_7, %dot_general3A_458 {dimension_numbers = #tpu.dot_dimension_numbers<[1], [0], [0], [1], [0, 0, 1, 1], [], []>, transpose_lhs_hint = false} : vector<256x256xf32>, vector<256x256xf32>, vector<256x256xf32> -> vector<256x256xf32>
    %add3A_460 = vector.broadcast %get3A_10 : vector<1x256xf32> to vector<256x256xf32>
    %add3A_461 = arith.addf %dot_general3A_459, %add3A_460 : vector<256x256xf32>
    %max3A_462 = arith.constant 0.000000e+00 : f32
    %max3A_463 = vector.broadcast %max3A_462 : f32 to vector<256x256xf32>
    %max3A_464 = arith.maximumf %add3A_461, %max3A_463 : vector<256x256xf32>
    %max3A_465 = arith.maximumf %max3A_401, %max3A_464 : vector<256x256xf32>
    %get3A_466 = arith.constant 0 : index
    %get3A_467 = arith.constant 1792 : index
    %get3A_468 = arith.constant 0 : index
    %get3A_469 = vector.load %arg1[%get3A_466, %get3A_467, %get3A_468] : memref<1x4096x128xf32, #tpu.memory_space<vmem>>, vector<1x256x128xf32>
    %get3A_470 = vector.shape_cast %get3A_469 : vector<1x256x128xf32> to vector<256x128xf32>
    %sub3A_471 = arith.subf %get3A_470, %get3A_15 : vector<256x128xf32>
    %dot_general3A_472 = arith.constant dense<0.000000e+00> : vector<256x1024xf32>
    %dot_general3A_473 = tpu.matmul %sub3A_471, %get3A_1, %dot_general3A_472 {dimension_numbers = #tpu.dot_dimension_numbers<[1], [0], [0], [1], [0, 0, 1, 1], [], []>, transpose_lhs_hint = false} : vector<256x128xf32>, vector<128x1024xf32>, vector<256x1024xf32> -> vector<256x1024xf32>
    %slice3A_474 = vector.extract_strided_slice %dot_general3A_473 {offsets = [0, 0], sizes = [256, 256], strides = [1, 1]} : vector<256x1024xf32> to vector<256x256xf32>
    %add3A_475 = vector.broadcast %get3A_4 : vector<1x256xf32> to vector<256x256xf32>
    %add3A_476 = arith.addf %slice3A_474, %add3A_475 : vector<256x256xf32>
    %max3A_477 = arith.constant 0.000000e+00 : f32
    %max3A_478 = vector.broadcast %max3A_477 : f32 to vector<256x256xf32>
    %max3A_479 = arith.maximumf %add3A_476, %max3A_478 : vector<256x256xf32>
    %dot_general3A_480 = arith.constant dense<0.000000e+00> : vector<256x256xf32>
    %dot_general3A_481 = tpu.matmul %max3A_479, %get3A_7, %dot_general3A_480 {dimension_numbers = #tpu.dot_dimension_numbers<[1], [0], [0], [1], [0, 0, 1, 1], [], []>, transpose_lhs_hint = false} : vector<256x256xf32>, vector<256x256xf32>, vector<256x256xf32> -> vector<256x256xf32>
    %add3A_482 = vector.broadcast %get3A_10 : vector<1x256xf32> to vector<256x256xf32>
    %add3A_483 = arith.addf %dot_general3A_481, %add3A_482 : vector<256x256xf32>
    %max3A_484 = arith.constant 0.000000e+00 : f32
    %max3A_485 = vector.broadcast %max3A_484 : f32 to vector<256x256xf32>
    %max3A_486 = arith.maximumf %add3A_483, %max3A_485 : vector<256x256xf32>
    %max3A_487 = arith.maximumf %max3A_423, %max3A_486 : vector<256x256xf32>
    %slice3A_488 = vector.extract_strided_slice %dot_general3A_473 {offsets = [0, 256], sizes = [256, 256], strides = [1, 1]} : vector<256x1024xf32> to vector<256x256xf32>
    %add3A_489 = vector.broadcast %get3A_4 : vector<1x256xf32> to vector<256x256xf32>
    %add3A_490 = arith.addf %slice3A_488, %add3A_489 : vector<256x256xf32>
    %max3A_491 = arith.constant 0.000000e+00 : f32
    %max3A_492 = vector.broadcast %max3A_491 : f32 to vector<256x256xf32>
    %max3A_493 = arith.maximumf %add3A_490, %max3A_492 : vector<256x256xf32>
    %dot_general3A_494 = arith.constant dense<0.000000e+00> : vector<256x256xf32>
    %dot_general3A_495 = tpu.matmul %max3A_493, %get3A_7, %dot_general3A_494 {dimension_numbers = #tpu.dot_dimension_numbers<[1], [0], [0], [1], [0, 0, 1, 1], [], []>, transpose_lhs_hint = false} : vector<256x256xf32>, vector<256x256xf32>, vector<256x256xf32> -> vector<256x256xf32>
    %add3A_496 = vector.broadcast %get3A_10 : vector<1x256xf32> to vector<256x256xf32>
    %add3A_497 = arith.addf %dot_general3A_495, %add3A_496 : vector<256x256xf32>
    %max3A_498 = arith.constant 0.000000e+00 : f32
    %max3A_499 = vector.broadcast %max3A_498 : f32 to vector<256x256xf32>
    %max3A_500 = arith.maximumf %add3A_497, %max3A_499 : vector<256x256xf32>
    %max3A_501 = arith.maximumf %max3A_437, %max3A_500 : vector<256x256xf32>
    %slice3A_502 = vector.extract_strided_slice %dot_general3A_473 {offsets = [0, 512], sizes = [256, 256], strides = [1, 1]} : vector<256x1024xf32> to vector<256x256xf32>
    %add3A_503 = vector.broadcast %get3A_4 : vector<1x256xf32> to vector<256x256xf32>
    %add3A_504 = arith.addf %slice3A_502, %add3A_503 : vector<256x256xf32>
    %max3A_505 = arith.constant 0.000000e+00 : f32
    %max3A_506 = vector.broadcast %max3A_505 : f32 to vector<256x256xf32>
    %max3A_507 = arith.maximumf %add3A_504, %max3A_506 : vector<256x256xf32>
    %dot_general3A_508 = arith.constant dense<0.000000e+00> : vector<256x256xf32>
    %dot_general3A_509 = tpu.matmul %max3A_507, %get3A_7, %dot_general3A_508 {dimension_numbers = #tpu.dot_dimension_numbers<[1], [0], [0], [1], [0, 0, 1, 1], [], []>, transpose_lhs_hint = false} : vector<256x256xf32>, vector<256x256xf32>, vector<256x256xf32> -> vector<256x256xf32>
    %add3A_510 = vector.broadcast %get3A_10 : vector<1x256xf32> to vector<256x256xf32>
    %add3A_511 = arith.addf %dot_general3A_509, %add3A_510 : vector<256x256xf32>
    %max3A_512 = arith.constant 0.000000e+00 : f32
    %max3A_513 = vector.broadcast %max3A_512 : f32 to vector<256x256xf32>
    %max3A_514 = arith.maximumf %add3A_511, %max3A_513 : vector<256x256xf32>
    %max3A_515 = arith.maximumf %max3A_451, %max3A_514 : vector<256x256xf32>
    %slice3A_516 = vector.extract_strided_slice %dot_general3A_473 {offsets = [0, 768], sizes = [256, 256], strides = [1, 1]} : vector<256x1024xf32> to vector<256x256xf32>
    %add3A_517 = vector.broadcast %get3A_4 : vector<1x256xf32> to vector<256x256xf32>
    %add3A_518 = arith.addf %slice3A_516, %add3A_517 : vector<256x256xf32>
    %max3A_519 = arith.constant 0.000000e+00 : f32
    %max3A_520 = vector.broadcast %max3A_519 : f32 to vector<256x256xf32>
    %max3A_521 = arith.maximumf %add3A_518, %max3A_520 : vector<256x256xf32>
    %dot_general3A_522 = arith.constant dense<0.000000e+00> : vector<256x256xf32>
    %dot_general3A_523 = tpu.matmul %max3A_521, %get3A_7, %dot_general3A_522 {dimension_numbers = #tpu.dot_dimension_numbers<[1], [0], [0], [1], [0, 0, 1, 1], [], []>, transpose_lhs_hint = false} : vector<256x256xf32>, vector<256x256xf32>, vector<256x256xf32> -> vector<256x256xf32>
    %add3A_524 = vector.broadcast %get3A_10 : vector<1x256xf32> to vector<256x256xf32>
    %add3A_525 = arith.addf %dot_general3A_523, %add3A_524 : vector<256x256xf32>
    %max3A_526 = arith.constant 0.000000e+00 : f32
    %max3A_527 = vector.broadcast %max3A_526 : f32 to vector<256x256xf32>
    %max3A_528 = arith.maximumf %add3A_525, %max3A_527 : vector<256x256xf32>
    %max3A_529 = arith.maximumf %max3A_465, %max3A_528 : vector<256x256xf32>
    %get3A_530 = arith.constant 0 : index
    %get3A_531 = arith.constant 2048 : index
    %get3A_532 = arith.constant 0 : index
    %get3A_533 = vector.load %arg1[%get3A_530, %get3A_531, %get3A_532] : memref<1x4096x128xf32, #tpu.memory_space<vmem>>, vector<1x256x128xf32>
    %get3A_534 = vector.shape_cast %get3A_533 : vector<1x256x128xf32> to vector<256x128xf32>
    %sub3A_535 = arith.subf %get3A_534, %get3A_15 : vector<256x128xf32>
    %dot_general3A_536 = arith.constant dense<0.000000e+00> : vector<256x1024xf32>
    %dot_general3A_537 = tpu.matmul %sub3A_535, %get3A_1, %dot_general3A_536 {dimension_numbers = #tpu.dot_dimension_numbers<[1], [0], [0], [1], [0, 0, 1, 1], [], []>, transpose_lhs_hint = false} : vector<256x128xf32>, vector<128x1024xf32>, vector<256x1024xf32> -> vector<256x1024xf32>
    %slice3A_538 = vector.extract_strided_slice %dot_general3A_537 {offsets = [0, 0], sizes = [256, 256], strides = [1, 1]} : vector<256x1024xf32> to vector<256x256xf32>
    %add3A_539 = vector.broadcast %get3A_4 : vector<1x256xf32> to vector<256x256xf32>
    %add3A_540 = arith.addf %slice3A_538, %add3A_539 : vector<256x256xf32>
    %max3A_541 = arith.constant 0.000000e+00 : f32
    %max3A_542 = vector.broadcast %max3A_541 : f32 to vector<256x256xf32>
    %max3A_543 = arith.maximumf %add3A_540, %max3A_542 : vector<256x256xf32>
    %dot_general3A_544 = arith.constant dense<0.000000e+00> : vector<256x256xf32>
    %dot_general3A_545 = tpu.matmul %max3A_543, %get3A_7, %dot_general3A_544 {dimension_numbers = #tpu.dot_dimension_numbers<[1], [0], [0], [1], [0, 0, 1, 1], [], []>, transpose_lhs_hint = false} : vector<256x256xf32>, vector<256x256xf32>, vector<256x256xf32> -> vector<256x256xf32>
    %add3A_546 = vector.broadcast %get3A_10 : vector<1x256xf32> to vector<256x256xf32>
    %add3A_547 = arith.addf %dot_general3A_545, %add3A_546 : vector<256x256xf32>
    %max3A_548 = arith.constant 0.000000e+00 : f32
    %max3A_549 = vector.broadcast %max3A_548 : f32 to vector<256x256xf32>
    %max3A_550 = arith.maximumf %add3A_547, %max3A_549 : vector<256x256xf32>
    %max3A_551 = arith.maximumf %max3A_487, %max3A_550 : vector<256x256xf32>
    %slice3A_552 = vector.extract_strided_slice %dot_general3A_537 {offsets = [0, 256], sizes = [256, 256], strides = [1, 1]} : vector<256x1024xf32> to vector<256x256xf32>
    %add3A_553 = vector.broadcast %get3A_4 : vector<1x256xf32> to vector<256x256xf32>
    %add3A_554 = arith.addf %slice3A_552, %add3A_553 : vector<256x256xf32>
    %max3A_555 = arith.constant 0.000000e+00 : f32
    %max3A_556 = vector.broadcast %max3A_555 : f32 to vector<256x256xf32>
    %max3A_557 = arith.maximumf %add3A_554, %max3A_556 : vector<256x256xf32>
    %dot_general3A_558 = arith.constant dense<0.000000e+00> : vector<256x256xf32>
    %dot_general3A_559 = tpu.matmul %max3A_557, %get3A_7, %dot_general3A_558 {dimension_numbers = #tpu.dot_dimension_numbers<[1], [0], [0], [1], [0, 0, 1, 1], [], []>, transpose_lhs_hint = false} : vector<256x256xf32>, vector<256x256xf32>, vector<256x256xf32> -> vector<256x256xf32>
    %add3A_560 = vector.broadcast %get3A_10 : vector<1x256xf32> to vector<256x256xf32>
    %add3A_561 = arith.addf %dot_general3A_559, %add3A_560 : vector<256x256xf32>
    %max3A_562 = arith.constant 0.000000e+00 : f32
    %max3A_563 = vector.broadcast %max3A_562 : f32 to vector<256x256xf32>
    %max3A_564 = arith.maximumf %add3A_561, %max3A_563 : vector<256x256xf32>
    %max3A_565 = arith.maximumf %max3A_501, %max3A_564 : vector<256x256xf32>
    %slice3A_566 = vector.extract_strided_slice %dot_general3A_537 {offsets = [0, 512], sizes = [256, 256], strides = [1, 1]} : vector<256x1024xf32> to vector<256x256xf32>
    %add3A_567 = vector.broadcast %get3A_4 : vector<1x256xf32> to vector<256x256xf32>
    %add3A_568 = arith.addf %slice3A_566, %add3A_567 : vector<256x256xf32>
    %max3A_569 = arith.constant 0.000000e+00 : f32
    %max3A_570 = vector.broadcast %max3A_569 : f32 to vector<256x256xf32>
    %max3A_571 = arith.maximumf %add3A_568, %max3A_570 : vector<256x256xf32>
    %dot_general3A_572 = arith.constant dense<0.000000e+00> : vector<256x256xf32>
    %dot_general3A_573 = tpu.matmul %max3A_571, %get3A_7, %dot_general3A_572 {dimension_numbers = #tpu.dot_dimension_numbers<[1], [0], [0], [1], [0, 0, 1, 1], [], []>, transpose_lhs_hint = false} : vector<256x256xf32>, vector<256x256xf32>, vector<256x256xf32> -> vector<256x256xf32>
    %add3A_574 = vector.broadcast %get3A_10 : vector<1x256xf32> to vector<256x256xf32>
    %add3A_575 = arith.addf %dot_general3A_573, %add3A_574 : vector<256x256xf32>
    %max3A_576 = arith.constant 0.000000e+00 : f32
    %max3A_577 = vector.broadcast %max3A_576 : f32 to vector<256x256xf32>
    %max3A_578 = arith.maximumf %add3A_575, %max3A_577 : vector<256x256xf32>
    %max3A_579 = arith.maximumf %max3A_515, %max3A_578 : vector<256x256xf32>
    %slice3A_580 = vector.extract_strided_slice %dot_general3A_537 {offsets = [0, 768], sizes = [256, 256], strides = [1, 1]} : vector<256x1024xf32> to vector<256x256xf32>
    %add3A_581 = vector.broadcast %get3A_4 : vector<1x256xf32> to vector<256x256xf32>
    %add3A_582 = arith.addf %slice3A_580, %add3A_581 : vector<256x256xf32>
    %max3A_583 = arith.constant 0.000000e+00 : f32
    %max3A_584 = vector.broadcast %max3A_583 : f32 to vector<256x256xf32>
    %max3A_585 = arith.maximumf %add3A_582, %max3A_584 : vector<256x256xf32>
    %dot_general3A_586 = arith.constant dense<0.000000e+00> : vector<256x256xf32>
    %dot_general3A_587 = tpu.matmul %max3A_585, %get3A_7, %dot_general3A_586 {dimension_numbers = #tpu.dot_dimension_numbers<[1], [0], [0], [1], [0, 0, 1, 1], [], []>, transpose_lhs_hint = false} : vector<256x256xf32>, vector<256x256xf32>, vector<256x256xf32> -> vector<256x256xf32>
    %add3A_588 = vector.broadcast %get3A_10 : vector<1x256xf32> to vector<256x256xf32>
    %add3A_589 = arith.addf %dot_general3A_587, %add3A_588 : vector<256x256xf32>
    %max3A_590 = arith.constant 0.000000e+00 : f32
    %max3A_591 = vector.broadcast %max3A_590 : f32 to vector<256x256xf32>
    %max3A_592 = arith.maximumf %add3A_589, %max3A_591 : vector<256x256xf32>
    %max3A_593 = arith.maximumf %max3A_529, %max3A_592 : vector<256x256xf32>
    %get3A_594 = arith.constant 0 : index
    %get3A_595 = arith.constant 2304 : index
    %get3A_596 = arith.constant 0 : index
    %get3A_597 = vector.load %arg1[%get3A_594, %get3A_595, %get3A_596] : memref<1x4096x128xf32, #tpu.memory_space<vmem>>, vector<1x256x128xf32>
    %get3A_598 = vector.shape_cast %get3A_597 : vector<1x256x128xf32> to vector<256x128xf32>
    %sub3A_599 = arith.subf %get3A_598, %get3A_15 : vector<256x128xf32>
    %dot_general3A_600 = arith.constant dense<0.000000e+00> : vector<256x1024xf32>
    %dot_general3A_601 = tpu.matmul %sub3A_599, %get3A_1, %dot_general3A_600 {dimension_numbers = #tpu.dot_dimension_numbers<[1], [0], [0], [1], [0, 0, 1, 1], [], []>, transpose_lhs_hint = false} : vector<256x128xf32>, vector<128x1024xf32>, vector<256x1024xf32> -> vector<256x1024xf32>
    %slice3A_602 = vector.extract_strided_slice %dot_general3A_601 {offsets = [0, 0], sizes = [256, 256], strides = [1, 1]} : vector<256x1024xf32> to vector<256x256xf32>
    %add3A_603 = vector.broadcast %get3A_4 : vector<1x256xf32> to vector<256x256xf32>
    %add3A_604 = arith.addf %slice3A_602, %add3A_603 : vector<256x256xf32>
    %max3A_605 = arith.constant 0.000000e+00 : f32
    %max3A_606 = vector.broadcast %max3A_605 : f32 to vector<256x256xf32>
    %max3A_607 = arith.maximumf %add3A_604, %max3A_606 : vector<256x256xf32>
    %dot_general3A_608 = arith.constant dense<0.000000e+00> : vector<256x256xf32>
    %dot_general3A_609 = tpu.matmul %max3A_607, %get3A_7, %dot_general3A_608 {dimension_numbers = #tpu.dot_dimension_numbers<[1], [0], [0], [1], [0, 0, 1, 1], [], []>, transpose_lhs_hint = false} : vector<256x256xf32>, vector<256x256xf32>, vector<256x256xf32> -> vector<256x256xf32>
    %add3A_610 = vector.broadcast %get3A_10 : vector<1x256xf32> to vector<256x256xf32>
    %add3A_611 = arith.addf %dot_general3A_609, %add3A_610 : vector<256x256xf32>
    %max3A_612 = arith.constant 0.000000e+00 : f32
    %max3A_613 = vector.broadcast %max3A_612 : f32 to vector<256x256xf32>
    %max3A_614 = arith.maximumf %add3A_611, %max3A_613 : vector<256x256xf32>
    %max3A_615 = arith.maximumf %max3A_551, %max3A_614 : vector<256x256xf32>
    %slice3A_616 = vector.extract_strided_slice %dot_general3A_601 {offsets = [0, 256], sizes = [256, 256], strides = [1, 1]} : vector<256x1024xf32> to vector<256x256xf32>
    %add3A_617 = vector.broadcast %get3A_4 : vector<1x256xf32> to vector<256x256xf32>
    %add3A_618 = arith.addf %slice3A_616, %add3A_617 : vector<256x256xf32>
    %max3A_619 = arith.constant 0.000000e+00 : f32
    %max3A_620 = vector.broadcast %max3A_619 : f32 to vector<256x256xf32>
    %max3A_621 = arith.maximumf %add3A_618, %max3A_620 : vector<256x256xf32>
    %dot_general3A_622 = arith.constant dense<0.000000e+00> : vector<256x256xf32>
    %dot_general3A_623 = tpu.matmul %max3A_621, %get3A_7, %dot_general3A_622 {dimension_numbers = #tpu.dot_dimension_numbers<[1], [0], [0], [1], [0, 0, 1, 1], [], []>, transpose_lhs_hint = false} : vector<256x256xf32>, vector<256x256xf32>, vector<256x256xf32> -> vector<256x256xf32>
    %add3A_624 = vector.broadcast %get3A_10 : vector<1x256xf32> to vector<256x256xf32>
    %add3A_625 = arith.addf %dot_general3A_623, %add3A_624 : vector<256x256xf32>
    %max3A_626 = arith.constant 0.000000e+00 : f32
    %max3A_627 = vector.broadcast %max3A_626 : f32 to vector<256x256xf32>
    %max3A_628 = arith.maximumf %add3A_625, %max3A_627 : vector<256x256xf32>
    %max3A_629 = arith.maximumf %max3A_565, %max3A_628 : vector<256x256xf32>
    %slice3A_630 = vector.extract_strided_slice %dot_general3A_601 {offsets = [0, 512], sizes = [256, 256], strides = [1, 1]} : vector<256x1024xf32> to vector<256x256xf32>
    %add3A_631 = vector.broadcast %get3A_4 : vector<1x256xf32> to vector<256x256xf32>
    %add3A_632 = arith.addf %slice3A_630, %add3A_631 : vector<256x256xf32>
    %max3A_633 = arith.constant 0.000000e+00 : f32
    %max3A_634 = vector.broadcast %max3A_633 : f32 to vector<256x256xf32>
    %max3A_635 = arith.maximumf %add3A_632, %max3A_634 : vector<256x256xf32>
    %dot_general3A_636 = arith.constant dense<0.000000e+00> : vector<256x256xf32>
    %dot_general3A_637 = tpu.matmul %max3A_635, %get3A_7, %dot_general3A_636 {dimension_numbers = #tpu.dot_dimension_numbers<[1], [0], [0], [1], [0, 0, 1, 1], [], []>, transpose_lhs_hint = false} : vector<256x256xf32>, vector<256x256xf32>, vector<256x256xf32> -> vector<256x256xf32>
    %add3A_638 = vector.broadcast %get3A_10 : vector<1x256xf32> to vector<256x256xf32>
    %add3A_639 = arith.addf %dot_general3A_637, %add3A_638 : vector<256x256xf32>
    %max3A_640 = arith.constant 0.000000e+00 : f32
    %max3A_641 = vector.broadcast %max3A_640 : f32 to vector<256x256xf32>
    %max3A_642 = arith.maximumf %add3A_639, %max3A_641 : vector<256x256xf32>
    %max3A_643 = arith.maximumf %max3A_579, %max3A_642 : vector<256x256xf32>
    %slice3A_644 = vector.extract_strided_slice %dot_general3A_601 {offsets = [0, 768], sizes = [256, 256], strides = [1, 1]} : vector<256x1024xf32> to vector<256x256xf32>
    %add3A_645 = vector.broadcast %get3A_4 : vector<1x256xf32> to vector<256x256xf32>
    %add3A_646 = arith.addf %slice3A_644, %add3A_645 : vector<256x256xf32>
    %max3A_647 = arith.constant 0.000000e+00 : f32
    %max3A_648 = vector.broadcast %max3A_647 : f32 to vector<256x256xf32>
    %max3A_649 = arith.maximumf %add3A_646, %max3A_648 : vector<256x256xf32>
    %dot_general3A_650 = arith.constant dense<0.000000e+00> : vector<256x256xf32>
    %dot_general3A_651 = tpu.matmul %max3A_649, %get3A_7, %dot_general3A_650 {dimension_numbers = #tpu.dot_dimension_numbers<[1], [0], [0], [1], [0, 0, 1, 1], [], []>, transpose_lhs_hint = false} : vector<256x256xf32>, vector<256x256xf32>, vector<256x256xf32> -> vector<256x256xf32>
    %add3A_652 = vector.broadcast %get3A_10 : vector<1x256xf32> to vector<256x256xf32>
    %add3A_653 = arith.addf %dot_general3A_651, %add3A_652 : vector<256x256xf32>
    %max3A_654 = arith.constant 0.000000e+00 : f32
    %max3A_655 = vector.broadcast %max3A_654 : f32 to vector<256x256xf32>
    %max3A_656 = arith.maximumf %add3A_653, %max3A_655 : vector<256x256xf32>
    %max3A_657 = arith.maximumf %max3A_593, %max3A_656 : vector<256x256xf32>
    %get3A_658 = arith.constant 0 : index
    %get3A_659 = arith.constant 2560 : index
    %get3A_660 = arith.constant 0 : index
    %get3A_661 = vector.load %arg1[%get3A_658, %get3A_659, %get3A_660] : memref<1x4096x128xf32, #tpu.memory_space<vmem>>, vector<1x256x128xf32>
    %get3A_662 = vector.shape_cast %get3A_661 : vector<1x256x128xf32> to vector<256x128xf32>
    %sub3A_663 = arith.subf %get3A_662, %get3A_15 : vector<256x128xf32>
    %dot_general3A_664 = arith.constant dense<0.000000e+00> : vector<256x1024xf32>
    %dot_general3A_665 = tpu.matmul %sub3A_663, %get3A_1, %dot_general3A_664 {dimension_numbers = #tpu.dot_dimension_numbers<[1], [0], [0], [1], [0, 0, 1, 1], [], []>, transpose_lhs_hint = false} : vector<256x128xf32>, vector<128x1024xf32>, vector<256x1024xf32> -> vector<256x1024xf32>
    %slice3A_666 = vector.extract_strided_slice %dot_general3A_665 {offsets = [0, 0], sizes = [256, 256], strides = [1, 1]} : vector<256x1024xf32> to vector<256x256xf32>
    %add3A_667 = vector.broadcast %get3A_4 : vector<1x256xf32> to vector<256x256xf32>
    %add3A_668 = arith.addf %slice3A_666, %add3A_667 : vector<256x256xf32>
    %max3A_669 = arith.constant 0.000000e+00 : f32
    %max3A_670 = vector.broadcast %max3A_669 : f32 to vector<256x256xf32>
    %max3A_671 = arith.maximumf %add3A_668, %max3A_670 : vector<256x256xf32>
    %dot_general3A_672 = arith.constant dense<0.000000e+00> : vector<256x256xf32>
    %dot_general3A_673 = tpu.matmul %max3A_671, %get3A_7, %dot_general3A_672 {dimension_numbers = #tpu.dot_dimension_numbers<[1], [0], [0], [1], [0, 0, 1, 1], [], []>, transpose_lhs_hint = false} : vector<256x256xf32>, vector<256x256xf32>, vector<256x256xf32> -> vector<256x256xf32>
    %add3A_674 = vector.broadcast %get3A_10 : vector<1x256xf32> to vector<256x256xf32>
    %add3A_675 = arith.addf %dot_general3A_673, %add3A_674 : vector<256x256xf32>
    %max3A_676 = arith.constant 0.000000e+00 : f32
    %max3A_677 = vector.broadcast %max3A_676 : f32 to vector<256x256xf32>
    %max3A_678 = arith.maximumf %add3A_675, %max3A_677 : vector<256x256xf32>
    %max3A_679 = arith.maximumf %max3A_615, %max3A_678 : vector<256x256xf32>
    %slice3A_680 = vector.extract_strided_slice %dot_general3A_665 {offsets = [0, 256], sizes = [256, 256], strides = [1, 1]} : vector<256x1024xf32> to vector<256x256xf32>
    %add3A_681 = vector.broadcast %get3A_4 : vector<1x256xf32> to vector<256x256xf32>
    %add3A_682 = arith.addf %slice3A_680, %add3A_681 : vector<256x256xf32>
    %max3A_683 = arith.constant 0.000000e+00 : f32
    %max3A_684 = vector.broadcast %max3A_683 : f32 to vector<256x256xf32>
    %max3A_685 = arith.maximumf %add3A_682, %max3A_684 : vector<256x256xf32>
    %dot_general3A_686 = arith.constant dense<0.000000e+00> : vector<256x256xf32>
    %dot_general3A_687 = tpu.matmul %max3A_685, %get3A_7, %dot_general3A_686 {dimension_numbers = #tpu.dot_dimension_numbers<[1], [0], [0], [1], [0, 0, 1, 1], [], []>, transpose_lhs_hint = false} : vector<256x256xf32>, vector<256x256xf32>, vector<256x256xf32> -> vector<256x256xf32>
    %add3A_688 = vector.broadcast %get3A_10 : vector<1x256xf32> to vector<256x256xf32>
    %add3A_689 = arith.addf %dot_general3A_687, %add3A_688 : vector<256x256xf32>
    %max3A_690 = arith.constant 0.000000e+00 : f32
    %max3A_691 = vector.broadcast %max3A_690 : f32 to vector<256x256xf32>
    %max3A_692 = arith.maximumf %add3A_689, %max3A_691 : vector<256x256xf32>
    %max3A_693 = arith.maximumf %max3A_629, %max3A_692 : vector<256x256xf32>
    %slice3A_694 = vector.extract_strided_slice %dot_general3A_665 {offsets = [0, 512], sizes = [256, 256], strides = [1, 1]} : vector<256x1024xf32> to vector<256x256xf32>
    %add3A_695 = vector.broadcast %get3A_4 : vector<1x256xf32> to vector<256x256xf32>
    %add3A_696 = arith.addf %slice3A_694, %add3A_695 : vector<256x256xf32>
    %max3A_697 = arith.constant 0.000000e+00 : f32
    %max3A_698 = vector.broadcast %max3A_697 : f32 to vector<256x256xf32>
    %max3A_699 = arith.maximumf %add3A_696, %max3A_698 : vector<256x256xf32>
    %dot_general3A_700 = arith.constant dense<0.000000e+00> : vector<256x256xf32>
    %dot_general3A_701 = tpu.matmul %max3A_699, %get3A_7, %dot_general3A_700 {dimension_numbers = #tpu.dot_dimension_numbers<[1], [0], [0], [1], [0, 0, 1, 1], [], []>, transpose_lhs_hint = false} : vector<256x256xf32>, vector<256x256xf32>, vector<256x256xf32> -> vector<256x256xf32>
    %add3A_702 = vector.broadcast %get3A_10 : vector<1x256xf32> to vector<256x256xf32>
    %add3A_703 = arith.addf %dot_general3A_701, %add3A_702 : vector<256x256xf32>
    %max3A_704 = arith.constant 0.000000e+00 : f32
    %max3A_705 = vector.broadcast %max3A_704 : f32 to vector<256x256xf32>
    %max3A_706 = arith.maximumf %add3A_703, %max3A_705 : vector<256x256xf32>
    %max3A_707 = arith.maximumf %max3A_643, %max3A_706 : vector<256x256xf32>
    %slice3A_708 = vector.extract_strided_slice %dot_general3A_665 {offsets = [0, 768], sizes = [256, 256], strides = [1, 1]} : vector<256x1024xf32> to vector<256x256xf32>
    %add3A_709 = vector.broadcast %get3A_4 : vector<1x256xf32> to vector<256x256xf32>
    %add3A_710 = arith.addf %slice3A_708, %add3A_709 : vector<256x256xf32>
    %max3A_711 = arith.constant 0.000000e+00 : f32
    %max3A_712 = vector.broadcast %max3A_711 : f32 to vector<256x256xf32>
    %max3A_713 = arith.maximumf %add3A_710, %max3A_712 : vector<256x256xf32>
    %dot_general3A_714 = arith.constant dense<0.000000e+00> : vector<256x256xf32>
    %dot_general3A_715 = tpu.matmul %max3A_713, %get3A_7, %dot_general3A_714 {dimension_numbers = #tpu.dot_dimension_numbers<[1], [0], [0], [1], [0, 0, 1, 1], [], []>, transpose_lhs_hint = false} : vector<256x256xf32>, vector<256x256xf32>, vector<256x256xf32> -> vector<256x256xf32>
    %add3A_716 = vector.broadcast %get3A_10 : vector<1x256xf32> to vector<256x256xf32>
    %add3A_717 = arith.addf %dot_general3A_715, %add3A_716 : vector<256x256xf32>
    %max3A_718 = arith.constant 0.000000e+00 : f32
    %max3A_719 = vector.broadcast %max3A_718 : f32 to vector<256x256xf32>
    %max3A_720 = arith.maximumf %add3A_717, %max3A_719 : vector<256x256xf32>
    %max3A_721 = arith.maximumf %max3A_657, %max3A_720 : vector<256x256xf32>
    %get3A_722 = arith.constant 0 : index
    %get3A_723 = arith.constant 2816 : index
    %get3A_724 = arith.constant 0 : index
    %get3A_725 = vector.load %arg1[%get3A_722, %get3A_723, %get3A_724] : memref<1x4096x128xf32, #tpu.memory_space<vmem>>, vector<1x256x128xf32>
    %get3A_726 = vector.shape_cast %get3A_725 : vector<1x256x128xf32> to vector<256x128xf32>
    %sub3A_727 = arith.subf %get3A_726, %get3A_15 : vector<256x128xf32>
    %dot_general3A_728 = arith.constant dense<0.000000e+00> : vector<256x1024xf32>
    %dot_general3A_729 = tpu.matmul %sub3A_727, %get3A_1, %dot_general3A_728 {dimension_numbers = #tpu.dot_dimension_numbers<[1], [0], [0], [1], [0, 0, 1, 1], [], []>, transpose_lhs_hint = false} : vector<256x128xf32>, vector<128x1024xf32>, vector<256x1024xf32> -> vector<256x1024xf32>
    %slice3A_730 = vector.extract_strided_slice %dot_general3A_729 {offsets = [0, 0], sizes = [256, 256], strides = [1, 1]} : vector<256x1024xf32> to vector<256x256xf32>
    %add3A_731 = vector.broadcast %get3A_4 : vector<1x256xf32> to vector<256x256xf32>
    %add3A_732 = arith.addf %slice3A_730, %add3A_731 : vector<256x256xf32>
    %max3A_733 = arith.constant 0.000000e+00 : f32
    %max3A_734 = vector.broadcast %max3A_733 : f32 to vector<256x256xf32>
    %max3A_735 = arith.maximumf %add3A_732, %max3A_734 : vector<256x256xf32>
    %dot_general3A_736 = arith.constant dense<0.000000e+00> : vector<256x256xf32>
    %dot_general3A_737 = tpu.matmul %max3A_735, %get3A_7, %dot_general3A_736 {dimension_numbers = #tpu.dot_dimension_numbers<[1], [0], [0], [1], [0, 0, 1, 1], [], []>, transpose_lhs_hint = false} : vector<256x256xf32>, vector<256x256xf32>, vector<256x256xf32> -> vector<256x256xf32>
    %add3A_738 = vector.broadcast %get3A_10 : vector<1x256xf32> to vector<256x256xf32>
    %add3A_739 = arith.addf %dot_general3A_737, %add3A_738 : vector<256x256xf32>
    %max3A_740 = arith.constant 0.000000e+00 : f32
    %max3A_741 = vector.broadcast %max3A_740 : f32 to vector<256x256xf32>
    %max3A_742 = arith.maximumf %add3A_739, %max3A_741 : vector<256x256xf32>
    %max3A_743 = arith.maximumf %max3A_679, %max3A_742 : vector<256x256xf32>
    %slice3A_744 = vector.extract_strided_slice %dot_general3A_729 {offsets = [0, 256], sizes = [256, 256], strides = [1, 1]} : vector<256x1024xf32> to vector<256x256xf32>
    %add3A_745 = vector.broadcast %get3A_4 : vector<1x256xf32> to vector<256x256xf32>
    %add3A_746 = arith.addf %slice3A_744, %add3A_745 : vector<256x256xf32>
    %max3A_747 = arith.constant 0.000000e+00 : f32
    %max3A_748 = vector.broadcast %max3A_747 : f32 to vector<256x256xf32>
    %max3A_749 = arith.maximumf %add3A_746, %max3A_748 : vector<256x256xf32>
    %dot_general3A_750 = arith.constant dense<0.000000e+00> : vector<256x256xf32>
    %dot_general3A_751 = tpu.matmul %max3A_749, %get3A_7, %dot_general3A_750 {dimension_numbers = #tpu.dot_dimension_numbers<[1], [0], [0], [1], [0, 0, 1, 1], [], []>, transpose_lhs_hint = false} : vector<256x256xf32>, vector<256x256xf32>, vector<256x256xf32> -> vector<256x256xf32>
    %add3A_752 = vector.broadcast %get3A_10 : vector<1x256xf32> to vector<256x256xf32>
    %add3A_753 = arith.addf %dot_general3A_751, %add3A_752 : vector<256x256xf32>
    %max3A_754 = arith.constant 0.000000e+00 : f32
    %max3A_755 = vector.broadcast %max3A_754 : f32 to vector<256x256xf32>
    %max3A_756 = arith.maximumf %add3A_753, %max3A_755 : vector<256x256xf32>
    %max3A_757 = arith.maximumf %max3A_693, %max3A_756 : vector<256x256xf32>
    %slice3A_758 = vector.extract_strided_slice %dot_general3A_729 {offsets = [0, 512], sizes = [256, 256], strides = [1, 1]} : vector<256x1024xf32> to vector<256x256xf32>
    %add3A_759 = vector.broadcast %get3A_4 : vector<1x256xf32> to vector<256x256xf32>
    %add3A_760 = arith.addf %slice3A_758, %add3A_759 : vector<256x256xf32>
    %max3A_761 = arith.constant 0.000000e+00 : f32
    %max3A_762 = vector.broadcast %max3A_761 : f32 to vector<256x256xf32>
    %max3A_763 = arith.maximumf %add3A_760, %max3A_762 : vector<256x256xf32>
    %dot_general3A_764 = arith.constant dense<0.000000e+00> : vector<256x256xf32>
    %dot_general3A_765 = tpu.matmul %max3A_763, %get3A_7, %dot_general3A_764 {dimension_numbers = #tpu.dot_dimension_numbers<[1], [0], [0], [1], [0, 0, 1, 1], [], []>, transpose_lhs_hint = false} : vector<256x256xf32>, vector<256x256xf32>, vector<256x256xf32> -> vector<256x256xf32>
    %add3A_766 = vector.broadcast %get3A_10 : vector<1x256xf32> to vector<256x256xf32>
    %add3A_767 = arith.addf %dot_general3A_765, %add3A_766 : vector<256x256xf32>
    %max3A_768 = arith.constant 0.000000e+00 : f32
    %max3A_769 = vector.broadcast %max3A_768 : f32 to vector<256x256xf32>
    %max3A_770 = arith.maximumf %add3A_767, %max3A_769 : vector<256x256xf32>
    %max3A_771 = arith.maximumf %max3A_707, %max3A_770 : vector<256x256xf32>
    %slice3A_772 = vector.extract_strided_slice %dot_general3A_729 {offsets = [0, 768], sizes = [256, 256], strides = [1, 1]} : vector<256x1024xf32> to vector<256x256xf32>
    %add3A_773 = vector.broadcast %get3A_4 : vector<1x256xf32> to vector<256x256xf32>
    %add3A_774 = arith.addf %slice3A_772, %add3A_773 : vector<256x256xf32>
    %max3A_775 = arith.constant 0.000000e+00 : f32
    %max3A_776 = vector.broadcast %max3A_775 : f32 to vector<256x256xf32>
    %max3A_777 = arith.maximumf %add3A_774, %max3A_776 : vector<256x256xf32>
    %dot_general3A_778 = arith.constant dense<0.000000e+00> : vector<256x256xf32>
    %dot_general3A_779 = tpu.matmul %max3A_777, %get3A_7, %dot_general3A_778 {dimension_numbers = #tpu.dot_dimension_numbers<[1], [0], [0], [1], [0, 0, 1, 1], [], []>, transpose_lhs_hint = false} : vector<256x256xf32>, vector<256x256xf32>, vector<256x256xf32> -> vector<256x256xf32>
    %add3A_780 = vector.broadcast %get3A_10 : vector<1x256xf32> to vector<256x256xf32>
    %add3A_781 = arith.addf %dot_general3A_779, %add3A_780 : vector<256x256xf32>
    %max3A_782 = arith.constant 0.000000e+00 : f32
    %max3A_783 = vector.broadcast %max3A_782 : f32 to vector<256x256xf32>
    %max3A_784 = arith.maximumf %add3A_781, %max3A_783 : vector<256x256xf32>
    %max3A_785 = arith.maximumf %max3A_721, %max3A_784 : vector<256x256xf32>
    %get3A_786 = arith.constant 0 : index
    %get3A_787 = arith.constant 3072 : index
    %get3A_788 = arith.constant 0 : index
    %get3A_789 = vector.load %arg1[%get3A_786, %get3A_787, %get3A_788] : memref<1x4096x128xf32, #tpu.memory_space<vmem>>, vector<1x256x128xf32>
    %get3A_790 = vector.shape_cast %get3A_789 : vector<1x256x128xf32> to vector<256x128xf32>
    %sub3A_791 = arith.subf %get3A_790, %get3A_15 : vector<256x128xf32>
    %dot_general3A_792 = arith.constant dense<0.000000e+00> : vector<256x1024xf32>
    %dot_general3A_793 = tpu.matmul %sub3A_791, %get3A_1, %dot_general3A_792 {dimension_numbers = #tpu.dot_dimension_numbers<[1], [0], [0], [1], [0, 0, 1, 1], [], []>, transpose_lhs_hint = false} : vector<256x128xf32>, vector<128x1024xf32>, vector<256x1024xf32> -> vector<256x1024xf32>
    %slice3A_794 = vector.extract_strided_slice %dot_general3A_793 {offsets = [0, 0], sizes = [256, 256], strides = [1, 1]} : vector<256x1024xf32> to vector<256x256xf32>
    %add3A_795 = vector.broadcast %get3A_4 : vector<1x256xf32> to vector<256x256xf32>
    %add3A_796 = arith.addf %slice3A_794, %add3A_795 : vector<256x256xf32>
    %max3A_797 = arith.constant 0.000000e+00 : f32
    %max3A_798 = vector.broadcast %max3A_797 : f32 to vector<256x256xf32>
    %max3A_799 = arith.maximumf %add3A_796, %max3A_798 : vector<256x256xf32>
    %dot_general3A_800 = arith.constant dense<0.000000e+00> : vector<256x256xf32>
    %dot_general3A_801 = tpu.matmul %max3A_799, %get3A_7, %dot_general3A_800 {dimension_numbers = #tpu.dot_dimension_numbers<[1], [0], [0], [1], [0, 0, 1, 1], [], []>, transpose_lhs_hint = false} : vector<256x256xf32>, vector<256x256xf32>, vector<256x256xf32> -> vector<256x256xf32>
    %add3A_802 = vector.broadcast %get3A_10 : vector<1x256xf32> to vector<256x256xf32>
    %add3A_803 = arith.addf %dot_general3A_801, %add3A_802 : vector<256x256xf32>
    %max3A_804 = arith.constant 0.000000e+00 : f32
    %max3A_805 = vector.broadcast %max3A_804 : f32 to vector<256x256xf32>
    %max3A_806 = arith.maximumf %add3A_803, %max3A_805 : vector<256x256xf32>
    %max3A_807 = arith.maximumf %max3A_743, %max3A_806 : vector<256x256xf32>
    %slice3A_808 = vector.extract_strided_slice %dot_general3A_793 {offsets = [0, 256], sizes = [256, 256], strides = [1, 1]} : vector<256x1024xf32> to vector<256x256xf32>
    %add3A_809 = vector.broadcast %get3A_4 : vector<1x256xf32> to vector<256x256xf32>
    %add3A_810 = arith.addf %slice3A_808, %add3A_809 : vector<256x256xf32>
    %max3A_811 = arith.constant 0.000000e+00 : f32
    %max3A_812 = vector.broadcast %max3A_811 : f32 to vector<256x256xf32>
    %max3A_813 = arith.maximumf %add3A_810, %max3A_812 : vector<256x256xf32>
    %dot_general3A_814 = arith.constant dense<0.000000e+00> : vector<256x256xf32>
    %dot_general3A_815 = tpu.matmul %max3A_813, %get3A_7, %dot_general3A_814 {dimension_numbers = #tpu.dot_dimension_numbers<[1], [0], [0], [1], [0, 0, 1, 1], [], []>, transpose_lhs_hint = false} : vector<256x256xf32>, vector<256x256xf32>, vector<256x256xf32> -> vector<256x256xf32>
    %add3A_816 = vector.broadcast %get3A_10 : vector<1x256xf32> to vector<256x256xf32>
    %add3A_817 = arith.addf %dot_general3A_815, %add3A_816 : vector<256x256xf32>
    %max3A_818 = arith.constant 0.000000e+00 : f32
    %max3A_819 = vector.broadcast %max3A_818 : f32 to vector<256x256xf32>
    %max3A_820 = arith.maximumf %add3A_817, %max3A_819 : vector<256x256xf32>
    %max3A_821 = arith.maximumf %max3A_757, %max3A_820 : vector<256x256xf32>
    %slice3A_822 = vector.extract_strided_slice %dot_general3A_793 {offsets = [0, 512], sizes = [256, 256], strides = [1, 1]} : vector<256x1024xf32> to vector<256x256xf32>
    %add3A_823 = vector.broadcast %get3A_4 : vector<1x256xf32> to vector<256x256xf32>
    %add3A_824 = arith.addf %slice3A_822, %add3A_823 : vector<256x256xf32>
    %max3A_825 = arith.constant 0.000000e+00 : f32
    %max3A_826 = vector.broadcast %max3A_825 : f32 to vector<256x256xf32>
    %max3A_827 = arith.maximumf %add3A_824, %max3A_826 : vector<256x256xf32>
    %dot_general3A_828 = arith.constant dense<0.000000e+00> : vector<256x256xf32>
    %dot_general3A_829 = tpu.matmul %max3A_827, %get3A_7, %dot_general3A_828 {dimension_numbers = #tpu.dot_dimension_numbers<[1], [0], [0], [1], [0, 0, 1, 1], [], []>, transpose_lhs_hint = false} : vector<256x256xf32>, vector<256x256xf32>, vector<256x256xf32> -> vector<256x256xf32>
    %add3A_830 = vector.broadcast %get3A_10 : vector<1x256xf32> to vector<256x256xf32>
    %add3A_831 = arith.addf %dot_general3A_829, %add3A_830 : vector<256x256xf32>
    %max3A_832 = arith.constant 0.000000e+00 : f32
    %max3A_833 = vector.broadcast %max3A_832 : f32 to vector<256x256xf32>
    %max3A_834 = arith.maximumf %add3A_831, %max3A_833 : vector<256x256xf32>
    %max3A_835 = arith.maximumf %max3A_771, %max3A_834 : vector<256x256xf32>
    %slice3A_836 = vector.extract_strided_slice %dot_general3A_793 {offsets = [0, 768], sizes = [256, 256], strides = [1, 1]} : vector<256x1024xf32> to vector<256x256xf32>
    %add3A_837 = vector.broadcast %get3A_4 : vector<1x256xf32> to vector<256x256xf32>
    %add3A_838 = arith.addf %slice3A_836, %add3A_837 : vector<256x256xf32>
    %max3A_839 = arith.constant 0.000000e+00 : f32
    %max3A_840 = vector.broadcast %max3A_839 : f32 to vector<256x256xf32>
    %max3A_841 = arith.maximumf %add3A_838, %max3A_840 : vector<256x256xf32>
    %dot_general3A_842 = arith.constant dense<0.000000e+00> : vector<256x256xf32>
    %dot_general3A_843 = tpu.matmul %max3A_841, %get3A_7, %dot_general3A_842 {dimension_numbers = #tpu.dot_dimension_numbers<[1], [0], [0], [1], [0, 0, 1, 1], [], []>, transpose_lhs_hint = false} : vector<256x256xf32>, vector<256x256xf32>, vector<256x256xf32> -> vector<256x256xf32>
    %add3A_844 = vector.broadcast %get3A_10 : vector<1x256xf32> to vector<256x256xf32>
    %add3A_845 = arith.addf %dot_general3A_843, %add3A_844 : vector<256x256xf32>
    %max3A_846 = arith.constant 0.000000e+00 : f32
    %max3A_847 = vector.broadcast %max3A_846 : f32 to vector<256x256xf32>
    %max3A_848 = arith.maximumf %add3A_845, %max3A_847 : vector<256x256xf32>
    %max3A_849 = arith.maximumf %max3A_785, %max3A_848 : vector<256x256xf32>
    %get3A_850 = arith.constant 0 : index
    %get3A_851 = arith.constant 3328 : index
    %get3A_852 = arith.constant 0 : index
    %get3A_853 = vector.load %arg1[%get3A_850, %get3A_851, %get3A_852] : memref<1x4096x128xf32, #tpu.memory_space<vmem>>, vector<1x256x128xf32>
    %get3A_854 = vector.shape_cast %get3A_853 : vector<1x256x128xf32> to vector<256x128xf32>
    %sub3A_855 = arith.subf %get3A_854, %get3A_15 : vector<256x128xf32>
    %dot_general3A_856 = arith.constant dense<0.000000e+00> : vector<256x1024xf32>
    %dot_general3A_857 = tpu.matmul %sub3A_855, %get3A_1, %dot_general3A_856 {dimension_numbers = #tpu.dot_dimension_numbers<[1], [0], [0], [1], [0, 0, 1, 1], [], []>, transpose_lhs_hint = false} : vector<256x128xf32>, vector<128x1024xf32>, vector<256x1024xf32> -> vector<256x1024xf32>
    %slice3A_858 = vector.extract_strided_slice %dot_general3A_857 {offsets = [0, 0], sizes = [256, 256], strides = [1, 1]} : vector<256x1024xf32> to vector<256x256xf32>
    %add3A_859 = vector.broadcast %get3A_4 : vector<1x256xf32> to vector<256x256xf32>
    %add3A_860 = arith.addf %slice3A_858, %add3A_859 : vector<256x256xf32>
    %max3A_861 = arith.constant 0.000000e+00 : f32
    %max3A_862 = vector.broadcast %max3A_861 : f32 to vector<256x256xf32>
    %max3A_863 = arith.maximumf %add3A_860, %max3A_862 : vector<256x256xf32>
    %dot_general3A_864 = arith.constant dense<0.000000e+00> : vector<256x256xf32>
    %dot_general3A_865 = tpu.matmul %max3A_863, %get3A_7, %dot_general3A_864 {dimension_numbers = #tpu.dot_dimension_numbers<[1], [0], [0], [1], [0, 0, 1, 1], [], []>, transpose_lhs_hint = false} : vector<256x256xf32>, vector<256x256xf32>, vector<256x256xf32> -> vector<256x256xf32>
    %add3A_866 = vector.broadcast %get3A_10 : vector<1x256xf32> to vector<256x256xf32>
    %add3A_867 = arith.addf %dot_general3A_865, %add3A_866 : vector<256x256xf32>
    %max3A_868 = arith.constant 0.000000e+00 : f32
    %max3A_869 = vector.broadcast %max3A_868 : f32 to vector<256x256xf32>
    %max3A_870 = arith.maximumf %add3A_867, %max3A_869 : vector<256x256xf32>
    %max3A_871 = arith.maximumf %max3A_807, %max3A_870 : vector<256x256xf32>
    %slice3A_872 = vector.extract_strided_slice %dot_general3A_857 {offsets = [0, 256], sizes = [256, 256], strides = [1, 1]} : vector<256x1024xf32> to vector<256x256xf32>
    %add3A_873 = vector.broadcast %get3A_4 : vector<1x256xf32> to vector<256x256xf32>
    %add3A_874 = arith.addf %slice3A_872, %add3A_873 : vector<256x256xf32>
    %max3A_875 = arith.constant 0.000000e+00 : f32
    %max3A_876 = vector.broadcast %max3A_875 : f32 to vector<256x256xf32>
    %max3A_877 = arith.maximumf %add3A_874, %max3A_876 : vector<256x256xf32>
    %dot_general3A_878 = arith.constant dense<0.000000e+00> : vector<256x256xf32>
    %dot_general3A_879 = tpu.matmul %max3A_877, %get3A_7, %dot_general3A_878 {dimension_numbers = #tpu.dot_dimension_numbers<[1], [0], [0], [1], [0, 0, 1, 1], [], []>, transpose_lhs_hint = false} : vector<256x256xf32>, vector<256x256xf32>, vector<256x256xf32> -> vector<256x256xf32>
    %add3A_880 = vector.broadcast %get3A_10 : vector<1x256xf32> to vector<256x256xf32>
    %add3A_881 = arith.addf %dot_general3A_879, %add3A_880 : vector<256x256xf32>
    %max3A_882 = arith.constant 0.000000e+00 : f32
    %max3A_883 = vector.broadcast %max3A_882 : f32 to vector<256x256xf32>
    %max3A_884 = arith.maximumf %add3A_881, %max3A_883 : vector<256x256xf32>
    %max3A_885 = arith.maximumf %max3A_821, %max3A_884 : vector<256x256xf32>
    %slice3A_886 = vector.extract_strided_slice %dot_general3A_857 {offsets = [0, 512], sizes = [256, 256], strides = [1, 1]} : vector<256x1024xf32> to vector<256x256xf32>
    %add3A_887 = vector.broadcast %get3A_4 : vector<1x256xf32> to vector<256x256xf32>
    %add3A_888 = arith.addf %slice3A_886, %add3A_887 : vector<256x256xf32>
    %max3A_889 = arith.constant 0.000000e+00 : f32
    %max3A_890 = vector.broadcast %max3A_889 : f32 to vector<256x256xf32>
    %max3A_891 = arith.maximumf %add3A_888, %max3A_890 : vector<256x256xf32>
    %dot_general3A_892 = arith.constant dense<0.000000e+00> : vector<256x256xf32>
    %dot_general3A_893 = tpu.matmul %max3A_891, %get3A_7, %dot_general3A_892 {dimension_numbers = #tpu.dot_dimension_numbers<[1], [0], [0], [1], [0, 0, 1, 1], [], []>, transpose_lhs_hint = false} : vector<256x256xf32>, vector<256x256xf32>, vector<256x256xf32> -> vector<256x256xf32>
    %add3A_894 = vector.broadcast %get3A_10 : vector<1x256xf32> to vector<256x256xf32>
    %add3A_895 = arith.addf %dot_general3A_893, %add3A_894 : vector<256x256xf32>
    %max3A_896 = arith.constant 0.000000e+00 : f32
    %max3A_897 = vector.broadcast %max3A_896 : f32 to vector<256x256xf32>
    %max3A_898 = arith.maximumf %add3A_895, %max3A_897 : vector<256x256xf32>
    %max3A_899 = arith.maximumf %max3A_835, %max3A_898 : vector<256x256xf32>
    %slice3A_900 = vector.extract_strided_slice %dot_general3A_857 {offsets = [0, 768], sizes = [256, 256], strides = [1, 1]} : vector<256x1024xf32> to vector<256x256xf32>
    %add3A_901 = vector.broadcast %get3A_4 : vector<1x256xf32> to vector<256x256xf32>
    %add3A_902 = arith.addf %slice3A_900, %add3A_901 : vector<256x256xf32>
    %max3A_903 = arith.constant 0.000000e+00 : f32
    %max3A_904 = vector.broadcast %max3A_903 : f32 to vector<256x256xf32>
    %max3A_905 = arith.maximumf %add3A_902, %max3A_904 : vector<256x256xf32>
    %dot_general3A_906 = arith.constant dense<0.000000e+00> : vector<256x256xf32>
    %dot_general3A_907 = tpu.matmul %max3A_905, %get3A_7, %dot_general3A_906 {dimension_numbers = #tpu.dot_dimension_numbers<[1], [0], [0], [1], [0, 0, 1, 1], [], []>, transpose_lhs_hint = false} : vector<256x256xf32>, vector<256x256xf32>, vector<256x256xf32> -> vector<256x256xf32>
    %add3A_908 = vector.broadcast %get3A_10 : vector<1x256xf32> to vector<256x256xf32>
    %add3A_909 = arith.addf %dot_general3A_907, %add3A_908 : vector<256x256xf32>
    %max3A_910 = arith.constant 0.000000e+00 : f32
    %max3A_911 = vector.broadcast %max3A_910 : f32 to vector<256x256xf32>
    %max3A_912 = arith.maximumf %add3A_909, %max3A_911 : vector<256x256xf32>
    %max3A_913 = arith.maximumf %max3A_849, %max3A_912 : vector<256x256xf32>
    %get3A_914 = arith.constant 0 : index
    %get3A_915 = arith.constant 3584 : index
    %get3A_916 = arith.constant 0 : index
    %get3A_917 = vector.load %arg1[%get3A_914, %get3A_915, %get3A_916] : memref<1x4096x128xf32, #tpu.memory_space<vmem>>, vector<1x256x128xf32>
    %get3A_918 = vector.shape_cast %get3A_917 : vector<1x256x128xf32> to vector<256x128xf32>
    %sub3A_919 = arith.subf %get3A_918, %get3A_15 : vector<256x128xf32>
    %dot_general3A_920 = arith.constant dense<0.000000e+00> : vector<256x1024xf32>
    %dot_general3A_921 = tpu.matmul %sub3A_919, %get3A_1, %dot_general3A_920 {dimension_numbers = #tpu.dot_dimension_numbers<[1], [0], [0], [1], [0, 0, 1, 1], [], []>, transpose_lhs_hint = false} : vector<256x128xf32>, vector<128x1024xf32>, vector<256x1024xf32> -> vector<256x1024xf32>
    %slice3A_922 = vector.extract_strided_slice %dot_general3A_921 {offsets = [0, 0], sizes = [256, 256], strides = [1, 1]} : vector<256x1024xf32> to vector<256x256xf32>
    %add3A_923 = vector.broadcast %get3A_4 : vector<1x256xf32> to vector<256x256xf32>
    %add3A_924 = arith.addf %slice3A_922, %add3A_923 : vector<256x256xf32>
    %max3A_925 = arith.constant 0.000000e+00 : f32
    %max3A_926 = vector.broadcast %max3A_925 : f32 to vector<256x256xf32>
    %max3A_927 = arith.maximumf %add3A_924, %max3A_926 : vector<256x256xf32>
    %dot_general3A_928 = arith.constant dense<0.000000e+00> : vector<256x256xf32>
    %dot_general3A_929 = tpu.matmul %max3A_927, %get3A_7, %dot_general3A_928 {dimension_numbers = #tpu.dot_dimension_numbers<[1], [0], [0], [1], [0, 0, 1, 1], [], []>, transpose_lhs_hint = false} : vector<256x256xf32>, vector<256x256xf32>, vector<256x256xf32> -> vector<256x256xf32>
    %add3A_930 = vector.broadcast %get3A_10 : vector<1x256xf32> to vector<256x256xf32>
    %add3A_931 = arith.addf %dot_general3A_929, %add3A_930 : vector<256x256xf32>
    %max3A_932 = arith.constant 0.000000e+00 : f32
    %max3A_933 = vector.broadcast %max3A_932 : f32 to vector<256x256xf32>
    %max3A_934 = arith.maximumf %add3A_931, %max3A_933 : vector<256x256xf32>
    %max3A_935 = arith.maximumf %max3A_871, %max3A_934 : vector<256x256xf32>
    %slice3A_936 = vector.extract_strided_slice %dot_general3A_921 {offsets = [0, 256], sizes = [256, 256], strides = [1, 1]} : vector<256x1024xf32> to vector<256x256xf32>
    %add3A_937 = vector.broadcast %get3A_4 : vector<1x256xf32> to vector<256x256xf32>
    %add3A_938 = arith.addf %slice3A_936, %add3A_937 : vector<256x256xf32>
    %max3A_939 = arith.constant 0.000000e+00 : f32
    %max3A_940 = vector.broadcast %max3A_939 : f32 to vector<256x256xf32>
    %max3A_941 = arith.maximumf %add3A_938, %max3A_940 : vector<256x256xf32>
    %dot_general3A_942 = arith.constant dense<0.000000e+00> : vector<256x256xf32>
    %dot_general3A_943 = tpu.matmul %max3A_941, %get3A_7, %dot_general3A_942 {dimension_numbers = #tpu.dot_dimension_numbers<[1], [0], [0], [1], [0, 0, 1, 1], [], []>, transpose_lhs_hint = false} : vector<256x256xf32>, vector<256x256xf32>, vector<256x256xf32> -> vector<256x256xf32>
    %add3A_944 = vector.broadcast %get3A_10 : vector<1x256xf32> to vector<256x256xf32>
    %add3A_945 = arith.addf %dot_general3A_943, %add3A_944 : vector<256x256xf32>
    %max3A_946 = arith.constant 0.000000e+00 : f32
    %max3A_947 = vector.broadcast %max3A_946 : f32 to vector<256x256xf32>
    %max3A_948 = arith.maximumf %add3A_945, %max3A_947 : vector<256x256xf32>
    %max3A_949 = arith.maximumf %max3A_885, %max3A_948 : vector<256x256xf32>
    %slice3A_950 = vector.extract_strided_slice %dot_general3A_921 {offsets = [0, 512], sizes = [256, 256], strides = [1, 1]} : vector<256x1024xf32> to vector<256x256xf32>
    %add3A_951 = vector.broadcast %get3A_4 : vector<1x256xf32> to vector<256x256xf32>
    %add3A_952 = arith.addf %slice3A_950, %add3A_951 : vector<256x256xf32>
    %max3A_953 = arith.constant 0.000000e+00 : f32
    %max3A_954 = vector.broadcast %max3A_953 : f32 to vector<256x256xf32>
    %max3A_955 = arith.maximumf %add3A_952, %max3A_954 : vector<256x256xf32>
    %dot_general3A_956 = arith.constant dense<0.000000e+00> : vector<256x256xf32>
    %dot_general3A_957 = tpu.matmul %max3A_955, %get3A_7, %dot_general3A_956 {dimension_numbers = #tpu.dot_dimension_numbers<[1], [0], [0], [1], [0, 0, 1, 1], [], []>, transpose_lhs_hint = false} : vector<256x256xf32>, vector<256x256xf32>, vector<256x256xf32> -> vector<256x256xf32>
    %add3A_958 = vector.broadcast %get3A_10 : vector<1x256xf32> to vector<256x256xf32>
    %add3A_959 = arith.addf %dot_general3A_957, %add3A_958 : vector<256x256xf32>
    %max3A_960 = arith.constant 0.000000e+00 : f32
    %max3A_961 = vector.broadcast %max3A_960 : f32 to vector<256x256xf32>
    %max3A_962 = arith.maximumf %add3A_959, %max3A_961 : vector<256x256xf32>
    %max3A_963 = arith.maximumf %max3A_899, %max3A_962 : vector<256x256xf32>
    %slice3A_964 = vector.extract_strided_slice %dot_general3A_921 {offsets = [0, 768], sizes = [256, 256], strides = [1, 1]} : vector<256x1024xf32> to vector<256x256xf32>
    %add3A_965 = vector.broadcast %get3A_4 : vector<1x256xf32> to vector<256x256xf32>
    %add3A_966 = arith.addf %slice3A_964, %add3A_965 : vector<256x256xf32>
    %max3A_967 = arith.constant 0.000000e+00 : f32
    %max3A_968 = vector.broadcast %max3A_967 : f32 to vector<256x256xf32>
    %max3A_969 = arith.maximumf %add3A_966, %max3A_968 : vector<256x256xf32>
    %dot_general3A_970 = arith.constant dense<0.000000e+00> : vector<256x256xf32>
    %dot_general3A_971 = tpu.matmul %max3A_969, %get3A_7, %dot_general3A_970 {dimension_numbers = #tpu.dot_dimension_numbers<[1], [0], [0], [1], [0, 0, 1, 1], [], []>, transpose_lhs_hint = false} : vector<256x256xf32>, vector<256x256xf32>, vector<256x256xf32> -> vector<256x256xf32>
    %add3A_972 = vector.broadcast %get3A_10 : vector<1x256xf32> to vector<256x256xf32>
    %add3A_973 = arith.addf %dot_general3A_971, %add3A_972 : vector<256x256xf32>
    %max3A_974 = arith.constant 0.000000e+00 : f32
    %max3A_975 = vector.broadcast %max3A_974 : f32 to vector<256x256xf32>
    %max3A_976 = arith.maximumf %add3A_973, %max3A_975 : vector<256x256xf32>
    %max3A_977 = arith.maximumf %max3A_913, %max3A_976 : vector<256x256xf32>
    %get3A_978 = arith.constant 0 : index
    %get3A_979 = arith.constant 3840 : index
    %get3A_980 = arith.constant 0 : index
    %get3A_981 = vector.load %arg1[%get3A_978, %get3A_979, %get3A_980] : memref<1x4096x128xf32, #tpu.memory_space<vmem>>, vector<1x256x128xf32>
    %get3A_982 = vector.shape_cast %get3A_981 : vector<1x256x128xf32> to vector<256x128xf32>
    %sub3A_983 = arith.subf %get3A_982, %get3A_15 : vector<256x128xf32>
    %dot_general3A_984 = arith.constant dense<0.000000e+00> : vector<256x1024xf32>
    %dot_general3A_985 = tpu.matmul %sub3A_983, %get3A_1, %dot_general3A_984 {dimension_numbers = #tpu.dot_dimension_numbers<[1], [0], [0], [1], [0, 0, 1, 1], [], []>, transpose_lhs_hint = false} : vector<256x128xf32>, vector<128x1024xf32>, vector<256x1024xf32> -> vector<256x1024xf32>
    %slice3A_986 = vector.extract_strided_slice %dot_general3A_985 {offsets = [0, 0], sizes = [256, 256], strides = [1, 1]} : vector<256x1024xf32> to vector<256x256xf32>
    %add3A_987 = vector.broadcast %get3A_4 : vector<1x256xf32> to vector<256x256xf32>
    %add3A_988 = arith.addf %slice3A_986, %add3A_987 : vector<256x256xf32>
    %max3A_989 = arith.constant 0.000000e+00 : f32
    %max3A_990 = vector.broadcast %max3A_989 : f32 to vector<256x256xf32>
    %max3A_991 = arith.maximumf %add3A_988, %max3A_990 : vector<256x256xf32>
    %dot_general3A_992 = arith.constant dense<0.000000e+00> : vector<256x256xf32>
    %dot_general3A_993 = tpu.matmul %max3A_991, %get3A_7, %dot_general3A_992 {dimension_numbers = #tpu.dot_dimension_numbers<[1], [0], [0], [1], [0, 0, 1, 1], [], []>, transpose_lhs_hint = false} : vector<256x256xf32>, vector<256x256xf32>, vector<256x256xf32> -> vector<256x256xf32>
    %add3A_994 = vector.broadcast %get3A_10 : vector<1x256xf32> to vector<256x256xf32>
    %add3A_995 = arith.addf %dot_general3A_993, %add3A_994 : vector<256x256xf32>
    %max3A_996 = arith.constant 0.000000e+00 : f32
    %max3A_997 = vector.broadcast %max3A_996 : f32 to vector<256x256xf32>
    %max3A_998 = arith.maximumf %add3A_995, %max3A_997 : vector<256x256xf32>
    %max3A_999 = arith.maximumf %max3A_935, %max3A_998 : vector<256x256xf32>
    %slice3A_1000 = vector.extract_strided_slice %dot_general3A_985 {offsets = [0, 256], sizes = [256, 256], strides = [1, 1]} : vector<256x1024xf32> to vector<256x256xf32>
    %add3A_1001 = vector.broadcast %get3A_4 : vector<1x256xf32> to vector<256x256xf32>
    %add3A_1002 = arith.addf %slice3A_1000, %add3A_1001 : vector<256x256xf32>
    %max3A_1003 = arith.constant 0.000000e+00 : f32
    %max3A_1004 = vector.broadcast %max3A_1003 : f32 to vector<256x256xf32>
    %max3A_1005 = arith.maximumf %add3A_1002, %max3A_1004 : vector<256x256xf32>
    %dot_general3A_1006 = arith.constant dense<0.000000e+00> : vector<256x256xf32>
    %dot_general3A_1007 = tpu.matmul %max3A_1005, %get3A_7, %dot_general3A_1006 {dimension_numbers = #tpu.dot_dimension_numbers<[1], [0], [0], [1], [0, 0, 1, 1], [], []>, transpose_lhs_hint = false} : vector<256x256xf32>, vector<256x256xf32>, vector<256x256xf32> -> vector<256x256xf32>
    %add3A_1008 = vector.broadcast %get3A_10 : vector<1x256xf32> to vector<256x256xf32>
    %add3A_1009 = arith.addf %dot_general3A_1007, %add3A_1008 : vector<256x256xf32>
    %max3A_1010 = arith.constant 0.000000e+00 : f32
    %max3A_1011 = vector.broadcast %max3A_1010 : f32 to vector<256x256xf32>
    %max3A_1012 = arith.maximumf %add3A_1009, %max3A_1011 : vector<256x256xf32>
    %max3A_1013 = arith.maximumf %max3A_949, %max3A_1012 : vector<256x256xf32>
    %slice3A_1014 = vector.extract_strided_slice %dot_general3A_985 {offsets = [0, 512], sizes = [256, 256], strides = [1, 1]} : vector<256x1024xf32> to vector<256x256xf32>
    %add3A_1015 = vector.broadcast %get3A_4 : vector<1x256xf32> to vector<256x256xf32>
    %add3A_1016 = arith.addf %slice3A_1014, %add3A_1015 : vector<256x256xf32>
    %max3A_1017 = arith.constant 0.000000e+00 : f32
    %max3A_1018 = vector.broadcast %max3A_1017 : f32 to vector<256x256xf32>
    %max3A_1019 = arith.maximumf %add3A_1016, %max3A_1018 : vector<256x256xf32>
    %dot_general3A_1020 = arith.constant dense<0.000000e+00> : vector<256x256xf32>
    %dot_general3A_1021 = tpu.matmul %max3A_1019, %get3A_7, %dot_general3A_1020 {dimension_numbers = #tpu.dot_dimension_numbers<[1], [0], [0], [1], [0, 0, 1, 1], [], []>, transpose_lhs_hint = false} : vector<256x256xf32>, vector<256x256xf32>, vector<256x256xf32> -> vector<256x256xf32>
    %add3A_1022 = vector.broadcast %get3A_10 : vector<1x256xf32> to vector<256x256xf32>
    %add3A_1023 = arith.addf %dot_general3A_1021, %add3A_1022 : vector<256x256xf32>
    %max3A_1024 = arith.constant 0.000000e+00 : f32
    %max3A_1025 = vector.broadcast %max3A_1024 : f32 to vector<256x256xf32>
    %max3A_1026 = arith.maximumf %add3A_1023, %max3A_1025 : vector<256x256xf32>
    %max3A_1027 = arith.maximumf %max3A_963, %max3A_1026 : vector<256x256xf32>
    %slice3A_1028 = vector.extract_strided_slice %dot_general3A_985 {offsets = [0, 768], sizes = [256, 256], strides = [1, 1]} : vector<256x1024xf32> to vector<256x256xf32>
    %add3A_1029 = vector.broadcast %get3A_4 : vector<1x256xf32> to vector<256x256xf32>
    %add3A_1030 = arith.addf %slice3A_1028, %add3A_1029 : vector<256x256xf32>
    %max3A_1031 = arith.constant 0.000000e+00 : f32
    %max3A_1032 = vector.broadcast %max3A_1031 : f32 to vector<256x256xf32>
    %max3A_1033 = arith.maximumf %add3A_1030, %max3A_1032 : vector<256x256xf32>
    %dot_general3A_1034 = arith.constant dense<0.000000e+00> : vector<256x256xf32>
    %dot_general3A_1035 = tpu.matmul %max3A_1033, %get3A_7, %dot_general3A_1034 {dimension_numbers = #tpu.dot_dimension_numbers<[1], [0], [0], [1], [0, 0, 1, 1], [], []>, transpose_lhs_hint = false} : vector<256x256xf32>, vector<256x256xf32>, vector<256x256xf32> -> vector<256x256xf32>
    %add3A_1036 = vector.broadcast %get3A_10 : vector<1x256xf32> to vector<256x256xf32>
    %add3A_1037 = arith.addf %dot_general3A_1035, %add3A_1036 : vector<256x256xf32>
    %max3A_1038 = arith.constant 0.000000e+00 : f32
    %max3A_1039 = vector.broadcast %max3A_1038 : f32 to vector<256x256xf32>
    %max3A_1040 = arith.maximumf %add3A_1037, %max3A_1039 : vector<256x256xf32>
    %max3A_1041 = arith.maximumf %max3A_977, %max3A_1040 : vector<256x256xf32>
    %reduce_sum3A = arith.constant dense<0.000000e+00> : vector<256xf32>
    %reduce_sum3A_1042 = vector.multi_reduction <add>, %max3A_999, %reduce_sum3A [0] : vector<256x256xf32> to vector<256xf32>
    %broadcast_in_dim3A_1043 = vector.shape_cast %reduce_sum3A_1042 : vector<256xf32> to vector<1x256xf32>
    %reduce_sum3A_1044 = arith.constant dense<0.000000e+00> : vector<256xf32>
    %reduce_sum3A_1045 = vector.multi_reduction <add>, %max3A_1013, %reduce_sum3A_1044 [0] : vector<256x256xf32> to vector<256xf32>
    %broadcast_in_dim3A_1046 = vector.shape_cast %reduce_sum3A_1045 : vector<256xf32> to vector<1x256xf32>
    %add3A_1047 = arith.addf %broadcast_in_dim3A_1043, %broadcast_in_dim3A_1046 : vector<1x256xf32>
    %reduce_sum3A_1048 = arith.constant dense<0.000000e+00> : vector<256xf32>
    %reduce_sum3A_1049 = vector.multi_reduction <add>, %max3A_1027, %reduce_sum3A_1048 [0] : vector<256x256xf32> to vector<256xf32>
    %broadcast_in_dim3A_1050 = vector.shape_cast %reduce_sum3A_1049 : vector<256xf32> to vector<1x256xf32>
    %add3A_1051 = arith.addf %add3A_1047, %broadcast_in_dim3A_1050 : vector<1x256xf32>
    %reduce_sum3A_1052 = arith.constant dense<0.000000e+00> : vector<256xf32>
    %reduce_sum3A_1053 = vector.multi_reduction <add>, %max3A_1041, %reduce_sum3A_1052 [0] : vector<256x256xf32> to vector<256xf32>
    %broadcast_in_dim3A_1054 = vector.shape_cast %reduce_sum3A_1053 : vector<256xf32> to vector<1x256xf32>
    %add3A_1055 = arith.addf %add3A_1051, %broadcast_in_dim3A_1054 : vector<1x256xf32>
    %div3A = arith.constant 1.024000e+03 : f32
    %div3A_1056 = vector.broadcast %div3A : f32 to vector<1x256xf32>
    %div3A_1057 = arith.divf %add3A_1055, %div3A_1056 : vector<1x256xf32>
    %get3A_1058 = arith.constant 0 : index
    %get3A_1059 = arith.constant 0 : index
    %get3A_1060 = vector.load %arg7[%get3A_1058, %get3A_1059] : memref<256x256xf32, #tpu.memory_space<vmem>>, vector<256x256xf32>
    %dot_general3A_1061 = arith.constant dense<0.000000e+00> : vector<1x256xf32>
    %dot_general3A_1062 = tpu.matmul %div3A_1057, %get3A_1060, %dot_general3A_1061 {dimension_numbers = #tpu.dot_dimension_numbers<[1], [0], [0], [1], [0, 0, 1, 1], [], []>, transpose_lhs_hint = false} : vector<1x256xf32>, vector<256x256xf32>, vector<1x256xf32> -> vector<1x256xf32>
    %get3A_1063 = arith.constant 0 : index
    %get3A_1064 = arith.constant 0 : index
    %get3A_1065 = vector.load %arg8[%get3A_1063, %get3A_1064] : memref<1x256xf32, #tpu.memory_space<vmem>>, vector<1x256xf32>
    %add3A_1066 = arith.addf %dot_general3A_1062, %get3A_1065 : vector<1x256xf32>
    %gt3A = arith.constant 0.000000e+00 : f32
    %gt3A_1067 = vector.broadcast %gt3A : f32 to vector<1x256xf32>
    %gt3A_1068 = arith.cmpf ogt, %add3A_1066, %gt3A_1067 : vector<1x256xf32>
    %min3A = arith.constant 0.000000e+00 : f32
    %min3A_1069 = vector.broadcast %min3A : f32 to vector<1x256xf32>
    %min3A_1070 = arith.minimumf %add3A_1066, %min3A_1069 : vector<1x256xf32>
    %exp3A = math.exp %min3A_1070 : vector<1x256xf32>
    %sub3A_1071 = arith.constant 1.000000e+00 : f32
    %sub3A_1072 = vector.broadcast %sub3A_1071 : f32 to vector<1x256xf32>
    %sub3A_1073 = arith.subf %exp3A, %sub3A_1072 : vector<1x256xf32>
    %select_n3A = arith.select %gt3A_1068, %add3A_1066, %sub3A_1073 : vector<1x256xi1>, vector<1x256xf32>
    %get3A_1074 = arith.constant 0 : index
    %get3A_1075 = arith.constant 0 : index
    %get3A_1076 = vector.load %arg9[%get3A_1074, %get3A_1075] : memref<256x40xf32, #tpu.memory_space<vmem>>, vector<256x40xf32>
    %dot_general3A_1077 = arith.constant dense<0.000000e+00> : vector<1x40xf32>
    %dot_general3A_1078 = tpu.matmul %select_n3A, %get3A_1076, %dot_general3A_1077 {dimension_numbers = #tpu.dot_dimension_numbers<[1], [0], [0], [1], [0, 0, 1, 1], [], []>, transpose_lhs_hint = false} : vector<1x256xf32>, vector<256x40xf32>, vector<1x40xf32> -> vector<1x40xf32>
    %get3A_1079 = arith.constant 0 : index
    %get3A_1080 = arith.constant 0 : index
    %get3A_1081 = vector.load %arg10[%get3A_1079, %get3A_1080] : memref<1x40xf32, #tpu.memory_space<vmem>>, vector<1x40xf32>
    %add3A_1082 = arith.addf %dot_general3A_1078, %get3A_1081 : vector<1x40xf32>
    %reduce_max3A = arith.constant dense<0xFF800000> : vector<1xf32>
    %reduce_max3A_1083 = vector.multi_reduction <maximumf>, %add3A_1082, %reduce_max3A [1] : vector<1x40xf32> to vector<1xf32>
    %broadcast_in_dim3A_1084 = vector.shape_cast %reduce_max3A_1083 : vector<1xf32> to vector<1x1xf32>
    %sub3A_1085 = vector.broadcast %broadcast_in_dim3A_1084 : vector<1x1xf32> to vector<1x40xf32>
    %sub3A_1086 = arith.subf %add3A_1082, %sub3A_1085 : vector<1x40xf32>
    %exp3A_1087 = math.exp %sub3A_1086 : vector<1x40xf32>
    %reduce_sum3A_1088 = arith.constant dense<0.000000e+00> : vector<1xf32>
    %reduce_sum3A_1089 = vector.multi_reduction <add>, %exp3A_1087, %reduce_sum3A_1088 [1] : vector<1x40xf32> to vector<1xf32>
    %broadcast_in_dim3A_1090 = vector.shape_cast %reduce_sum3A_1089 : vector<1xf32> to vector<1x1xf32>
    %log3A = math.log %broadcast_in_dim3A_1090 : vector<1x1xf32>
    %add3A_1091 = arith.addf %log3A, %broadcast_in_dim3A_1084 : vector<1x1xf32>
    %sub3A_1092 = vector.broadcast %add3A_1091 : vector<1x1xf32> to vector<1x40xf32>
    %sub3A_1093 = arith.subf %add3A_1082, %sub3A_1092 : vector<1x40xf32>
    %swap3A = arith.constant 0 : index
    %swap3A_1094 = arith.constant 0 : index
    %swap3A_1095 = arith.constant 0 : index
    %swap3A_1096 = vector.load %arg11[%swap3A, %swap3A_1094, %swap3A_1095] : memref<1x1x40xf32, #tpu.memory_space<vmem>>, vector<1x1x40xf32>
    %swap3A_1097 = vector.shape_cast %swap3A_1096 : vector<1x1x40xf32> to vector<1x40xf32>
    %swap3A_1098 = vector.shape_cast %sub3A_1093 : vector<1x40xf32> to vector<1x1x40xf32>
    tpu.vector_store %arg11[%swap3A, %swap3A_1094, %swap3A_1095], %swap3A_1098 {strides = array<i32>} : memref<1x1x40xf32, #tpu.memory_space<vmem>>, vector<1x1x40xf32>,
    return
  }
  func.func @transform_0(%arg0: i32) -> (i32, i32, i32) {
    %c0_i32 = arith.constant 0 : i32
    %c0_i32_0 = arith.constant 0 : i32
    %c0_i32_1 = arith.constant 0 : i32
    return %arg0, %c0_i32, %c0_i32_0 : i32, i32, i32
  }
  func.func @transform_1(%arg0: i32) -> (i32, i32, i32) {
    %c0_i32 = arith.constant 0 : i32
    %c0_i32_0 = arith.constant 0 : i32
    %c0_i32_1 = arith.constant 0 : i32
    return %arg0, %c0_i32, %c0_i32_0 : i32, i32, i32
  }
  func.func @transform_2(%arg0: i32) -> (i32, i32) {
    %c0_i32 = arith.constant 0 : i32
    %c0_i32_0 = arith.constant 0 : i32
    %c0_i32_1 = arith.constant 0 : i32
    return %c0_i32, %c0_i32_0 : i32, i32
  }
  func.func @transform_3(%arg0: i32) -> (i32, i32) {
    %c0_i32 = arith.constant 0 : i32
    %c0_i32_0 = arith.constant 0 : i32
    %c0_i32_1 = arith.constant 0 : i32
    return %c0_i32, %c0_i32_0 : i32, i32
  }
  func.func @transform_4(%arg0: i32) -> (i32, i32) {
    %c0_i32 = arith.constant 0 : i32
    %c0_i32_0 = arith.constant 0 : i32
    %c0_i32_1 = arith.constant 0 : i32
    return %c0_i32, %c0_i32_0 : i32, i32
  }
  func.func @transform_5(%arg0: i32) -> (i32, i32) {
    %c0_i32 = arith.constant 0 : i32
    %c0_i32_0 = arith.constant 0 : i32
    %c0_i32_1 = arith.constant 0 : i32
    return %c0_i32, %c0_i32_0 : i32, i32
  }
  func.func @transform_6(%arg0: i32) -> (i32, i32) {
    %c0_i32 = arith.constant 0 : i32
    %c0_i32_0 = arith.constant 0 : i32
    %c0_i32_1 = arith.constant 0 : i32
    return %c0_i32, %c0_i32_0 : i32, i32
  }
  func.func @transform_7(%arg0: i32) -> (i32, i32) {
    %c0_i32 = arith.constant 0 : i32
    %c0_i32_0 = arith.constant 0 : i32
    %c0_i32_1 = arith.constant 0 : i32
    return %c0_i32, %c0_i32_0 : i32, i32
  }
  func.func @transform_8(%arg0: i32) -> (i32, i32) {
    %c0_i32 = arith.constant 0 : i32
    %c0_i32_0 = arith.constant 0 : i32
    %c0_i32_1 = arith.constant 0 : i32
    return %c0_i32, %c0_i32_0 : i32, i32
  }
  func.func @transform_9(%arg0: i32) -> (i32, i32) {
    %c0_i32 = arith.constant 0 : i32
    %c0_i32_0 = arith.constant 0 : i32
    %c0_i32_1 = arith.constant 0 : i32
    return %c0_i32, %c0_i32_0 : i32, i32
  }
  func.func @transform_10(%arg0: i32) -> (i32, i32, i32) {
    %c0_i32 = arith.constant 0 : i32
    %c0_i32_0 = arith.constant 0 : i32
    %c0_i32_1 = arith.constant 0 : i32
    return %arg0, %c0_i32, %c0_i32_0 : i32, i32, i32
  }
}

</mosaic_0001>

<sc_bundles>
// kernel: kernel.10.cloned.1.call-start
scs
__scs_entry_jumppad:
0x0: {  	(pc) =	sbr.rel $0x88, $3  }
0x1: {  	(tag) =	ssettag $0x0;
	lr =	simm.s32 $0x1  }
0x2: {  	[smem:$0x3F96] =	sst lr;
	_ =	strace $0xD0000000  }
0x3: {  	_ = 	snop  }
0x4: {  	_ = 	snop  }
0x5: {  	_ = 	snop  }
0x6: {  	_ = 	snop  }
0x7: {  	_ = 	snop  }
__scs_overlays_trampoline_lowered:
0x8: {  	[smem:$0x3FA5] =	sst s0  }
0x9: {  	[smem:$0x3FA6] =	sst s1  }
0xa: {  	[smem:$0x3FA7] =	sst s2  }
0xb: {  	[smem:$0x3FA8] =	sst s3  }
0xc: {  	[smem:$0x3FA9] =	sst s4  }
0xd: {  	[smem:$0x3FAA] =	sst s5  }
0xe: {  	[smem:$0x3FAB] =	sst s6  }
0xf: {  	[smem:$0x3FAC] =	sst s7  }
0x10: {  	[smem:$0x3FAD] =	sst s8  }
0x11: {  	[smem:$0x3FAE] =	sst s9;
	s0 =	simm.s32 @!p0 $0x0  }
0x12: {  	s1 =	sld [smem:$0x3F94];
	s0 =	simm.s32 @p0 $0x1  }
0x13: {  	[smem:$0x3FAF] =	sst s0;
	s0 =	simm.s32 @!p1 $0x0  }
0x14: {  	s2 =	sld [smem:$0x3F93];
	s0 =	simm.s32 @p1 $0x1  }
0x15: {  	[smem:$0x3FB0] =	sst s0;
	s0 =	simm.s32 @!p2 $0x0  }
0x16: {  	s3 =	sld [smem:$0x3FDB];
	s0 =	simm.s32 @p2 $0x1  }
0x17: {  	s4 =	simm.s32 $0x1BF5;
	[smem:$0x3FB2] =	sst s0  }
0x18: {  	s0 =	sld [smem:$0x3F95];
	_ =	swait.ge [sflag:s4], $0x0  }
0x19: {  	s7 =	sld [smem:$0x3F96]  }
0x1a: {  	s8 =	sadd.s32 $0xFFFFE003, lr  }
0x1b: {  	s9 =	sadd.s32 $0xFFFFFEF7, lr;
	s5 =	simm.s32 $0xFFFFFFFF;
	p2 =	slt.u32 s8, $0xFFFFF086  }
0x1c: {  	p1 =	slt.u32 s9, $0xF7A;
	s5 =	simm.s32 @!p2 $0x0  }
0x1d: {  	s5 =	simm.s32 @p1 $0x1;
	p0 =	seq.s32 s7, s2  }
0x1e: {  	s7 =	smul.u32 @!p0 $0xF7A, s2;
	p2 =	seq.s32 @!p0 s5, $0x0  }
0x1f: {  	s9 =	smul.u32 $0xF7A, s1;
	s8 =	simm.s32 @!p0 $0x1BF5;
	p2 =	por !p2, p0  }
0x20: {  	[sflag:s8] =	ssyncset.s32 @!p0 $0xFFFFF086;
	s6 =	sadd.s32 @!p0 s3, s7;
	s7 =	simm.s32 @!p0 $0x108  }
0x21: {  	s3 =	sadd.s32 s3, s9;
	s6 =	sadd.s32 @!p0 $0x88, s6;
	s7 =	simm.s32 @p2 $0x1082  }
0x22: {  	[simem:s7], [sflag:s8] =	dma.local @!p0 [hbm:s6], $0xF7A  }
0x23: {  	s9 =	sor.u32 $0xD0000000, s2;
	s6 =	simm.s32 $0x108;
	_ =	swait.ge @!p0 [sflag:s8], $0x0  }
0x24: {  	s3 =	sadd.s32 $0x88, s3;
	s6 =	simm.s32 @!p1 $0x1082;
	[sflag:s4] =	ssyncset.s32 $0xFFFFF086  }
0x25: {  	[simem:s6], [sflag:s4] =	dma.local [hbm:s3], $0xF7A  }
0x26: {  	[smem:$0x3F96] =	sst s1;
	(tag) =	ssettag s2;
	_ =	strace s9  }
0x27: {  	s1 =	sld [smem:$0x3FA6]  }
0x28: {  	s2 =	sld [smem:$0x3FA7]  }
0x29: {  	s4 =	sld [smem:$0x3FA9]  }
0x2a: {  	p0 =	seq.s32 s5, $0x0;
	s5 =	sld [smem:$0x3FAA]  }
0x2b: {  	s6 =	sld [smem:$0x3FAB]  }
0x2c: {  	s7 =	sld [smem:$0x3FAC]  }
0x2d: {  	s3 =	simm.s32 $0x108;
	s8 =	sld [smem:$0x3FAD]  }
0x2e: {  	s3 =	simm.s32 @!p0 $0x1082;
	s9 =	sld [smem:$0x3FAE]  }
0x2f: {  	lr =	sadd.s32 s0, s3;
	s0 =	sld [smem:$0x3FA5]  }
0x30: {  	s3 =	sld [smem:$0x3FA8]  }
0x31: {  	[smem:$0x3FB1] =	sst s10  }
0x32: {  	s10 =	sld [smem:$0x3FAF];
	_ =	sdelay $0x3  }
0x33: {  	p0 =	seq.s32 s10, $0x1;
	s10 =	sld [smem:$0x3FB1];
	_ =	sdelay $0x3  }
0x34: {  	[smem:$0x3FB1] =	sst s10  }
0x35: {  	s10 =	sld [smem:$0x3FB0];
	_ =	sdelay $0x3  }
0x36: {  	p1 =	seq.s32 s10, $0x1;
	s10 =	sld [smem:$0x3FB1];
	_ =	sdelay $0x3  }
0x37: {  	[smem:$0x3FB1] =	sst s10  }
0x38: {  	s10 =	sld [smem:$0x3FB2]  }
0x39: {  	_ = 	snop;
	(pc) =	sbr.ind lr, $3  }
0x3a: {  	_ = 	snop  }
0x3b: {  	_ = 	snop  }
0x3c: {  	p2 =	seq.s32 s10, $0x1;
	s10 =	sld [smem:$0x3FB1]  }
0x3d: {  	_ =	shalt  }
0x3e: {  	_ =	shalt  }
0x3f: {  	_ =	shalt  }
0x40: {  	_ =	shalt  }
0x41: {  	_ =	shalt  }
0x42: {  	_ =	shalt  }
0x43: {  	_ =	shalt  }
0x44: {  	_ =	shalt  }
0x45: {  	_ =	shalt  }
0x46: {  	_ =	shalt  }
0x47: {  	_ =	shalt  }
0x48: {  	_ =	shalt  }
0x49: {  	_ =	shalt  }
0x4a: {  	_ =	shalt  }
0x4b: {  	_ =	shalt  }
0x4c: {  	_ =	shalt  }
0x4d: {  	_ =	shalt  }
0x4e: {  	_ =	shalt  }
0x4f: {  	_ =	shalt  }
0x50: {  	_ =	shalt  }
0x51: {  	_ =	shalt  }
0x52: {  	_ =	shalt  }
0x53: {  	_ =	shalt  }
0x54: {  	_ =	shalt  }
0x55: {  	_ =	shalt  }
0x56: {  	_ =	shalt  }
0x57: {  	_ =	shalt  }
0x58: {  	_ =	shalt  }
0x59: {  	_ =	shalt  }
0x5a: {  	_ =	shalt  }
0x5b: {  	_ =	shalt  }
0x5c: {  	_ =	shalt  }
0x5d: {  	_ =	shalt  }
0x5e: {  	_ =	shalt  }
0x5f: {  	_ =	shalt  }
0x60: {  	_ =	shalt  }
0x61: {  	_ =	shalt  }
0x62: {  	_ =	shalt  }
0x63: {  	_ =	shalt  }
0x64: {  	_ =	shalt  }
0x65: {  	_ =	shalt  }
0x66: {  	_ =	shalt  }
0x67: {  	_ =	shalt  }
0x68: {  	_ =	shalt  }
0x69: {  	_ =	shalt  }
0x6a: {  	_ =	shalt  }
0x6b: {  	_ =	shalt  }
0x6c: {  	_ =	shalt  }
0x6d: {  	_ =	shalt  }
0x6e: {  	_ =	shalt  }
0x6f: {  	_ =	shalt  }
0x70: {  	_ =	shalt  }
0x71: {  	_ =	shalt  }
0x72: {  	_ =	shalt  }
0x73: {  	_ =	shalt  }
0x74: {  	_ =	shalt  }
0x75: {  	_ =	shalt  }
0x76: {  	_ =	shalt  }
0x77: {  	_ =	shalt  }
0x78: {  	_ =	shalt  }
0x79: {  	_ =	shalt  }
0x7a: {  	_ =	shalt  }
0x7b: {  	_ =	shalt  }
0x7c: {  	_ =	shalt  }
0x7d: {  	_ =	shalt  }
0x7e: {  	_ =	shalt  }
0x7f: {  	_ =	shalt  }
0x80: {  	_ =	shalt  }
0x81: {  	_ =	shalt  }
0x82: {  	_ =	shalt  }
0x83: {  	_ =	shalt  }
0x84: {  	_ =	shalt  }
0x85: {  	_ =	shalt  }
0x86: {  	_ =	shalt  }
0x87: {  	_ =	shalt  }
.Lfunc_end0:
.L_simem_size_0:
called_computation.1_lowered:
.L_overlay_start_0:
0x88: {  	s2 =	sld [smem:$0x3FD9]  }
0x89: {  	s3 =	sld [smem:$0x3FFE];
	_ =	sdelay $0x1  }
0x8a: {  	s1 =	srdreg.scid  }
0x8b: {  	s0 =	sand.u32 $0x1, s1  }
0x8c: {  	s16 =	sshll.u32 s0, $0xA;
	s2 =	sadd.s32 s3, s2  }
0x8d: {  	s2 =	sadd.s32 s2, s16  }
0x8e: {  	[smem:$0x3FBD] =	sst s2  }
0x8f: {  	_ = 	snop  }
0x90: {  	(tm) =	ssettm $0x1  }
0x91: {  	s17 =	sld [smem:$0x3FFB];
	_ =	sdelay $0x3  }
0x92: {  	_ =	strace s17  }
0x93: {  	s2 =	sld [smem:$0x3FFC];
	_ =	sdelay $0x3  }
0x94: {  	_ =	strace s2  }
0x95: {  	s2 =	sld [smem:$0x3FFD];
	_ =	sdelay $0x3  }
0x96: {  	_ =	strace s2  }
0x97: {  	_ =	strace $0x8FFFFFFF  }
0x98: {  	s18 =	sld [smem:$0x3FDB];
	_ =	sdelay $0x1  }
0x99: {  	s19 =	simm.s32 $_scs_section_size  }
0x9a: {  	s4 =	simm.s32 $_size__tile_overlayer_lowered;
	s5 =	simm.s32 $_tile_overlayer_lowered  }
0x9b: {  	s22 =	simm.s32 $0x1BFF;
	s21 =	sshll.u32 s5, $0x1;
	s2 =	sadd.s32 s19, s18  }
0x9c: {  	s6 =	simm.s32 $0x0;
	s20 =	sshll.u32 s4, $0x1;
	s4 =	sadd.s32 s21, s2  }
0x9d: {  	[timem:s6], [sflag:s22] =	dma.local [hbm:s4], s20  }
0x9e: {  	_ =	swait.ge [sflag:s22], s20  }
0x9f: {  	s3 =	ssub.s32 $0x0, s20;
	[sflag:s22] =	ssyncset.done $0x0  }
0xa0: {  	[sflag:s22] =	ssyncadd.s32 s3;
	_ =	sdelay $0x1  }
0xa1: {  	s23 =	simm.s32 $0x1B8B  }
0xa2: {  	_ =	swait.ge [sflag:s23], $0x1  }
0xa3: {  	[sflag:s23] =	ssyncset.done $0x0  }
0xa4: {  	s25 =	simm.s32 $0x1B8E;
	s24 =	sld [smem:$0x3FFE];
	[sflag:s23] =	ssyncadd.s32 $0xFFFFFFFF  }
0xa5: {  	s26 =	simm.s32 $execute0_lowered;
	[smem:$0x3FD2] =	sst s25  }
0xa6: {  	s4 =	sshll.u32 s26, $0x1;
	_ =	strace $0x80000049;
	[dreg:$0x1] =	wrdreg $0xFFFFFFFF  }
0xa7: {  	s28 =	simm.s32 $_size_execute0_lowered;
	s2 =	sadd.s32 s2, s4;
	[dreg:$0x0] =	wrdreg $0x0  }
0xa8: {  	s4 =	sshll.u32 s28, $0x1;
	[dreg:$0x2] =	wrdreg s2  }
0xa9: {  	[dreg:$0x3] =	wrdreg s4  }
0xaa: {  	[dreg:$0x4] =	wrdreg $0xC0  }
0xab: {  	_ =	task [dreg:s6], $0x5FFFF  }
0xac: {  	[dreg:$0x1] =	wrdreg $0xFFFFFFFF  }
0xad: {  	[dreg:$0x0] =	wrdreg $0x60  }
0xae: {  	[dreg:$0x2] =	wrdreg s24  }
0xaf: {  	[dreg:$0x3] =	wrdreg $0x9  }
0xb0: {  	_ =	task.clear_ibuf [dreg:s6], $0x4FFFF;
	_ =	strace $0x90000049  }
0xb1: {  	s29 =	simm.s32 $0x9;
	_ =	strace $0x8000004B  }
0xb2: {  	_ =	swait.ge [sflag:s29], $0x1  }
0xb3: {  	[sflag:s29] =	ssyncadd.s32 $0xFFFFFFFF  }
0xb4: {  	_ =	strace $0x9000004B  }
0xb5: {  	_ =	sfence  }
0xb6: {  	s30 =	sld [smem:$0x0];
	_ =	sdelay $0x2  }
0xb7: {  	s31 =	sshll.u32 s1, $0xD;
	s1 =	sshrl.u32 s1, $0x2  }
0xb8: {  	s3 =	sand.u32 $0x4000, s31;
	s1 =	sadd.s32 s1, s30  }
0xb9: {  	s0 =	sor.u32 s3, s0;
	s1 =	sshll.u32 s1, $0x11  }
0xba: {  	s0 =	sor.u32 s1, s0  }
0xbb: {  	s0 =	sadd.s32 $0x8F2B, s0  }
0xbc: {  	[sflag:s0] =	ssyncadd.remote.s32 $0x1  }
0xbd: {  	_ =	sfence.sel $0xFFFF  }
0xbe: {  	[dreg:$0x0] =	wrdreg $0xFFFFFFFF;
	(pc) =	sbr.abs _section_cstart, $3  }
0xbf: {  	[dreg:$0x1] =	wrdreg $0xFFFFFFFF  }
0xc0: {  	_ =	task.clear_ibuf [dreg:s6], $0x2FFFF;
	_ =	strace $0x9FFFFFFF  }
0xc1: {  	(tm) =	ssettm $0x7FFFFFFF  }
tec
execute0_lowered:
.L_overlay_start_1:
0x0: {  	(tag) =	ssettag $0x1  }
0x1: {  	s1 =	srdreg.scid  }
0x2: {  	s0 =	stileid.u32;
	s10 =	sand.u32 $0x1, s1  }
0x3: {  	s8 =	rddreg [dreg:$0x0];
	s3 =	sshll.u32 s0, $0xD;
	s4 =	sshll.u32 s10, $0xC  }
0x4: {  	s2 =	simm.s32 $0x0;
	s1 =	rddreg [dreg:$0x1];
	s9 =	sor.u32 s4, s3  }
0x5: {  	[smem:$0x7FF] =	sst s2;
	s11 =	sadd.s32 $0x2400, s8;
	s3 =	sshrl.u32 s9, $0x3  }
0x6: {  	_ =	strace $0x8000004A;
	s4 =	sadd.s32 s11, s3;
	s3 =	simm.s32 $0x2  }
0x7: {  	[tilespmem:s2], [sflag:$0x2] =	stream.linear.gather [hbm4b:s4+s2], $0x800, $0x38;
	[tilespmem:$0x10800] =	vst v63  }
0x8: {  	_ =	swait.ge [sflag:s3], $0x800  }
0x9: {  	s6 =	simm.s32 $0x800;
	[sflag:s3] =	ssyncset.done $0x0  }
0xa: {  	s7 =	simm.s32 $0x1;
	s5 =	sadd.s32 $0x6400, s8;
	[sflag:s3] =	ssyncadd.s32 $0xFFFFF800  }
0xb: {  	[tilespmem:s6], [sflag:$0x1] =	stream.indirect.gather [hbm4b:s5+s6], $0x20, s2, s6, $0xb8;
	[tilespmem:$0x10800] =	vst v63  }
0xc: {  	_ =	swait.ge [sflag:s7], $0x10000  }
0xd: {  	s12 =	sadd.s32 $0xE400, s8;
	s29 =	sshll.u32 s9, $0x2;
	[sflag:s7] =	ssyncset.done $0x0  }
0xe: {  	s8 =	sadd.s32 s12, s29;
	[sflag:s7] =	ssyncadd.s32 $0xFFFF0000  }
0xf: {  	[hbm4b:s8+s2] =	stream.linear.scatter [tilespmem:s6], [sflag:$0x2], $0x10000, $0x38;
	[tilespmem:$0x10800] =	vst v63  }
0x10: {  	s13 =	sor.u32 $0x800, s9;
	_ =	swait.ge [sflag:s3], $0x10000  }
0x11: {  	s9 =	sshrl.u32 s13, $0x3;
	[sflag:s3] =	ssyncset.done $0x0  }
0x12: {  	s10 =	ssub.s32 $0x2, s10;
	s9 =	sadd.s32 s11, s9;
	[sflag:s3] =	ssyncadd.s32 $0xFFFF0000  }
0x13: {  	[tilespmem:s2], [sflag:$0x2] =	stream.linear.gather [hbm4b:s9+s2], $0x800, $0x38;
	[tilespmem:$0x10800] =	vst v63  }
0x14: {  	s30 =	sshrl.u32 s10, $0x1;
	_ =	swait.ge [sflag:s3], $0x800  }
0x15: {  	s11 =	ssub.s32 s10, s30;
	[sflag:s3] =	ssyncset.done $0x0  }
0x16: {  	s11 =	smax.u32 s11, $0x1;
	[sflag:s3] =	ssyncadd.s32 $0xFFFFF800  }
0x17: {  	[tilespmem:s6], [sflag:$0x1] =	stream.indirect.gather [hbm4b:s5+s6], $0x20, s2, s6, $0xb8;
	[tilespmem:$0x10800] =	vst v63  }
0x18: {  	p0 =	sne.s32 s11, $0x1;
	_ =	swait.ge [sflag:s7], $0x10000  }
.Ltmp0:
0x19: {  	s31 =	sshll.u32 s13, $0x2;
	[sflag:s7] =	ssyncset.done $0x0;
	(pc) =	sbr.rel @!p0 .LBB2_2-.Ltmp0, $4  }
0x1a: {  	s10 =	sadd.s32 s12, s31;
	[sflag:s7] =	ssyncadd.s32 $0xFFFF0000  }
0x1b: {  	[hbm4b:s10+s2] =	stream.linear.scatter [tilespmem:s6], [sflag:$0x2], $0x10000, $0x38;
	[tilespmem:$0x10800] =	vst v63  }
0x1c: {  	_ =	swait.ge [sflag:s3], $0x10000  }
0x1d: {  	s11 =	sadd.s32 $0xFFFFFFFF, s11;
	[sflag:s3] =	ssyncset.done $0x0  }
.LBB2_1:
0x1e: {  	p0 =	sne.s32 s11, $0x1;
	s11 =	sadd.s32 $0xFFFFFFFF, s11;
	[sflag:s3] =	ssyncadd.s32 $0xFFFF0000  }
0x1f: {  	[tilespmem:s2], [sflag:$0x2] =	stream.linear.gather [hbm4b:s4+s2], $0x800, $0x38;
	[tilespmem:$0x10800] =	vst v63  }
0x20: {  	_ =	swait.ge [sflag:s3], $0x800  }
0x21: {  	[sflag:s3] =	ssyncset.done $0x0  }
0x22: {  	[sflag:s3] =	ssyncadd.s32 $0xFFFFF800  }
0x23: {  	[tilespmem:s6], [sflag:$0x1] =	stream.indirect.gather [hbm4b:s5+s6], $0x20, s2, s6, $0xb8;
	[tilespmem:$0x10800] =	vst v63  }
0x24: {  	_ =	swait.ge [sflag:s7], $0x10000  }
0x25: {  	[sflag:s7] =	ssyncset.done $0x0  }
0x26: {  	[sflag:s7] =	ssyncadd.s32 $0xFFFF0000  }
0x27: {  	[hbm4b:s8+s2] =	stream.linear.scatter [tilespmem:s6], [sflag:$0x2], $0x10000, $0x38;
	[tilespmem:$0x10800] =	vst v63  }
0x28: {  	_ =	swait.ge [sflag:s3], $0x10000  }
0x29: {  	[sflag:s3] =	ssyncset.done $0x0  }
0x2a: {  	[sflag:s3] =	ssyncadd.s32 $0xFFFF0000  }
0x2b: {  	[tilespmem:s2], [sflag:$0x2] =	stream.linear.gather [hbm4b:s9+s2], $0x800, $0x38;
	[tilespmem:$0x10800] =	vst v63  }
0x2c: {  	_ =	swait.ge [sflag:s3], $0x800  }
0x2d: {  	[sflag:s3] =	ssyncset.done $0x0  }
0x2e: {  	[sflag:s3] =	ssyncadd.s32 $0xFFFFF800  }
0x2f: {  	[tilespmem:s6], [sflag:$0x1] =	stream.indirect.gather [hbm4b:s5+s6], $0x20, s2, s6, $0xb8;
	[tilespmem:$0x10800] =	vst v63  }
0x30: {  	_ =	swait.ge [sflag:s7], $0x10000  }
.Ltmp1:
0x31: {  	[sflag:s7] =	ssyncset.done $0x0;
	(pc) =	sbr.rel @p0 .LBB2_1-.Ltmp1, $4  }
0x32: {  	[sflag:s7] =	ssyncadd.s32 $0xFFFF0000  }
0x33: {  	[hbm4b:s10+s2] =	stream.linear.scatter [tilespmem:s6], [sflag:$0x2], $0x10000, $0x38;
	[tilespmem:$0x10800] =	vst v63  }
0x34: {  	_ =	swait.ge [sflag:s3], $0x10000  }
0x35: {  	[sflag:s3] =	ssyncset.done $0x0  }
.LBB2_2:
0x36: {  	[sflag:s3] =	ssyncadd.s32 $0xFFFF0000  }
0x37: {  	_ =	sfence.sel $0x180000  }
0x38: {  	[bflag:$0x0] =	sbarrier.arrive $0xFFFF  }
0x39: {  	p0 =	sne.s32 s0, $0x0;
	_ =	strace $0x9000004A  }
0x3a: {  	s0 =	sadd.s32 @!p0 $0x100000, s1;
	[bflag:$0x2] =	sbarrier.arrive $0xFFFF  }
0x3b: {  	[sflag:s0] =	ssyncadd.tile.s32 @!p0 $0x1;
	_ =	shalt  }
.Lfunc_end2:
_tile_overlayer_lowered:
.L_overlay_start_2:
0x3c: {  	(tag) =	ssettag $0x2  }
0x3d: {  	s0 =	rddreg [dreg:$0x0];
	s2 =	stileid.u32  }
0x3e: {  	s1 =	rddreg [dreg:$0x1];
	p0 =	sne.s32 s2, $0x0  }
0x3f: {  	s3 =	rddreg [dreg:$0x2];
	[bflag:$0x3] =	sbarrier.arrive $0xFFFF;
	s2 =	simm.s32 @!p0 $0x1C02  }
0x40: {  	[timem:s3], [sflag:s2] =	dma.local @!p0 [hbm:s0], s1  }
0x41: {  	s0 =	simm.s32 @!p0 $0x2  }
0x42: {  	_ =	swait.ge @!p0 [sflag:s0], s1  }
0x43: {  	s1 =	ssub.s32 @!p0 $0x0, s1;
	[sflag:s0] =	ssyncset.done @!p0 $0x0  }
0x44: {  	[sflag:s0] =	ssyncadd.s32 @!p0 s1  }
0x45: {  	[bflag:$0x3] =	sbarrier.arrive $0xFFFF  }
0x46: {  	_ =	shalt  }

// kernel: kernel.7.cloned.1.call-start
scs
__scs_entry_jumppad:
0x0: {  	(pc) =	sbr.rel $0x88, $3  }
0x1: {  	(tag) =	ssettag $0x0;
	lr =	simm.s32 $0x1  }
0x2: {  	[smem:$0x3F96] =	sst lr;
	_ =	strace $0xD0000000  }
0x3: {  	_ = 	snop  }
0x4: {  	_ = 	snop  }
0x5: {  	_ = 	snop  }
0x6: {  	_ = 	snop  }
0x7: {  	_ = 	snop  }
__scs_overlays_trampoline_lowered:
0x8: {  	[smem:$0x3FA5] =	sst s0  }
0x9: {  	[smem:$0x3FA6] =	sst s1  }
0xa: {  	[smem:$0x3FA7] =	sst s2  }
0xb: {  	[smem:$0x3FA8] =	sst s3  }
0xc: {  	[smem:$0x3FA9] =	sst s4  }
0xd: {  	[smem:$0x3FAA] =	sst s5  }
0xe: {  	[smem:$0x3FAB] =	sst s6  }
0xf: {  	[smem:$0x3FAC] =	sst s7  }
0x10: {  	[smem:$0x3FAD] =	sst s8  }
0x11: {  	[smem:$0x3FAE] =	sst s9;
	s0 =	simm.s32 @!p0 $0x0  }
0x12: {  	s1 =	sld [smem:$0x3F94];
	s0 =	simm.s32 @p0 $0x1  }
0x13: {  	[smem:$0x3FAF] =	sst s0;
	s0 =	simm.s32 @!p1 $0x0  }
0x14: {  	s2 =	sld [smem:$0x3F93];
	s0 =	simm.s32 @p1 $0x1  }
0x15: {  	[smem:$0x3FB0] =	sst s0;
	s0 =	simm.s32 @!p2 $0x0  }
0x16: {  	s3 =	sld [smem:$0x3FDB];
	s0 =	simm.s32 @p2 $0x1  }
0x17: {  	s4 =	simm.s32 $0x1BF5;
	[smem:$0x3FB2] =	sst s0  }
0x18: {  	s0 =	sld [smem:$0x3F95];
	_ =	swait.ge [sflag:s4], $0x0  }
0x19: {  	s7 =	sld [smem:$0x3F96]  }
0x1a: {  	s8 =	sadd.s32 $0xFFFFE003, lr  }
0x1b: {  	s9 =	sadd.s32 $0xFFFFFEF7, lr;
	s5 =	simm.s32 $0xFFFFFFFF;
	p2 =	slt.u32 s8, $0xFFFFF086  }
0x1c: {  	p1 =	slt.u32 s9, $0xF7A;
	s5 =	simm.s32 @!p2 $0x0  }
0x1d: {  	s5 =	simm.s32 @p1 $0x1;
	p0 =	seq.s32 s7, s2  }
0x1e: {  	s7 =	smul.u32 @!p0 $0xF7A, s2;
	p2 =	seq.s32 @!p0 s5, $0x0  }
0x1f: {  	s9 =	smul.u32 $0xF7A, s1;
	s8 =	simm.s32 @!p0 $0x1BF5;
	p2 =	por !p2, p0  }
0x20: {  	[sflag:s8] =	ssyncset.s32 @!p0 $0xFFFFF086;
	s6 =	sadd.s32 @!p0 s3, s7;
	s7 =	simm.s32 @!p0 $0x108  }
0x21: {  	s3 =	sadd.s32 s3, s9;
	s6 =	sadd.s32 @!p0 $0x88, s6;
	s7 =	simm.s32 @p2 $0x1082  }
0x22: {  	[simem:s7], [sflag:s8] =	dma.local @!p0 [hbm:s6], $0xF7A  }
0x23: {  	s9 =	sor.u32 $0xD0000000, s2;
	s6 =	simm.s32 $0x108;
	_ =	swait.ge @!p0 [sflag:s8], $0x0  }
0x24: {  	s3 =	sadd.s32 $0x88, s3;
	s6 =	simm.s32 @!p1 $0x1082;
	[sflag:s4] =	ssyncset.s32 $0xFFFFF086  }
0x25: {  	[simem:s6], [sflag:s4] =	dma.local [hbm:s3], $0xF7A  }
0x26: {  	[smem:$0x3F96] =	sst s1;
	(tag) =	ssettag s2;
	_ =	strace s9  }
0x27: {  	s1 =	sld [smem:$0x3FA6]  }
0x28: {  	s2 =	sld [smem:$0x3FA7]  }
0x29: {  	s4 =	sld [smem:$0x3FA9]  }
0x2a: {  	p0 =	seq.s32 s5, $0x0;
	s5 =	sld [smem:$0x3FAA]  }
0x2b: {  	s6 =	sld [smem:$0x3FAB]  }
0x2c: {  	s7 =	sld [smem:$0x3FAC]  }
0x2d: {  	s3 =	simm.s32 $0x108;
	s8 =	sld [smem:$0x3FAD]  }
0x2e: {  	s3 =	simm.s32 @!p0 $0x1082;
	s9 =	sld [smem:$0x3FAE]  }
0x2f: {  	lr =	sadd.s32 s0, s3;
	s0 =	sld [smem:$0x3FA5]  }
0x30: {  	s3 =	sld [smem:$0x3FA8]  }
0x31: {  	[smem:$0x3FB1] =	sst s10  }
0x32: {  	s10 =	sld [smem:$0x3FAF];
	_ =	sdelay $0x3  }
0x33: {  	p0 =	seq.s32 s10, $0x1;
	s10 =	sld [smem:$0x3FB1];
	_ =	sdelay $0x3  }
0x34: {  	[smem:$0x3FB1] =	sst s10  }
0x35: {  	s10 =	sld [smem:$0x3FB0];
	_ =	sdelay $0x3  }
0x36: {  	p1 =	seq.s32 s10, $0x1;
	s10 =	sld [smem:$0x3FB1];
	_ =	sdelay $0x3  }
0x37: {  	[smem:$0x3FB1] =	sst s10  }
0x38: {  	s10 =	sld [smem:$0x3FB2]  }
0x39: {  	_ = 	snop;
	(pc) =	sbr.ind lr, $3  }
0x3a: {  	_ = 	snop  }
0x3b: {  	_ = 	snop  }
0x3c: {  	p2 =	seq.s32 s10, $0x1;
	s10 =	sld [smem:$0x3FB1]  }
0x3d: {  	_ =	shalt  }
0x3e: {  	_ =	shalt  }
0x3f: {  	_ =	shalt  }
0x40: {  	_ =	shalt  }
0x41: {  	_ =	shalt  }
0x42: {  	_ =	shalt  }
0x43: {  	_ =	shalt  }
0x44: {  	_ =	shalt  }
0x45: {  	_ =	shalt  }
0x46: {  	_ =	shalt  }
0x47: {  	_ =	shalt  }
0x48: {  	_ =	shalt  }
0x49: {  	_ =	shalt  }
0x4a: {  	_ =	shalt  }
0x4b: {  	_ =	shalt  }
0x4c: {  	_ =	shalt  }
0x4d: {  	_ =	shalt  }
0x4e: {  	_ =	shalt  }
0x4f: {  	_ =	shalt  }
0x50: {  	_ =	shalt  }
0x51: {  	_ =	shalt  }
0x52: {  	_ =	shalt  }
0x53: {  	_ =	shalt  }
0x54: {  	_ =	shalt  }
0x55: {  	_ =	shalt  }
0x56: {  	_ =	shalt  }
0x57: {  	_ =	shalt  }
0x58: {  	_ =	shalt  }
0x59: {  	_ =	shalt  }
0x5a: {  	_ =	shalt  }
0x5b: {  	_ =	shalt  }
0x5c: {  	_ =	shalt  }
0x5d: {  	_ =	shalt  }
0x5e: {  	_ =	shalt  }
0x5f: {  	_ =	shalt  }
0x60: {  	_ =	shalt  }
0x61: {  	_ =	shalt  }
0x62: {  	_ =	shalt  }
0x63: {  	_ =	shalt  }
0x64: {  	_ =	shalt  }
0x65: {  	_ =	shalt  }
0x66: {  	_ =	shalt  }
0x67: {  	_ =	shalt  }
0x68: {  	_ =	shalt  }
0x69: {  	_ =	shalt  }
0x6a: {  	_ =	shalt  }
0x6b: {  	_ =	shalt  }
0x6c: {  	_ =	shalt  }
0x6d: {  	_ =	shalt  }
0x6e: {  	_ =	shalt  }
0x6f: {  	_ =	shalt  }
0x70: {  	_ =	shalt  }
0x71: {  	_ =	shalt  }
0x72: {  	_ =	shalt  }
0x73: {  	_ =	shalt  }
0x74: {  	_ =	shalt  }
0x75: {  	_ =	shalt  }
0x76: {  	_ =	shalt  }
0x77: {  	_ =	shalt  }
0x78: {  	_ =	shalt  }
0x79: {  	_ =	shalt  }
0x7a: {  	_ =	shalt  }
0x7b: {  	_ =	shalt  }
0x7c: {  	_ =	shalt  }
0x7d: {  	_ =	shalt  }
0x7e: {  	_ =	shalt  }
0x7f: {  	_ =	shalt  }
0x80: {  	_ =	shalt  }
0x81: {  	_ =	shalt  }
0x82: {  	_ =	shalt  }
0x83: {  	_ =	shalt  }
0x84: {  	_ =	shalt  }
0x85: {  	_ =	shalt  }
0x86: {  	_ =	shalt  }
0x87: {  	_ =	shalt  }
.Lfunc_end0:
.L_simem_size_0:
called_computation_lowered:
.L_overlay_start_0:
0x88: {  	s2 =	sld [smem:$0x3FD9]  }
0x89: {  	s3 =	sld [smem:$0x3FFE];
	_ =	sdelay $0x1  }
0x8a: {  	s1 =	srdreg.scid  }
0x8b: {  	s0 =	sand.u32 $0x1, s1  }
0x8c: {  	s16 =	sshll.u32 s0, $0xA;
	s2 =	sadd.s32 s3, s2  }
0x8d: {  	s2 =	sadd.s32 s2, s16  }
0x8e: {  	[smem:$0x3FBD] =	sst s2  }
0x8f: {  	_ = 	snop  }
0x90: {  	(tm) =	ssettm $0x1  }
0x91: {  	s17 =	sld [smem:$0x3FFB];
	_ =	sdelay $0x3  }
0x92: {  	_ =	strace s17  }
0x93: {  	s2 =	sld [smem:$0x3FFC];
	_ =	sdelay $0x3  }
0x94: {  	_ =	strace s2  }
0x95: {  	s2 =	sld [smem:$0x3FFD];
	_ =	sdelay $0x3  }
0x96: {  	_ =	strace s2  }
0x97: {  	_ =	strace $0x8FFFFFFF  }
0x98: {  	s18 =	sld [smem:$0x3FDB];
	_ =	sdelay $0x1  }
0x99: {  	s19 =	simm.s32 $_scs_section_size  }
0x9a: {  	s4 =	simm.s32 $_size__tile_overlayer_lowered;
	s5 =	simm.s32 $_tile_overlayer_lowered  }
0x9b: {  	s22 =	simm.s32 $0x1BFF;
	s21 =	sshll.u32 s5, $0x1;
	s2 =	sadd.s32 s19, s18  }
0x9c: {  	s6 =	simm.s32 $0x0;
	s20 =	sshll.u32 s4, $0x1;
	s4 =	sadd.s32 s21, s2  }
0x9d: {  	[timem:s6], [sflag:s22] =	dma.local [hbm:s4], s20  }
0x9e: {  	_ =	swait.ge [sflag:s22], s20  }
0x9f: {  	s3 =	ssub.s32 $0x0, s20;
	[sflag:s22] =	ssyncset.done $0x0  }
0xa0: {  	[sflag:s22] =	ssyncadd.s32 s3;
	_ =	sdelay $0x1  }
0xa1: {  	s23 =	simm.s32 $0x1B8B  }
0xa2: {  	_ =	swait.ge [sflag:s23], $0x1  }
0xa3: {  	[sflag:s23] =	ssyncset.done $0x0  }
0xa4: {  	s25 =	simm.s32 $0x1B8E;
	s24 =	sld [smem:$0x3FFE];
	[sflag:s23] =	ssyncadd.s32 $0xFFFFFFFF  }
0xa5: {  	s26 =	simm.s32 $execute0_lowered;
	[smem:$0x3FD2] =	sst s25  }
0xa6: {  	s4 =	sshll.u32 s26, $0x1;
	_ =	strace $0x80000046;
	[dreg:$0x1] =	wrdreg $0xFFFFFFFF  }
0xa7: {  	s28 =	simm.s32 $_size_execute0_lowered;
	s2 =	sadd.s32 s2, s4;
	[dreg:$0x0] =	wrdreg $0x0  }
0xa8: {  	s4 =	sshll.u32 s28, $0x1;
	[dreg:$0x2] =	wrdreg s2  }
0xa9: {  	[dreg:$0x3] =	wrdreg s4  }
0xaa: {  	[dreg:$0x4] =	wrdreg $0xC0  }
0xab: {  	_ =	task [dreg:s6], $0x5FFFF  }
0xac: {  	[dreg:$0x1] =	wrdreg $0xFFFFFFFF  }
0xad: {  	[dreg:$0x0] =	wrdreg $0x60  }
0xae: {  	[dreg:$0x2] =	wrdreg s24  }
0xaf: {  	[dreg:$0x3] =	wrdreg $0x9  }
0xb0: {  	_ =	task.clear_ibuf [dreg:s6], $0x4FFFF;
	_ =	strace $0x90000046  }
0xb1: {  	s29 =	simm.s32 $0x9;
	_ =	strace $0x80000048  }
0xb2: {  	_ =	swait.ge [sflag:s29], $0x1  }
0xb3: {  	[sflag:s29] =	ssyncadd.s32 $0xFFFFFFFF  }
0xb4: {  	_ =	strace $0x90000048  }
0xb5: {  	_ =	sfence  }
0xb6: {  	s30 =	sld [smem:$0x0];
	_ =	sdelay $0x2  }
0xb7: {  	s31 =	sshll.u32 s1, $0xD;
	s1 =	sshrl.u32 s1, $0x2  }
0xb8: {  	s3 =	sand.u32 $0x4000, s31;
	s1 =	sadd.s32 s1, s30  }
0xb9: {  	s0 =	sor.u32 s3, s0;
	s1 =	sshll.u32 s1, $0x11  }
0xba: {  	s0 =	sor.u32 s1, s0  }
0xbb: {  	s0 =	sadd.s32 $0x8F2B, s0  }
0xbc: {  	[sflag:s0] =	ssyncadd.remote.s32 $0x1  }
0xbd: {  	_ =	sfence.sel $0xFFFF  }
0xbe: {  	[dreg:$0x0] =	wrdreg $0xFFFFFFFF;
	(pc) =	sbr.abs _section_cstart, $3  }
0xbf: {  	[dreg:$0x1] =	wrdreg $0xFFFFFFFF  }
0xc0: {  	_ =	task.clear_ibuf [dreg:s6], $0x2FFFF;
	_ =	strace $0x9FFFFFFF  }
0xc1: {  	(tm) =	ssettm $0x7FFFFFFF  }
tec
execute0_lowered:
.L_overlay_start_1:
0x0: {  	(tag) =	ssettag $0x1  }
0x1: {  	s1 =	srdreg.scid  }
0x2: {  	s0 =	stileid.u32;
	s6 =	sand.u32 $0x1, s1  }
0x3: {  	s8 =	rddreg [dreg:$0x0];
	s30 =	sshll.u32 s0, $0xD;
	s2 =	sshll.u32 s6, $0xC  }
0x4: {  	s7 =	simm.s32 $0x1;
	s1 =	rddreg [dreg:$0x1];
	s9 =	sor.u32 s2, s30  }
0x5: {  	s5 =	sadd.s32 $0x6400, s8;
	s2 =	simm.s32 $0x0;
	s3 =	sshrl.u32 s9, $0x3  }
0x6: {  	s10 =	ssub.s32 $0x2, s6;
	[smem:$0x7FF] =	sst s2;
	s3 =	sadd.s32 s3, s8  }
0x7: {  	_ =	strace $0x80000047;
	s4 =	sadd.s32 $0x2400, s3;
	s3 =	simm.s32 $0x2  }
0x8: {  	[tilespmem:s2], [sflag:$0x2] =	stream.linear.gather [hbm4b:s4+s2], $0x1000, $0x38;
	[tilespmem:$0x11000] =	vst v63  }
0x9: {  	s6 =	simm.s32 $0x1000;
	s11 =	sshrl.u32 s10, $0x1;
	_ =	swait.ge [sflag:s3], $0x1000  }
0xa: {  	s9 =	sshll.u32 s9, $0x1;
	s31 =	ssub.s32 s10, s11;
	[sflag:s3] =	ssyncset.done $0x0  }
0xb: {  	s8 =	sadd.s32 s9, s8;
	s9 =	smax.u32 s31, $0x1;
	[sflag:s3] =	ssyncadd.s32 $0xFFFFF000  }
0xc: {  	[tilespmem:s6], [sflag:$0x1] =	stream.indirect.gather [hbm4b:s5+s6], $0x10, s2, s6, $0xb8;
	[tilespmem:$0x11000] =	vst v63  }
0xd: {  	p0 =	sne.s32 s9, $0x1;
	_ =	swait.ge [sflag:s7], $0x10000  }
.Ltmp0:
0xe: {  	[sflag:s7] =	ssyncset.done $0x0;
	(pc) =	sbr.rel @!p0 .LBB2_2-.Ltmp0, $4  }
0xf: {  	s8 =	sadd.s32 $0xA400, s8;
	[sflag:s7] =	ssyncadd.s32 $0xFFFF0000  }
0x10: {  	[hbm4b:s8+s2] =	stream.linear.scatter [tilespmem:s6], [sflag:$0x2], $0x10000, $0x38;
	[tilespmem:$0x11000] =	vst v63  }
0x11: {  	_ =	swait.ge [sflag:s3], $0x10000  }
0x12: {  	s9 =	sadd.s32 $0xFFFFFFFF, s9;
	[sflag:s3] =	ssyncset.done $0x0  }
.LBB2_1:
0x13: {  	p0 =	sne.s32 s9, $0x1;
	s9 =	sadd.s32 $0xFFFFFFFF, s9;
	[sflag:s3] =	ssyncadd.s32 $0xFFFF0000  }
0x14: {  	[tilespmem:s2], [sflag:$0x2] =	stream.linear.gather [hbm4b:s4+s2], $0x1000, $0x38;
	[tilespmem:$0x11000] =	vst v63  }
0x15: {  	_ =	swait.ge [sflag:s3], $0x1000  }
0x16: {  	[sflag:s3] =	ssyncset.done $0x0  }
0x17: {  	[sflag:s3] =	ssyncadd.s32 $0xFFFFF000  }
0x18: {  	[tilespmem:s6], [sflag:$0x1] =	stream.indirect.gather [hbm4b:s5+s6], $0x10, s2, s6, $0xb8;
	[tilespmem:$0x11000] =	vst v63  }
0x19: {  	_ =	swait.ge [sflag:s7], $0x10000  }
.Ltmp1:
0x1a: {  	[sflag:s7] =	ssyncset.done $0x0;
	(pc) =	sbr.rel @p0 .LBB2_1-.Ltmp1, $4  }
0x1b: {  	[sflag:s7] =	ssyncadd.s32 $0xFFFF0000  }
0x1c: {  	[hbm4b:s8+s2] =	stream.linear.scatter [tilespmem:s6], [sflag:$0x2], $0x10000, $0x38;
	[tilespmem:$0x11000] =	vst v63  }
0x1d: {  	_ =	swait.ge [sflag:s3], $0x10000  }
0x1e: {  	[sflag:s3] =	ssyncset.done $0x0  }
.LBB2_2:
0x1f: {  	[sflag:s3] =	ssyncadd.s32 $0xFFFF0000  }
0x20: {  	_ =	sfence.sel $0x180000  }
0x21: {  	[bflag:$0x0] =	sbarrier.arrive $0xFFFF  }
0x22: {  	p0 =	sne.s32 s0, $0x0;
	_ =	strace $0x90000047  }
0x23: {  	s0 =	sadd.s32 @!p0 $0x100000, s1;
	[bflag:$0x2] =	sbarrier.arrive $0xFFFF  }
0x24: {  	[sflag:s0] =	ssyncadd.tile.s32 @!p0 $0x1;
	_ =	shalt  }
.Lfunc_end2:
_tile_overlayer_lowered:
.L_overlay_start_2:
0x25: {  	(tag) =	ssettag $0x2  }
0x26: {  	s0 =	rddreg [dreg:$0x0];
	s2 =	stileid.u32  }
0x27: {  	s1 =	rddreg [dreg:$0x1];
	p0 =	sne.s32 s2, $0x0  }
0x28: {  	s3 =	rddreg [dreg:$0x2];
	[bflag:$0x3] =	sbarrier.arrive $0xFFFF;
	s2 =	simm.s32 @!p0 $0x1C02  }
0x29: {  	[timem:s3], [sflag:s2] =	dma.local @!p0 [hbm:s0], s1  }
0x2a: {  	s0 =	simm.s32 @!p0 $0x2  }
0x2b: {  	_ =	swait.ge @!p0 [sflag:s0], s1  }
0x2c: {  	s1 =	ssub.s32 @!p0 $0x0, s1;
	[sflag:s0] =	ssyncset.done @!p0 $0x0  }
0x2d: {  	[sflag:s0] =	ssyncadd.s32 @!p0 s1  }
0x2e: {  	[bflag:$0x3] =	sbarrier.arrive $0xFFFF  }
0x2f: {  	_ =	shalt  }

</sc_bundles>
